<compile_context>
chip_gen: v7x
topology: tpu7x:2x2x1
jax: 0.10.2.dev20260603
libtpu: 0.0.44.dev20260713+nightly
codegen_flags: <defaults>
</compile_context>

<pallas_src>
import jax
import jax.numpy as jnp
from jax import lax
from jax.experimental import pallas as pl
from jax.experimental.pallas import tpu as pltpu
from jax.experimental.pallas import tpu_sc as plsc

NUM_CLASSES = 10000
FEATURE_DIM = 512
BATCH = 4096

NC = 2
NS = 16
L = 16
NW = NC * NS
ROWS_PER_W = BATCH // NW
CHUNK = 32
CHUNK_SIZES = (16, 16, 32, 32, 32)
CHUNK_OFFS = (0, 16, 32, 64, 96)
NCHUNK = len(CHUNK_SIZES)
SLICES = FEATURE_DIM // L
NBUF = 3


def _body(feat_hbm, labels_hbm, cent_hbm, out_hbm,
          idx_v, fb0, fb1, fb2, cb0, cb1, cb2, res_v,
          sem_f0, sem_f1, sem_f2, sem_c0, sem_c1, sem_c2):
  wid = lax.axis_index("s") * NC + lax.axis_index("c")
  base = wid * ROWS_PER_W

  fbufs = (fb0, fb1, fb2)
  cbufs = (cb0, cb1, cb2)
  fsems = (sem_f0, sem_f1, sem_f2)
  csems = (sem_c0, sem_c1, sem_c2)

  def start_feat(g):
    s = g % NBUF
    n = CHUNK_SIZES[g]
    return pltpu.async_copy(
        feat_hbm.at[pl.ds(base + CHUNK_OFFS[g], n), :],
        fbufs[s].at[pl.ds(0, n), :], fsems[s])

  def start_cent(g):
    s = g % NBUF
    n = CHUNK_SIZES[g]
    return pltpu.async_copy(
        cent_hbm.at[idx_v.at[pl.ds(CHUNK_OFFS[g], n)]],
        cbufs[s].at[pl.ds(0, n), :], csems[s])

  def start(g):
    return start_feat(g), start_cent(g)

  NA = 4

  def accumulate(fb, cb, nrows, accs):
    def row_body(r, a):
      a = list(a)
      for j in range(SLICES):
        f = fb[r, pl.ds(j * L, L)]
        c = cb[r, pl.ds(j * L, L)]
        d = f - c
        a[j % NA] = a[j % NA] + d * d
      return tuple(a)
    return plsc.parallel_loop(0, nrows, unroll=2, carry=accs)(row_body)

  accs = tuple(jnp.zeros((L,), jnp.float32) for _ in range(NA))
  handles = {0: (start_feat(0), None)}
  pltpu.sync_copy(labels_hbm.at[pl.ds(base, 16)], idx_v.at[pl.ds(0, 16)])
  handles[0] = (handles[0][0], start_cent(0))
  pltpu.sync_copy(labels_hbm.at[pl.ds(base + 16, ROWS_PER_W - 16)],
                  idx_v.at[pl.ds(16, ROWS_PER_W - 16)])

  def ensure(k):
    if 0 <= k < NCHUNK and k not in handles:
      handles[k] = start(k)

  ensure(1)
  for g in range(NCHUNK):
    ensure(g + 2)
    handles[g][0].wait()
    handles[g][1].wait()
    accs = accumulate(fbufs[g % NBUF], cbufs[g % NBUF], CHUNK_SIZES[g], accs)

  acc = accs[0]
  for a in accs[1:]:
    acc = acc + a
  res_v[...] = acc
  pltpu.sync_copy(res_v, out_hbm.at[wid])


@jax.jit
def _center_loss(features, labels, centers):
  labels2 = labels.astype(jnp.int32)
  mesh = plsc.VectorSubcoreMesh(core_axis_name="c", subcore_axis_name="s")
  run = pl.kernel(
      _body,
      out_type=jax.ShapeDtypeStruct((NW, L), jnp.float32),
      mesh=mesh,
      scratch_types=[
          pltpu.VMEM((ROWS_PER_W,), jnp.int32),
          pltpu.VMEM((CHUNK, FEATURE_DIM), jnp.float32),
          pltpu.VMEM((CHUNK, FEATURE_DIM), jnp.float32),
          pltpu.VMEM((CHUNK, FEATURE_DIM), jnp.float32),
          pltpu.VMEM((CHUNK, FEATURE_DIM), jnp.float32),
          pltpu.VMEM((CHUNK, FEATURE_DIM), jnp.float32),
          pltpu.VMEM((CHUNK, FEATURE_DIM), jnp.float32),
          pltpu.VMEM((L,), jnp.float32),
          pltpu.SemaphoreType.DMA,
          pltpu.SemaphoreType.DMA,
          pltpu.SemaphoreType.DMA,
          pltpu.SemaphoreType.DMA,
          pltpu.SemaphoreType.DMA,
          pltpu.SemaphoreType.DMA,
      ],
  )
  partials = run(features, labels2, centers)
  return jnp.sum(partials) / jnp.float32(BATCH * FEATURE_DIM)


def kernel(features, labels, centers):
  return _center_loss(features, labels, centers)

# --- scband reference (transcript-rebuilt; emitter-appended) ---
"""Pipeline reference for scband-center-loss-37254546325895 (READ-ONLY COPY).

The authoritative reference and input builder live on the scoring server;
editing this copy changes nothing except your own understanding.
"""

import jax, jax.numpy as jnp
import numpy as np

NUM_CLASSES = 10000
FEATURE_DIM = 512
BATCH = 4096


def setup_inputs(seed: int = 0) -> dict:
    key = jax.random.key(seed)
    k1, k2, k3 = jax.random.split(key, 3)
    features = jax.random.normal(k1, (BATCH, FEATURE_DIM), dtype=jnp.float32)
    labels = jax.random.randint(k2, (BATCH,), 0, NUM_CLASSES, dtype=jnp.int64)
    centers = jax.random.normal(k3, (NUM_CLASSES, FEATURE_DIM), dtype=jnp.float32)
    return {"features": features, "labels": labels, "centers": centers}


def reference(features, labels, centers):
    # centers_batch = centers[labels]  (gather by class id)
    centers_batch = jnp.take(centers, labels, axis=0)
    # F.mse_loss default reduction='mean' over all elements
    diff = features - centers_batch
    loss = jnp.mean(diff * diff)
    return loss

if __name__ == "__main__":
    import jax
    _d = setup_inputs()
    print(jax.jit(kernel)(*tuple(_d.values())))

</pallas_src>

<mosaic_0001>
#map = affine_map<(d0, d1) -> (0, 0)>
#map1 = affine_map<(d0, d1) -> (0)>
module attributes {stable_mosaic.version = 14 : i64} {
  func.func @_body(%arg0: i32, %arg1: i32, %arg2: memref<4096x512xf32, #tpu.memory_space<hbm>>, %arg3: memref<4096xi32, #tpu.memory_space<hbm>>, %arg4: memref<10000x512xf32, #tpu.memory_space<hbm>>, %arg5: memref<32x16xf32, #tpu.memory_space<hbm>>, %arg6: memref<128xi32, #tpu.memory_space<vmem>>, %arg7: memref<32x512xf32, #tpu.memory_space<vmem>>, %arg8: memref<32x512xf32, #tpu.memory_space<vmem>>, %arg9: memref<32x512xf32, #tpu.memory_space<vmem>>, %arg10: memref<32x512xf32, #tpu.memory_space<vmem>>, %arg11: memref<32x512xf32, #tpu.memory_space<vmem>>, %arg12: memref<32x512xf32, #tpu.memory_space<vmem>>, %arg13: memref<16xf32, #tpu.memory_space<vmem>>, %arg14: memref<!tpu.dma_semaphore, #tpu.memory_space<semaphore_mem>>, %arg15: memref<!tpu.dma_semaphore, #tpu.memory_space<semaphore_mem>>, %arg16: memref<!tpu.dma_semaphore, #tpu.memory_space<semaphore_mem>>, %arg17: memref<!tpu.dma_semaphore, #tpu.memory_space<semaphore_mem>>, %arg18: memref<!tpu.dma_semaphore, #tpu.memory_space<semaphore_mem>>, %arg19: memref<!tpu.dma_semaphore, #tpu.memory_space<semaphore_mem>>) attributes {dimension_semantics = [#tpu.dimension_semantics<core_parallel>, #tpu.dimension_semantics<subcore_parallel>], iteration_bounds = array<i64: 2, 16>, scalar_prefetch = 0 : i64, scratch_operands = 14 : i64, tpu.core_type = #tpu.core_type<sc_vector_subcore>, window_params = [{transform_indices = #map}, {transform_indices = #map1}, {transform_indices = #map}, {transform_indices = #map}]} {
    %mul3A = arith.constant 2 : i32
    %mul3A_0 = arith.muli %arg1, %mul3A : i32
    %add3A = arith.addi %mul3A_0, %arg0 : i32
    %mul3A_1 = arith.constant 128 : i32
    %mul3A_2 = arith.muli %add3A, %mul3A_1 : i32
    %broadcast_in_dim3A = arith.constant 0.000000e+00 : f32
    %broadcast_in_dim3A_3 = vector.broadcast %broadcast_in_dim3A : f32 to vector<16xf32>
    %broadcast_in_dim3A_4 = arith.constant 0.000000e+00 : f32
    %broadcast_in_dim3A_5 = vector.broadcast %broadcast_in_dim3A_4 : f32 to vector<16xf32>
    %broadcast_in_dim3A_6 = arith.constant 0.000000e+00 : f32
    %broadcast_in_dim3A_7 = vector.broadcast %broadcast_in_dim3A_6 : f32 to vector<16xf32>
    %broadcast_in_dim3A_8 = arith.constant 0.000000e+00 : f32
    %broadcast_in_dim3A_9 = vector.broadcast %broadcast_in_dim3A_8 : f32 to vector<16xf32>
    %add3A_10 = arith.constant 0 : i32
    %add3A_11 = arith.addi %mul3A_2, %add3A_10 : i32
    %dma_start3A = arith.constant 0 : i32
    %dma_start3A_12 = arith.constant 0 : i32
    %dma_start3A_13 = tpu.memref_slice %arg7[%dma_start3A, %dma_start3A_12] : memref<32x512xf32, #tpu.memory_space<vmem>> -> memref<16x512xf32, #tpu.memory_space<vmem>>
    %dma_start3A_14 = arith.constant 0 : i32
    %dma_start3A_15 = tpu.memref_slice %arg2[%add3A_11, %dma_start3A_14] : memref<4096x512xf32, #tpu.memory_space<hbm>> -> memref<16x512xf32, #tpu.memory_space<hbm>>
    %dma_start3A_16 = arith.constant 0 : i32
    %dma_start3A_17 = arith.constant 0 : i32
    %dma_start3A_18 = tpu.memref_slice %arg7[%dma_start3A_16, %dma_start3A_17] : memref<32x512xf32, #tpu.memory_space<vmem>> -> memref<16x512xf32, #tpu.memory_space<vmem>>
    %dma_start3A_19 = arith.constant 0 : i32
    %dma_start3A_20 = tpu.memref_slice %arg2[%add3A_11, %dma_start3A_19] : memref<4096x512xf32, #tpu.memory_space<hbm>> -> memref<16x512xf32, #tpu.memory_space<hbm>>
    tpu.enqueue_dma source(%dma_start3A_20 : memref<16x512xf32, #tpu.memory_space<hbm>>) target(%dma_start3A_18 : memref<16x512xf32, #tpu.memory_space<vmem>>) target_semaphore(%arg14 : memref<!tpu.dma_semaphore, #tpu.memory_space<semaphore_mem>>)
    "tpu.region"() ({
      %run_scoped3A = tpu.sem_alloc : memref<!tpu.dma_semaphore, #tpu.memory_space<semaphore_mem>>
      %dma_start3A_225 = arith.constant 0 : i32
      %dma_start3A_226 = tpu.memref_slice %arg6[%dma_start3A_225] : memref<128xi32, #tpu.memory_space<vmem>> -> memref<16xi32, #tpu.memory_space<vmem>>
      %dma_start3A_227 = tpu.memref_slice %arg3[%mul3A_2] : memref<4096xi32, #tpu.memory_space<hbm>> -> memref<16xi32, #tpu.memory_space<hbm>>
      %dma_start3A_228 = arith.constant 0 : i32
      %dma_start3A_229 = tpu.memref_slice %arg6[%dma_start3A_228] : memref<128xi32, #tpu.memory_space<vmem>> -> memref<16xi32, #tpu.memory_space<vmem>>
      %dma_start3A_230 = tpu.memref_slice %arg3[%mul3A_2] : memref<4096xi32, #tpu.memory_space<hbm>> -> memref<16xi32, #tpu.memory_space<hbm>>
      tpu.enqueue_dma source(%dma_start3A_230 : memref<16xi32, #tpu.memory_space<hbm>>) target(%dma_start3A_229 : memref<16xi32, #tpu.memory_space<vmem>>) target_semaphore(%run_scoped3A : memref<!tpu.dma_semaphore, #tpu.memory_space<semaphore_mem>>)
      %dma_wait3A_231 = arith.constant 0 : i32
      %dma_wait3A_232 = tpu.memref_slice %arg6[%dma_wait3A_231] : memref<128xi32, #tpu.memory_space<vmem>> -> memref<16xi32, #tpu.memory_space<vmem>>
      %dma_wait3A_233 = tpu.memref_slice %arg3[%mul3A_2] : memref<4096xi32, #tpu.memory_space<hbm>> -> memref<16xi32, #tpu.memory_space<hbm>>
      %dma_wait3A_234 = arith.constant 0 : i32
      %dma_wait3A_235 = tpu.memref_slice %arg6[%dma_wait3A_234] : memref<128xi32, #tpu.memory_space<vmem>> -> memref<16xi32, #tpu.memory_space<vmem>>
      %dma_wait3A_236 = tpu.memref_slice %arg3[%mul3A_2] : memref<4096xi32, #tpu.memory_space<hbm>> -> memref<16xi32, #tpu.memory_space<hbm>>
      tpu.wait_dma2 semaphore(%run_scoped3A : memref<!tpu.dma_semaphore, #tpu.memory_space<semaphore_mem>>) src(%dma_wait3A_236 : memref<16xi32, #tpu.memory_space<hbm>>) dst(%dma_wait3A_235 : memref<16xi32, #tpu.memory_space<vmem>>)
      tpu.yield
    }) : () -> ()
    %dma_start3A_21 = arith.constant 0 : i32
    %dma_start3A_22 = arith.constant 0 : i32
    %dma_start3A_23 = tpu.memref_slice %arg10[%dma_start3A_21, %dma_start3A_22] : memref<32x512xf32, #tpu.memory_space<vmem>> -> memref<16x512xf32, #tpu.memory_space<vmem>>
    %dma_start3A_24 = arith.constant 0 : i32
    %dma_start3A_25 = tpu.memref_slice %arg6[%dma_start3A_24] : memref<128xi32, #tpu.memory_space<vmem>> -> memref<16xi32, #tpu.memory_space<vmem>>
    %dma_start3A_26 = arith.constant 0 : i32
    %dma_start3A_27 = arith.constant 0 : i32
    %dma_start3A_28 = tpu.memref_slice %arg4[%dma_start3A_26, %dma_start3A_27] : memref<10000x512xf32, #tpu.memory_space<hbm>> -> memref<10000x512xf32, #tpu.memory_space<hbm>>
    tpu.enqueue_indirect_dma source(%dma_start3A_28 : memref<10000x512xf32, #tpu.memory_space<hbm>>) target(%dma_start3A_23 : memref<16x512xf32, #tpu.memory_space<vmem>>) offsets(%dma_start3A_25 : memref<16xi32, #tpu.memory_space<vmem>>) semaphore(%arg17 : memref<!tpu.dma_semaphore, #tpu.memory_space<semaphore_mem>>)
    %add3A_29 = arith.constant 16 : i32
    %add3A_30 = arith.addi %mul3A_2, %add3A_29 : i32
    "tpu.region"() ({
      %run_scoped3A = tpu.sem_alloc : memref<!tpu.dma_semaphore, #tpu.memory_space<semaphore_mem>>
      %dma_start3A_225 = arith.constant 16 : i32
      %dma_start3A_226 = tpu.memref_slice %arg6[%dma_start3A_225] : memref<128xi32, #tpu.memory_space<vmem>> -> memref<112xi32, #tpu.memory_space<vmem>>
      %dma_start3A_227 = tpu.memref_slice %arg3[%add3A_30] : memref<4096xi32, #tpu.memory_space<hbm>> -> memref<112xi32, #tpu.memory_space<hbm>>
      %dma_start3A_228 = arith.constant 16 : i32
      %dma_start3A_229 = tpu.memref_slice %arg6[%dma_start3A_228] : memref<128xi32, #tpu.memory_space<vmem>> -> memref<112xi32, #tpu.memory_space<vmem>>
      %dma_start3A_230 = tpu.memref_slice %arg3[%add3A_30] : memref<4096xi32, #tpu.memory_space<hbm>> -> memref<112xi32, #tpu.memory_space<hbm>>
      tpu.enqueue_dma source(%dma_start3A_230 : memref<112xi32, #tpu.memory_space<hbm>>) target(%dma_start3A_229 : memref<112xi32, #tpu.memory_space<vmem>>) target_semaphore(%run_scoped3A : memref<!tpu.dma_semaphore, #tpu.memory_space<semaphore_mem>>)
      %dma_wait3A_231 = arith.constant 16 : i32
      %dma_wait3A_232 = tpu.memref_slice %arg6[%dma_wait3A_231] : memref<128xi32, #tpu.memory_space<vmem>> -> memref<112xi32, #tpu.memory_space<vmem>>
      %dma_wait3A_233 = tpu.memref_slice %arg3[%add3A_30] : memref<4096xi32, #tpu.memory_space<hbm>> -> memref<112xi32, #tpu.memory_space<hbm>>
      %dma_wait3A_234 = arith.constant 16 : i32
      %dma_wait3A_235 = tpu.memref_slice %arg6[%dma_wait3A_234] : memref<128xi32, #tpu.memory_space<vmem>> -> memref<112xi32, #tpu.memory_space<vmem>>
      %dma_wait3A_236 = tpu.memref_slice %arg3[%add3A_30] : memref<4096xi32, #tpu.memory_space<hbm>> -> memref<112xi32, #tpu.memory_space<hbm>>
      tpu.wait_dma2 semaphore(%run_scoped3A : memref<!tpu.dma_semaphore, #tpu.memory_space<semaphore_mem>>) src(%dma_wait3A_236 : memref<112xi32, #tpu.memory_space<hbm>>) dst(%dma_wait3A_235 : memref<112xi32, #tpu.memory_space<vmem>>)
      tpu.yield
    }) : () -> ()
    %add3A_31 = arith.constant 16 : i32
    %add3A_32 = arith.addi %mul3A_2, %add3A_31 : i32
    %dma_start3A_33 = arith.constant 0 : i32
    %dma_start3A_34 = arith.constant 0 : i32
    %dma_start3A_35 = tpu.memref_slice %arg8[%dma_start3A_33, %dma_start3A_34] : memref<32x512xf32, #tpu.memory_space<vmem>> -> memref<16x512xf32, #tpu.memory_space<vmem>>
    %dma_start3A_36 = arith.constant 0 : i32
    %dma_start3A_37 = tpu.memref_slice %arg2[%add3A_32, %dma_start3A_36] : memref<4096x512xf32, #tpu.memory_space<hbm>> -> memref<16x512xf32, #tpu.memory_space<hbm>>
    %dma_start3A_38 = arith.constant 0 : i32
    %dma_start3A_39 = arith.constant 0 : i32
    %dma_start3A_40 = tpu.memref_slice %arg8[%dma_start3A_38, %dma_start3A_39] : memref<32x512xf32, #tpu.memory_space<vmem>> -> memref<16x512xf32, #tpu.memory_space<vmem>>
    %dma_start3A_41 = arith.constant 0 : i32
    %dma_start3A_42 = tpu.memref_slice %arg2[%add3A_32, %dma_start3A_41] : memref<4096x512xf32, #tpu.memory_space<hbm>> -> memref<16x512xf32, #tpu.memory_space<hbm>>
    tpu.enqueue_dma source(%dma_start3A_42 : memref<16x512xf32, #tpu.memory_space<hbm>>) target(%dma_start3A_40 : memref<16x512xf32, #tpu.memory_space<vmem>>) target_semaphore(%arg15 : memref<!tpu.dma_semaphore, #tpu.memory_space<semaphore_mem>>)
    %dma_start3A_43 = arith.constant 0 : i32
    %dma_start3A_44 = arith.constant 0 : i32
    %dma_start3A_45 = tpu.memref_slice %arg11[%dma_start3A_43, %dma_start3A_44] : memref<32x512xf32, #tpu.memory_space<vmem>> -> memref<16x512xf32, #tpu.memory_space<vmem>>
    %dma_start3A_46 = arith.constant 16 : i32
    %dma_start3A_47 = tpu.memref_slice %arg6[%dma_start3A_46] : memref<128xi32, #tpu.memory_space<vmem>> -> memref<16xi32, #tpu.memory_space<vmem>>
    %dma_start3A_48 = arith.constant 0 : i32
    %dma_start3A_49 = arith.constant 0 : i32
    %dma_start3A_50 = tpu.memref_slice %arg4[%dma_start3A_48, %dma_start3A_49] : memref<10000x512xf32, #tpu.memory_space<hbm>> -> memref<10000x512xf32, #tpu.memory_space<hbm>>
    tpu.enqueue_indirect_dma source(%dma_start3A_50 : memref<10000x512xf32, #tpu.memory_space<hbm>>) target(%dma_start3A_45 : memref<16x512xf32, #tpu.memory_space<vmem>>) offsets(%dma_start3A_47 : memref<16xi32, #tpu.memory_space<vmem>>) semaphore(%arg18 : memref<!tpu.dma_semaphore, #tpu.memory_space<semaphore_mem>>)
    %add3A_51 = arith.constant 32 : i32
    %add3A_52 = arith.addi %mul3A_2, %add3A_51 : i32
    %dma_start3A_53 = arith.constant 0 : i32
    %dma_start3A_54 = arith.constant 0 : i32
    %dma_start3A_55 = tpu.memref_slice %arg9[%dma_start3A_53, %dma_start3A_54] : memref<32x512xf32, #tpu.memory_space<vmem>> -> memref<32x512xf32, #tpu.memory_space<vmem>>
    %dma_start3A_56 = arith.constant 0 : i32
    %dma_start3A_57 = tpu.memref_slice %arg2[%add3A_52, %dma_start3A_56] : memref<4096x512xf32, #tpu.memory_space<hbm>> -> memref<32x512xf32, #tpu.memory_space<hbm>>
    %dma_start3A_58 = arith.constant 0 : i32
    %dma_start3A_59 = arith.constant 0 : i32
    %dma_start3A_60 = tpu.memref_slice %arg9[%dma_start3A_58, %dma_start3A_59] : memref<32x512xf32, #tpu.memory_space<vmem>> -> memref<32x512xf32, #tpu.memory_space<vmem>>
    %dma_start3A_61 = arith.constant 0 : i32
    %dma_start3A_62 = tpu.memref_slice %arg2[%add3A_52, %dma_start3A_61] : memref<4096x512xf32, #tpu.memory_space<hbm>> -> memref<32x512xf32, #tpu.memory_space<hbm>>
    tpu.enqueue_dma source(%dma_start3A_62 : memref<32x512xf32, #tpu.memory_space<hbm>>) target(%dma_start3A_60 : memref<32x512xf32, #tpu.memory_space<vmem>>) target_semaphore(%arg16 : memref<!tpu.dma_semaphore, #tpu.memory_space<semaphore_mem>>)
    %dma_start3A_63 = arith.constant 0 : i32
    %dma_start3A_64 = arith.constant 0 : i32
    %dma_start3A_65 = tpu.memref_slice %arg12[%dma_start3A_63, %dma_start3A_64] : memref<32x512xf32, #tpu.memory_space<vmem>> -> memref<32x512xf32, #tpu.memory_space<vmem>>
    %dma_start3A_66 = arith.constant 32 : i32
    %dma_start3A_67 = tpu.memref_slice %arg6[%dma_start3A_66] : memref<128xi32, #tpu.memory_space<vmem>> -> memref<32xi32, #tpu.memory_space<vmem>>
    %dma_start3A_68 = arith.constant 0 : i32
    %dma_start3A_69 = arith.constant 0 : i32
    %dma_start3A_70 = tpu.memref_slice %arg4[%dma_start3A_68, %dma_start3A_69] : memref<10000x512xf32, #tpu.memory_space<hbm>> -> memref<10000x512xf32, #tpu.memory_space<hbm>>
    tpu.enqueue_indirect_dma source(%dma_start3A_70 : memref<10000x512xf32, #tpu.memory_space<hbm>>) target(%dma_start3A_65 : memref<32x512xf32, #tpu.memory_space<vmem>>) offsets(%dma_start3A_67 : memref<32xi32, #tpu.memory_space<vmem>>) semaphore(%arg19 : memref<!tpu.dma_semaphore, #tpu.memory_space<semaphore_mem>>)
    %dma_wait3A = arith.constant 0 : i32
    %dma_wait3A_71 = arith.constant 0 : i32
    %dma_wait3A_72 = tpu.memref_slice %arg7[%dma_wait3A, %dma_wait3A_71] : memref<32x512xf32, #tpu.memory_space<vmem>> -> memref<16x512xf32, #tpu.memory_space<vmem>>
    %dma_wait3A_73 = arith.constant 0 : i32
    %dma_wait3A_74 = tpu.memref_slice %arg2[%add3A_11, %dma_wait3A_73] : memref<4096x512xf32, #tpu.memory_space<hbm>> -> memref<16x512xf32, #tpu.memory_space<hbm>>
    %dma_wait3A_75 = arith.constant 0 : i32
    %dma_wait3A_76 = arith.constant 0 : i32
    %dma_wait3A_77 = tpu.memref_slice %arg7[%dma_wait3A_75, %dma_wait3A_76] : memref<32x512xf32, #tpu.memory_space<vmem>> -> memref<16x512xf32, #tpu.memory_space<vmem>>
    %dma_wait3A_78 = arith.constant 0 : i32
    %dma_wait3A_79 = tpu.memref_slice %arg2[%add3A_11, %dma_wait3A_78] : memref<4096x512xf32, #tpu.memory_space<hbm>> -> memref<16x512xf32, #tpu.memory_space<hbm>>
    tpu.wait_dma2 semaphore(%arg14 : memref<!tpu.dma_semaphore, #tpu.memory_space<semaphore_mem>>) src(%dma_wait3A_79 : memref<16x512xf32, #tpu.memory_space<hbm>>) dst(%dma_wait3A_77 : memref<16x512xf32, #tpu.memory_space<vmem>>)
    %dma_wait3A_80 = arith.constant 0 : i32
    %dma_wait3A_81 = arith.constant 0 : i32
    %dma_wait3A_82 = tpu.memref_slice %arg10[%dma_wait3A_80, %dma_wait3A_81] : memref<32x512xf32, #tpu.memory_space<vmem>> -> memref<16x512xf32, #tpu.memory_space<vmem>>
    %dma_wait3A_83 = arith.constant 0 : i32
    %dma_wait3A_84 = tpu.memref_slice %arg6[%dma_wait3A_83] : memref<128xi32, #tpu.memory_space<vmem>> -> memref<16xi32, #tpu.memory_space<vmem>>
    %dma_wait3A_85 = arith.constant 0 : i32
    %dma_wait3A_86 = arith.constant 0 : i32
    %dma_wait3A_87 = tpu.memref_slice %arg4[%dma_wait3A_85, %dma_wait3A_86] : memref<10000x512xf32, #tpu.memory_space<hbm>> -> memref<10000x512xf32, #tpu.memory_space<hbm>>
    tpu.wait_indirect_dma semaphore(%arg17 : memref<!tpu.dma_semaphore, #tpu.memory_space<semaphore_mem>>) src(%dma_wait3A_87 : memref<10000x512xf32, #tpu.memory_space<hbm>>) dst(%dma_wait3A_82 : memref<16x512xf32, #tpu.memory_space<vmem>>)
    %parallel_loop3A = arith.constant 0 : i32
    %parallel_loop3A_88 = arith.constant 16 : i32
    %parallel_loop3A_89 = arith.constant 1 : i32
    %parallel_loop3A_90:4 = scf.for %parallel_loop3A_225 = %parallel_loop3A to %parallel_loop3A_88 step %parallel_loop3A_89 iter_args(%parallel_loop3A_226 = %broadcast_in_dim3A_3, %parallel_loop3A_227 = %broadcast_in_dim3A_5, %parallel_loop3A_228 = %broadcast_in_dim3A_7, %parallel_loop3A_229 = %broadcast_in_dim3A_9) -> (vector<16xf32>, vector<16xf32>, vector<16xf32>, vector<16xf32>)  : i32 {
      %parallel_loop3A_230 = arith.index_cast %parallel_loop3A_225 : i32 to index
      %parallel_loop3A_231 = arith.constant 0 : index
      %parallel_loop3A_232 = tpu.vector_load %arg7[%parallel_loop3A_230, %parallel_loop3A_231] {strides = array<i32>} : memref<32x512xf32, #tpu.memory_space<vmem>>, vector<1x16xf32>,
      %parallel_loop3A_233 = vector.shape_cast %parallel_loop3A_232 : vector<1x16xf32> to vector<16xf32>
      %parallel_loop3A_234 = arith.index_cast %parallel_loop3A_225 : i32 to index
      %parallel_loop3A_235 = arith.constant 0 : index
      %parallel_loop3A_236 = tpu.vector_load %arg10[%parallel_loop3A_234, %parallel_loop3A_235] {strides = array<i32>} : memref<32x512xf32, #tpu.memory_space<vmem>>, vector<1x16xf32>,
      %parallel_loop3A_237 = vector.shape_cast %parallel_loop3A_236 : vector<1x16xf32> to vector<16xf32>
      %parallel_loop3A_238 = arith.subf %parallel_loop3A_233, %parallel_loop3A_237 : vector<16xf32>
      %parallel_loop3A_239 = arith.mulf %parallel_loop3A_238, %parallel_loop3A_238 : vector<16xf32>
      %parallel_loop3A_240 = arith.addf %parallel_loop3A_226, %parallel_loop3A_239 : vector<16xf32>
      %parallel_loop3A_241 = arith.index_cast %parallel_loop3A_225 : i32 to index
      %parallel_loop3A_242 = arith.constant 16 : index
      %parallel_loop3A_243 = tpu.vector_load %arg7[%parallel_loop3A_241, %parallel_loop3A_242] {strides = array<i32>} : memref<32x512xf32, #tpu.memory_space<vmem>>, vector<1x16xf32>,
      %parallel_loop3A_244 = vector.shape_cast %parallel_loop3A_243 : vector<1x16xf32> to vector<16xf32>
      %parallel_loop3A_245 = arith.index_cast %parallel_loop3A_225 : i32 to index
      %parallel_loop3A_246 = arith.constant 16 : index
      %parallel_loop3A_247 = tpu.vector_load %arg10[%parallel_loop3A_245, %parallel_loop3A_246] {strides = array<i32>} : memref<32x512xf32, #tpu.memory_space<vmem>>, vector<1x16xf32>,
      %parallel_loop3A_248 = vector.shape_cast %parallel_loop3A_247 : vector<1x16xf32> to vector<16xf32>
      %parallel_loop3A_249 = arith.subf %parallel_loop3A_244, %parallel_loop3A_248 : vector<16xf32>
      %parallel_loop3A_250 = arith.mulf %parallel_loop3A_249, %parallel_loop3A_249 : vector<16xf32>
      %parallel_loop3A_251 = arith.addf %parallel_loop3A_227, %parallel_loop3A_250 : vector<16xf32>
      %parallel_loop3A_252 = arith.index_cast %parallel_loop3A_225 : i32 to index
      %parallel_loop3A_253 = arith.constant 32 : index
      %parallel_loop3A_254 = tpu.vector_load %arg7[%parallel_loop3A_252, %parallel_loop3A_253] {strides = array<i32>} : memref<32x512xf32, #tpu.memory_space<vmem>>, vector<1x16xf32>,
      %parallel_loop3A_255 = vector.shape_cast %parallel_loop3A_254 : vector<1x16xf32> to vector<16xf32>
      %parallel_loop3A_256 = arith.index_cast %parallel_loop3A_225 : i32 to index
      %parallel_loop3A_257 = arith.constant 32 : index
      %parallel_loop3A_258 = tpu.vector_load %arg10[%parallel_loop3A_256, %parallel_loop3A_257] {strides = array<i32>} : memref<32x512xf32, #tpu.memory_space<vmem>>, vector<1x16xf32>,
      %parallel_loop3A_259 = vector.shape_cast %parallel_loop3A_258 : vector<1x16xf32> to vector<16xf32>
      %parallel_loop3A_260 = arith.subf %parallel_loop3A_255, %parallel_loop3A_259 : vector<16xf32>
      %parallel_loop3A_261 = arith.mulf %parallel_loop3A_260, %parallel_loop3A_260 : vector<16xf32>
      %parallel_loop3A_262 = arith.addf %parallel_loop3A_228, %parallel_loop3A_261 : vector<16xf32>
      %parallel_loop3A_263 = arith.index_cast %parallel_loop3A_225 : i32 to index
      %parallel_loop3A_264 = arith.constant 48 : index
      %parallel_loop3A_265 = tpu.vector_load %arg7[%parallel_loop3A_263, %parallel_loop3A_264] {strides = array<i32>} : memref<32x512xf32, #tpu.memory_space<vmem>>, vector<1x16xf32>,
      %parallel_loop3A_266 = vector.shape_cast %parallel_loop3A_265 : vector<1x16xf32> to vector<16xf32>
      %parallel_loop3A_267 = arith.index_cast %parallel_loop3A_225 : i32 to index
      %parallel_loop3A_268 = arith.constant 48 : index
      %parallel_loop3A_269 = tpu.vector_load %arg10[%parallel_loop3A_267, %parallel_loop3A_268] {strides = array<i32>} : memref<32x512xf32, #tpu.memory_space<vmem>>, vector<1x16xf32>,
      %parallel_loop3A_270 = vector.shape_cast %parallel_loop3A_269 : vector<1x16xf32> to vector<16xf32>
      %parallel_loop3A_271 = arith.subf %parallel_loop3A_266, %parallel_loop3A_270 : vector<16xf32>
      %parallel_loop3A_272 = arith.mulf %parallel_loop3A_271, %parallel_loop3A_271 : vector<16xf32>
      %parallel_loop3A_273 = arith.addf %parallel_loop3A_229, %parallel_loop3A_272 : vector<16xf32>
      %parallel_loop3A_274 = arith.index_cast %parallel_loop3A_225 : i32 to index
      %parallel_loop3A_275 = arith.constant 64 : index
      %parallel_loop3A_276 = tpu.vector_load %arg7[%parallel_loop3A_274, %parallel_loop3A_275] {strides = array<i32>} : memref<32x512xf32, #tpu.memory_space<vmem>>, vector<1x16xf32>,
      %parallel_loop3A_277 = vector.shape_cast %parallel_loop3A_276 : vector<1x16xf32> to vector<16xf32>
      %parallel_loop3A_278 = arith.index_cast %parallel_loop3A_225 : i32 to index
      %parallel_loop3A_279 = arith.constant 64 : index
      %parallel_loop3A_280 = tpu.vector_load %arg10[%parallel_loop3A_278, %parallel_loop3A_279] {strides = array<i32>} : memref<32x512xf32, #tpu.memory_space<vmem>>, vector<1x16xf32>,
      %parallel_loop3A_281 = vector.shape_cast %parallel_loop3A_280 : vector<1x16xf32> to vector<16xf32>
      %parallel_loop3A_282 = arith.subf %parallel_loop3A_277, %parallel_loop3A_281 : vector<16xf32>
      %parallel_loop3A_283 = arith.mulf %parallel_loop3A_282, %parallel_loop3A_282 : vector<16xf32>
      %parallel_loop3A_284 = arith.addf %parallel_loop3A_240, %parallel_loop3A_283 : vector<16xf32>
      %parallel_loop3A_285 = arith.index_cast %parallel_loop3A_225 : i32 to index
      %parallel_loop3A_286 = arith.constant 80 : index
      %parallel_loop3A_287 = tpu.vector_load %arg7[%parallel_loop3A_285, %parallel_loop3A_286] {strides = array<i32>} : memref<32x512xf32, #tpu.memory_space<vmem>>, vector<1x16xf32>,
      %parallel_loop3A_288 = vector.shape_cast %parallel_loop3A_287 : vector<1x16xf32> to vector<16xf32>
      %parallel_loop3A_289 = arith.index_cast %parallel_loop3A_225 : i32 to index
      %parallel_loop3A_290 = arith.constant 80 : index
      %parallel_loop3A_291 = tpu.vector_load %arg10[%parallel_loop3A_289, %parallel_loop3A_290] {strides = array<i32>} : memref<32x512xf32, #tpu.memory_space<vmem>>, vector<1x16xf32>,
      %parallel_loop3A_292 = vector.shape_cast %parallel_loop3A_291 : vector<1x16xf32> to vector<16xf32>
      %parallel_loop3A_293 = arith.subf %parallel_loop3A_288, %parallel_loop3A_292 : vector<16xf32>
      %parallel_loop3A_294 = arith.mulf %parallel_loop3A_293, %parallel_loop3A_293 : vector<16xf32>
      %parallel_loop3A_295 = arith.addf %parallel_loop3A_251, %parallel_loop3A_294 : vector<16xf32>
      %parallel_loop3A_296 = arith.index_cast %parallel_loop3A_225 : i32 to index
      %parallel_loop3A_297 = arith.constant 96 : index
      %parallel_loop3A_298 = tpu.vector_load %arg7[%parallel_loop3A_296, %parallel_loop3A_297] {strides = array<i32>} : memref<32x512xf32, #tpu.memory_space<vmem>>, vector<1x16xf32>,
      %parallel_loop3A_299 = vector.shape_cast %parallel_loop3A_298 : vector<1x16xf32> to vector<16xf32>
      %parallel_loop3A_300 = arith.index_cast %parallel_loop3A_225 : i32 to index
      %parallel_loop3A_301 = arith.constant 96 : index
      %parallel_loop3A_302 = tpu.vector_load %arg10[%parallel_loop3A_300, %parallel_loop3A_301] {strides = array<i32>} : memref<32x512xf32, #tpu.memory_space<vmem>>, vector<1x16xf32>,
      %parallel_loop3A_303 = vector.shape_cast %parallel_loop3A_302 : vector<1x16xf32> to vector<16xf32>
      %parallel_loop3A_304 = arith.subf %parallel_loop3A_299, %parallel_loop3A_303 : vector<16xf32>
      %parallel_loop3A_305 = arith.mulf %parallel_loop3A_304, %parallel_loop3A_304 : vector<16xf32>
      %parallel_loop3A_306 = arith.addf %parallel_loop3A_262, %parallel_loop3A_305 : vector<16xf32>
      %parallel_loop3A_307 = arith.index_cast %parallel_loop3A_225 : i32 to index
      %parallel_loop3A_308 = arith.constant 112 : index
      %parallel_loop3A_309 = tpu.vector_load %arg7[%parallel_loop3A_307, %parallel_loop3A_308] {strides = array<i32>} : memref<32x512xf32, #tpu.memory_space<vmem>>, vector<1x16xf32>,
      %parallel_loop3A_310 = vector.shape_cast %parallel_loop3A_309 : vector<1x16xf32> to vector<16xf32>
      %parallel_loop3A_311 = arith.index_cast %parallel_loop3A_225 : i32 to index
      %parallel_loop3A_312 = arith.constant 112 : index
      %parallel_loop3A_313 = tpu.vector_load %arg10[%parallel_loop3A_311, %parallel_loop3A_312] {strides = array<i32>} : memref<32x512xf32, #tpu.memory_space<vmem>>, vector<1x16xf32>,
      %parallel_loop3A_314 = vector.shape_cast %parallel_loop3A_313 : vector<1x16xf32> to vector<16xf32>
      %parallel_loop3A_315 = arith.subf %parallel_loop3A_310, %parallel_loop3A_314 : vector<16xf32>
      %parallel_loop3A_316 = arith.mulf %parallel_loop3A_315, %parallel_loop3A_315 : vector<16xf32>
      %parallel_loop3A_317 = arith.addf %parallel_loop3A_273, %parallel_loop3A_316 : vector<16xf32>
      %parallel_loop3A_318 = arith.index_cast %parallel_loop3A_225 : i32 to index
      %parallel_loop3A_319 = arith.constant 128 : index
      %parallel_loop3A_320 = tpu.vector_load %arg7[%parallel_loop3A_318, %parallel_loop3A_319] {strides = array<i32>} : memref<32x512xf32, #tpu.memory_space<vmem>>, vector<1x16xf32>,
      %parallel_loop3A_321 = vector.shape_cast %parallel_loop3A_320 : vector<1x16xf32> to vector<16xf32>
      %parallel_loop3A_322 = arith.index_cast %parallel_loop3A_225 : i32 to index
      %parallel_loop3A_323 = arith.constant 128 : index
      %parallel_loop3A_324 = tpu.vector_load %arg10[%parallel_loop3A_322, %parallel_loop3A_323] {strides = array<i32>} : memref<32x512xf32, #tpu.memory_space<vmem>>, vector<1x16xf32>,
      %parallel_loop3A_325 = vector.shape_cast %parallel_loop3A_324 : vector<1x16xf32> to vector<16xf32>
      %parallel_loop3A_326 = arith.subf %parallel_loop3A_321, %parallel_loop3A_325 : vector<16xf32>
      %parallel_loop3A_327 = arith.mulf %parallel_loop3A_326, %parallel_loop3A_326 : vector<16xf32>
      %parallel_loop3A_328 = arith.addf %parallel_loop3A_284, %parallel_loop3A_327 : vector<16xf32>
      %parallel_loop3A_329 = arith.index_cast %parallel_loop3A_225 : i32 to index
      %parallel_loop3A_330 = arith.constant 144 : index
      %parallel_loop3A_331 = tpu.vector_load %arg7[%parallel_loop3A_329, %parallel_loop3A_330] {strides = array<i32>} : memref<32x512xf32, #tpu.memory_space<vmem>>, vector<1x16xf32>,
      %parallel_loop3A_332 = vector.shape_cast %parallel_loop3A_331 : vector<1x16xf32> to vector<16xf32>
      %parallel_loop3A_333 = arith.index_cast %parallel_loop3A_225 : i32 to index
      %parallel_loop3A_334 = arith.constant 144 : index
      %parallel_loop3A_335 = tpu.vector_load %arg10[%parallel_loop3A_333, %parallel_loop3A_334] {strides = array<i32>} : memref<32x512xf32, #tpu.memory_space<vmem>>, vector<1x16xf32>,
      %parallel_loop3A_336 = vector.shape_cast %parallel_loop3A_335 : vector<1x16xf32> to vector<16xf32>
      %parallel_loop3A_337 = arith.subf %parallel_loop3A_332, %parallel_loop3A_336 : vector<16xf32>
      %parallel_loop3A_338 = arith.mulf %parallel_loop3A_337, %parallel_loop3A_337 : vector<16xf32>
      %parallel_loop3A_339 = arith.addf %parallel_loop3A_295, %parallel_loop3A_338 : vector<16xf32>
      %parallel_loop3A_340 = arith.index_cast %parallel_loop3A_225 : i32 to index
      %parallel_loop3A_341 = arith.constant 160 : index
      %parallel_loop3A_342 = tpu.vector_load %arg7[%parallel_loop3A_340, %parallel_loop3A_341] {strides = array<i32>} : memref<32x512xf32, #tpu.memory_space<vmem>>, vector<1x16xf32>,
      %parallel_loop3A_343 = vector.shape_cast %parallel_loop3A_342 : vector<1x16xf32> to vector<16xf32>
      %parallel_loop3A_344 = arith.index_cast %parallel_loop3A_225 : i32 to index
      %parallel_loop3A_345 = arith.constant 160 : index
      %parallel_loop3A_346 = tpu.vector_load %arg10[%parallel_loop3A_344, %parallel_loop3A_345] {strides = array<i32>} : memref<32x512xf32, #tpu.memory_space<vmem>>, vector<1x16xf32>,
      %parallel_loop3A_347 = vector.shape_cast %parallel_loop3A_346 : vector<1x16xf32> to vector<16xf32>
      %parallel_loop3A_348 = arith.subf %parallel_loop3A_343, %parallel_loop3A_347 : vector<16xf32>
      %parallel_loop3A_349 = arith.mulf %parallel_loop3A_348, %parallel_loop3A_348 : vector<16xf32>
      %parallel_loop3A_350 = arith.addf %parallel_loop3A_306, %parallel_loop3A_349 : vector<16xf32>
      %parallel_loop3A_351 = arith.index_cast %parallel_loop3A_225 : i32 to index
      %parallel_loop3A_352 = arith.constant 176 : index
      %parallel_loop3A_353 = tpu.vector_load %arg7[%parallel_loop3A_351, %parallel_loop3A_352] {strides = array<i32>} : memref<32x512xf32, #tpu.memory_space<vmem>>, vector<1x16xf32>,
      %parallel_loop3A_354 = vector.shape_cast %parallel_loop3A_353 : vector<1x16xf32> to vector<16xf32>
      %parallel_loop3A_355 = arith.index_cast %parallel_loop3A_225 : i32 to index
      %parallel_loop3A_356 = arith.constant 176 : index
      %parallel_loop3A_357 = tpu.vector_load %arg10[%parallel_loop3A_355, %parallel_loop3A_356] {strides = array<i32>} : memref<32x512xf32, #tpu.memory_space<vmem>>, vector<1x16xf32>,
      %parallel_loop3A_358 = vector.shape_cast %parallel_loop3A_357 : vector<1x16xf32> to vector<16xf32>
      %parallel_loop3A_359 = arith.subf %parallel_loop3A_354, %parallel_loop3A_358 : vector<16xf32>
      %parallel_loop3A_360 = arith.mulf %parallel_loop3A_359, %parallel_loop3A_359 : vector<16xf32>
      %parallel_loop3A_361 = arith.addf %parallel_loop3A_317, %parallel_loop3A_360 : vector<16xf32>
      %parallel_loop3A_362 = arith.index_cast %parallel_loop3A_225 : i32 to index
      %parallel_loop3A_363 = arith.constant 192 : index
      %parallel_loop3A_364 = tpu.vector_load %arg7[%parallel_loop3A_362, %parallel_loop3A_363] {strides = array<i32>} : memref<32x512xf32, #tpu.memory_space<vmem>>, vector<1x16xf32>,
      %parallel_loop3A_365 = vector.shape_cast %parallel_loop3A_364 : vector<1x16xf32> to vector<16xf32>
      %parallel_loop3A_366 = arith.index_cast %parallel_loop3A_225 : i32 to index
      %parallel_loop3A_367 = arith.constant 192 : index
      %parallel_loop3A_368 = tpu.vector_load %arg10[%parallel_loop3A_366, %parallel_loop3A_367] {strides = array<i32>} : memref<32x512xf32, #tpu.memory_space<vmem>>, vector<1x16xf32>,
      %parallel_loop3A_369 = vector.shape_cast %parallel_loop3A_368 : vector<1x16xf32> to vector<16xf32>
      %parallel_loop3A_370 = arith.subf %parallel_loop3A_365, %parallel_loop3A_369 : vector<16xf32>
      %parallel_loop3A_371 = arith.mulf %parallel_loop3A_370, %parallel_loop3A_370 : vector<16xf32>
      %parallel_loop3A_372 = arith.addf %parallel_loop3A_328, %parallel_loop3A_371 : vector<16xf32>
      %parallel_loop3A_373 = arith.index_cast %parallel_loop3A_225 : i32 to index
      %parallel_loop3A_374 = arith.constant 208 : index
      %parallel_loop3A_375 = tpu.vector_load %arg7[%parallel_loop3A_373, %parallel_loop3A_374] {strides = array<i32>} : memref<32x512xf32, #tpu.memory_space<vmem>>, vector<1x16xf32>,
      %parallel_loop3A_376 = vector.shape_cast %parallel_loop3A_375 : vector<1x16xf32> to vector<16xf32>
      %parallel_loop3A_377 = arith.index_cast %parallel_loop3A_225 : i32 to index
      %parallel_loop3A_378 = arith.constant 208 : index
      %parallel_loop3A_379 = tpu.vector_load %arg10[%parallel_loop3A_377, %parallel_loop3A_378] {strides = array<i32>} : memref<32x512xf32, #tpu.memory_space<vmem>>, vector<1x16xf32>,
      %parallel_loop3A_380 = vector.shape_cast %parallel_loop3A_379 : vector<1x16xf32> to vector<16xf32>
      %parallel_loop3A_381 = arith.subf %parallel_loop3A_376, %parallel_loop3A_380 : vector<16xf32>
      %parallel_loop3A_382 = arith.mulf %parallel_loop3A_381, %parallel_loop3A_381 : vector<16xf32>
      %parallel_loop3A_383 = arith.addf %parallel_loop3A_339, %parallel_loop3A_382 : vector<16xf32>
      %parallel_loop3A_384 = arith.index_cast %parallel_loop3A_225 : i32 to index
      %parallel_loop3A_385 = arith.constant 224 : index
      %parallel_loop3A_386 = tpu.vector_load %arg7[%parallel_loop3A_384, %parallel_loop3A_385] {strides = array<i32>} : memref<32x512xf32, #tpu.memory_space<vmem>>, vector<1x16xf32>,
      %parallel_loop3A_387 = vector.shape_cast %parallel_loop3A_386 : vector<1x16xf32> to vector<16xf32>
      %parallel_loop3A_388 = arith.index_cast %parallel_loop3A_225 : i32 to index
      %parallel_loop3A_389 = arith.constant 224 : index
      %parallel_loop3A_390 = tpu.vector_load %arg10[%parallel_loop3A_388, %parallel_loop3A_389] {strides = array<i32>} : memref<32x512xf32, #tpu.memory_space<vmem>>, vector<1x16xf32>,
      %parallel_loop3A_391 = vector.shape_cast %parallel_loop3A_390 : vector<1x16xf32> to vector<16xf32>
      %parallel_loop3A_392 = arith.subf %parallel_loop3A_387, %parallel_loop3A_391 : vector<16xf32>
      %parallel_loop3A_393 = arith.mulf %parallel_loop3A_392, %parallel_loop3A_392 : vector<16xf32>
      %parallel_loop3A_394 = arith.addf %parallel_loop3A_350, %parallel_loop3A_393 : vector<16xf32>
      %parallel_loop3A_395 = arith.index_cast %parallel_loop3A_225 : i32 to index
      %parallel_loop3A_396 = arith.constant 240 : index
      %parallel_loop3A_397 = tpu.vector_load %arg7[%parallel_loop3A_395, %parallel_loop3A_396] {strides = array<i32>} : memref<32x512xf32, #tpu.memory_space<vmem>>, vector<1x16xf32>,
      %parallel_loop3A_398 = vector.shape_cast %parallel_loop3A_397 : vector<1x16xf32> to vector<16xf32>
      %parallel_loop3A_399 = arith.index_cast %parallel_loop3A_225 : i32 to index
      %parallel_loop3A_400 = arith.constant 240 : index
      %parallel_loop3A_401 = tpu.vector_load %arg10[%parallel_loop3A_399, %parallel_loop3A_400] {strides = array<i32>} : memref<32x512xf32, #tpu.memory_space<vmem>>, vector<1x16xf32>,
      %parallel_loop3A_402 = vector.shape_cast %parallel_loop3A_401 : vector<1x16xf32> to vector<16xf32>
      %parallel_loop3A_403 = arith.subf %parallel_loop3A_398, %parallel_loop3A_402 : vector<16xf32>
      %parallel_loop3A_404 = arith.mulf %parallel_loop3A_403, %parallel_loop3A_403 : vector<16xf32>
      %parallel_loop3A_405 = arith.addf %parallel_loop3A_361, %parallel_loop3A_404 : vector<16xf32>
      %parallel_loop3A_406 = arith.index_cast %parallel_loop3A_225 : i32 to index
      %parallel_loop3A_407 = arith.constant 256 : index
      %parallel_loop3A_408 = tpu.vector_load %arg7[%parallel_loop3A_406, %parallel_loop3A_407] {strides = array<i32>} : memref<32x512xf32, #tpu.memory_space<vmem>>, vector<1x16xf32>,
      %parallel_loop3A_409 = vector.shape_cast %parallel_loop3A_408 : vector<1x16xf32> to vector<16xf32>
      %parallel_loop3A_410 = arith.index_cast %parallel_loop3A_225 : i32 to index
      %parallel_loop3A_411 = arith.constant 256 : index
      %parallel_loop3A_412 = tpu.vector_load %arg10[%parallel_loop3A_410, %parallel_loop3A_411] {strides = array<i32>} : memref<32x512xf32, #tpu.memory_space<vmem>>, vector<1x16xf32>,
      %parallel_loop3A_413 = vector.shape_cast %parallel_loop3A_412 : vector<1x16xf32> to vector<16xf32>
      %parallel_loop3A_414 = arith.subf %parallel_loop3A_409, %parallel_loop3A_413 : vector<16xf32>
      %parallel_loop3A_415 = arith.mulf %parallel_loop3A_414, %parallel_loop3A_414 : vector<16xf32>
      %parallel_loop3A_416 = arith.addf %parallel_loop3A_372, %parallel_loop3A_415 : vector<16xf32>
      %parallel_loop3A_417 = arith.index_cast %parallel_loop3A_225 : i32 to index
      %parallel_loop3A_418 = arith.constant 272 : index
      %parallel_loop3A_419 = tpu.vector_load %arg7[%parallel_loop3A_417, %parallel_loop3A_418] {strides = array<i32>} : memref<32x512xf32, #tpu.memory_space<vmem>>, vector<1x16xf32>,
      %parallel_loop3A_420 = vector.shape_cast %parallel_loop3A_419 : vector<1x16xf32> to vector<16xf32>
      %parallel_loop3A_421 = arith.index_cast %parallel_loop3A_225 : i32 to index
      %parallel_loop3A_422 = arith.constant 272 : index
      %parallel_loop3A_423 = tpu.vector_load %arg10[%parallel_loop3A_421, %parallel_loop3A_422] {strides = array<i32>} : memref<32x512xf32, #tpu.memory_space<vmem>>, vector<1x16xf32>,
      %parallel_loop3A_424 = vector.shape_cast %parallel_loop3A_423 : vector<1x16xf32> to vector<16xf32>
      %parallel_loop3A_425 = arith.subf %parallel_loop3A_420, %parallel_loop3A_424 : vector<16xf32>
      %parallel_loop3A_426 = arith.mulf %parallel_loop3A_425, %parallel_loop3A_425 : vector<16xf32>
      %parallel_loop3A_427 = arith.addf %parallel_loop3A_383, %parallel_loop3A_426 : vector<16xf32>
      %parallel_loop3A_428 = arith.index_cast %parallel_loop3A_225 : i32 to index
      %parallel_loop3A_429 = arith.constant 288 : index
      %parallel_loop3A_430 = tpu.vector_load %arg7[%parallel_loop3A_428, %parallel_loop3A_429] {strides = array<i32>} : memref<32x512xf32, #tpu.memory_space<vmem>>, vector<1x16xf32>,
      %parallel_loop3A_431 = vector.shape_cast %parallel_loop3A_430 : vector<1x16xf32> to vector<16xf32>
      %parallel_loop3A_432 = arith.index_cast %parallel_loop3A_225 : i32 to index
      %parallel_loop3A_433 = arith.constant 288 : index
      %parallel_loop3A_434 = tpu.vector_load %arg10[%parallel_loop3A_432, %parallel_loop3A_433] {strides = array<i32>} : memref<32x512xf32, #tpu.memory_space<vmem>>, vector<1x16xf32>,
      %parallel_loop3A_435 = vector.shape_cast %parallel_loop3A_434 : vector<1x16xf32> to vector<16xf32>
      %parallel_loop3A_436 = arith.subf %parallel_loop3A_431, %parallel_loop3A_435 : vector<16xf32>
      %parallel_loop3A_437 = arith.mulf %parallel_loop3A_436, %parallel_loop3A_436 : vector<16xf32>
      %parallel_loop3A_438 = arith.addf %parallel_loop3A_394, %parallel_loop3A_437 : vector<16xf32>
      %parallel_loop3A_439 = arith.index_cast %parallel_loop3A_225 : i32 to index
      %parallel_loop3A_440 = arith.constant 304 : index
      %parallel_loop3A_441 = tpu.vector_load %arg7[%parallel_loop3A_439, %parallel_loop3A_440] {strides = array<i32>} : memref<32x512xf32, #tpu.memory_space<vmem>>, vector<1x16xf32>,
      %parallel_loop3A_442 = vector.shape_cast %parallel_loop3A_441 : vector<1x16xf32> to vector<16xf32>
      %parallel_loop3A_443 = arith.index_cast %parallel_loop3A_225 : i32 to index
      %parallel_loop3A_444 = arith.constant 304 : index
      %parallel_loop3A_445 = tpu.vector_load %arg10[%parallel_loop3A_443, %parallel_loop3A_444] {strides = array<i32>} : memref<32x512xf32, #tpu.memory_space<vmem>>, vector<1x16xf32>,
      %parallel_loop3A_446 = vector.shape_cast %parallel_loop3A_445 : vector<1x16xf32> to vector<16xf32>
      %parallel_loop3A_447 = arith.subf %parallel_loop3A_442, %parallel_loop3A_446 : vector<16xf32>
      %parallel_loop3A_448 = arith.mulf %parallel_loop3A_447, %parallel_loop3A_447 : vector<16xf32>
      %parallel_loop3A_449 = arith.addf %parallel_loop3A_405, %parallel_loop3A_448 : vector<16xf32>
      %parallel_loop3A_450 = arith.index_cast %parallel_loop3A_225 : i32 to index
      %parallel_loop3A_451 = arith.constant 320 : index
      %parallel_loop3A_452 = tpu.vector_load %arg7[%parallel_loop3A_450, %parallel_loop3A_451] {strides = array<i32>} : memref<32x512xf32, #tpu.memory_space<vmem>>, vector<1x16xf32>,
      %parallel_loop3A_453 = vector.shape_cast %parallel_loop3A_452 : vector<1x16xf32> to vector<16xf32>
      %parallel_loop3A_454 = arith.index_cast %parallel_loop3A_225 : i32 to index
      %parallel_loop3A_455 = arith.constant 320 : index
      %parallel_loop3A_456 = tpu.vector_load %arg10[%parallel_loop3A_454, %parallel_loop3A_455] {strides = array<i32>} : memref<32x512xf32, #tpu.memory_space<vmem>>, vector<1x16xf32>,
      %parallel_loop3A_457 = vector.shape_cast %parallel_loop3A_456 : vector<1x16xf32> to vector<16xf32>
      %parallel_loop3A_458 = arith.subf %parallel_loop3A_453, %parallel_loop3A_457 : vector<16xf32>
      %parallel_loop3A_459 = arith.mulf %parallel_loop3A_458, %parallel_loop3A_458 : vector<16xf32>
      %parallel_loop3A_460 = arith.addf %parallel_loop3A_416, %parallel_loop3A_459 : vector<16xf32>
      %parallel_loop3A_461 = arith.index_cast %parallel_loop3A_225 : i32 to index
      %parallel_loop3A_462 = arith.constant 336 : index
      %parallel_loop3A_463 = tpu.vector_load %arg7[%parallel_loop3A_461, %parallel_loop3A_462] {strides = array<i32>} : memref<32x512xf32, #tpu.memory_space<vmem>>, vector<1x16xf32>,
      %parallel_loop3A_464 = vector.shape_cast %parallel_loop3A_463 : vector<1x16xf32> to vector<16xf32>
      %parallel_loop3A_465 = arith.index_cast %parallel_loop3A_225 : i32 to index
      %parallel_loop3A_466 = arith.constant 336 : index
      %parallel_loop3A_467 = tpu.vector_load %arg10[%parallel_loop3A_465, %parallel_loop3A_466] {strides = array<i32>} : memref<32x512xf32, #tpu.memory_space<vmem>>, vector<1x16xf32>,
      %parallel_loop3A_468 = vector.shape_cast %parallel_loop3A_467 : vector<1x16xf32> to vector<16xf32>
      %parallel_loop3A_469 = arith.subf %parallel_loop3A_464, %parallel_loop3A_468 : vector<16xf32>
      %parallel_loop3A_470 = arith.mulf %parallel_loop3A_469, %parallel_loop3A_469 : vector<16xf32>
      %parallel_loop3A_471 = arith.addf %parallel_loop3A_427, %parallel_loop3A_470 : vector<16xf32>
      %parallel_loop3A_472 = arith.index_cast %parallel_loop3A_225 : i32 to index
      %parallel_loop3A_473 = arith.constant 352 : index
      %parallel_loop3A_474 = tpu.vector_load %arg7[%parallel_loop3A_472, %parallel_loop3A_473] {strides = array<i32>} : memref<32x512xf32, #tpu.memory_space<vmem>>, vector<1x16xf32>,
      %parallel_loop3A_475 = vector.shape_cast %parallel_loop3A_474 : vector<1x16xf32> to vector<16xf32>
      %parallel_loop3A_476 = arith.index_cast %parallel_loop3A_225 : i32 to index
      %parallel_loop3A_477 = arith.constant 352 : index
      %parallel_loop3A_478 = tpu.vector_load %arg10[%parallel_loop3A_476, %parallel_loop3A_477] {strides = array<i32>} : memref<32x512xf32, #tpu.memory_space<vmem>>, vector<1x16xf32>,
      %parallel_loop3A_479 = vector.shape_cast %parallel_loop3A_478 : vector<1x16xf32> to vector<16xf32>
      %parallel_loop3A_480 = arith.subf %parallel_loop3A_475, %parallel_loop3A_479 : vector<16xf32>
      %parallel_loop3A_481 = arith.mulf %parallel_loop3A_480, %parallel_loop3A_480 : vector<16xf32>
      %parallel_loop3A_482 = arith.addf %parallel_loop3A_438, %parallel_loop3A_481 : vector<16xf32>
      %parallel_loop3A_483 = arith.index_cast %parallel_loop3A_225 : i32 to index
      %parallel_loop3A_484 = arith.constant 368 : index
      %parallel_loop3A_485 = tpu.vector_load %arg7[%parallel_loop3A_483, %parallel_loop3A_484] {strides = array<i32>} : memref<32x512xf32, #tpu.memory_space<vmem>>, vector<1x16xf32>,
      %parallel_loop3A_486 = vector.shape_cast %parallel_loop3A_485 : vector<1x16xf32> to vector<16xf32>
      %parallel_loop3A_487 = arith.index_cast %parallel_loop3A_225 : i32 to index
      %parallel_loop3A_488 = arith.constant 368 : index
      %parallel_loop3A_489 = tpu.vector_load %arg10[%parallel_loop3A_487, %parallel_loop3A_488] {strides = array<i32>} : memref<32x512xf32, #tpu.memory_space<vmem>>, vector<1x16xf32>,
      %parallel_loop3A_490 = vector.shape_cast %parallel_loop3A_489 : vector<1x16xf32> to vector<16xf32>
      %parallel_loop3A_491 = arith.subf %parallel_loop3A_486, %parallel_loop3A_490 : vector<16xf32>
      %parallel_loop3A_492 = arith.mulf %parallel_loop3A_491, %parallel_loop3A_491 : vector<16xf32>
      %parallel_loop3A_493 = arith.addf %parallel_loop3A_449, %parallel_loop3A_492 : vector<16xf32>
      %parallel_loop3A_494 = arith.index_cast %parallel_loop3A_225 : i32 to index
      %parallel_loop3A_495 = arith.constant 384 : index
      %parallel_loop3A_496 = tpu.vector_load %arg7[%parallel_loop3A_494, %parallel_loop3A_495] {strides = array<i32>} : memref<32x512xf32, #tpu.memory_space<vmem>>, vector<1x16xf32>,
      %parallel_loop3A_497 = vector.shape_cast %parallel_loop3A_496 : vector<1x16xf32> to vector<16xf32>
      %parallel_loop3A_498 = arith.index_cast %parallel_loop3A_225 : i32 to index
      %parallel_loop3A_499 = arith.constant 384 : index
      %parallel_loop3A_500 = tpu.vector_load %arg10[%parallel_loop3A_498, %parallel_loop3A_499] {strides = array<i32>} : memref<32x512xf32, #tpu.memory_space<vmem>>, vector<1x16xf32>,
      %parallel_loop3A_501 = vector.shape_cast %parallel_loop3A_500 : vector<1x16xf32> to vector<16xf32>
      %parallel_loop3A_502 = arith.subf %parallel_loop3A_497, %parallel_loop3A_501 : vector<16xf32>
      %parallel_loop3A_503 = arith.mulf %parallel_loop3A_502, %parallel_loop3A_502 : vector<16xf32>
      %parallel_loop3A_504 = arith.addf %parallel_loop3A_460, %parallel_loop3A_503 : vector<16xf32>
      %parallel_loop3A_505 = arith.index_cast %parallel_loop3A_225 : i32 to index
      %parallel_loop3A_506 = arith.constant 400 : index
      %parallel_loop3A_507 = tpu.vector_load %arg7[%parallel_loop3A_505, %parallel_loop3A_506] {strides = array<i32>} : memref<32x512xf32, #tpu.memory_space<vmem>>, vector<1x16xf32>,
      %parallel_loop3A_508 = vector.shape_cast %parallel_loop3A_507 : vector<1x16xf32> to vector<16xf32>
      %parallel_loop3A_509 = arith.index_cast %parallel_loop3A_225 : i32 to index
      %parallel_loop3A_510 = arith.constant 400 : index
      %parallel_loop3A_511 = tpu.vector_load %arg10[%parallel_loop3A_509, %parallel_loop3A_510] {strides = array<i32>} : memref<32x512xf32, #tpu.memory_space<vmem>>, vector<1x16xf32>,
      %parallel_loop3A_512 = vector.shape_cast %parallel_loop3A_511 : vector<1x16xf32> to vector<16xf32>
      %parallel_loop3A_513 = arith.subf %parallel_loop3A_508, %parallel_loop3A_512 : vector<16xf32>
      %parallel_loop3A_514 = arith.mulf %parallel_loop3A_513, %parallel_loop3A_513 : vector<16xf32>
      %parallel_loop3A_515 = arith.addf %parallel_loop3A_471, %parallel_loop3A_514 : vector<16xf32>
      %parallel_loop3A_516 = arith.index_cast %parallel_loop3A_225 : i32 to index
      %parallel_loop3A_517 = arith.constant 416 : index
      %parallel_loop3A_518 = tpu.vector_load %arg7[%parallel_loop3A_516, %parallel_loop3A_517] {strides = array<i32>} : memref<32x512xf32, #tpu.memory_space<vmem>>, vector<1x16xf32>,
      %parallel_loop3A_519 = vector.shape_cast %parallel_loop3A_518 : vector<1x16xf32> to vector<16xf32>
      %parallel_loop3A_520 = arith.index_cast %parallel_loop3A_225 : i32 to index
      %parallel_loop3A_521 = arith.constant 416 : index
      %parallel_loop3A_522 = tpu.vector_load %arg10[%parallel_loop3A_520, %parallel_loop3A_521] {strides = array<i32>} : memref<32x512xf32, #tpu.memory_space<vmem>>, vector<1x16xf32>,
      %parallel_loop3A_523 = vector.shape_cast %parallel_loop3A_522 : vector<1x16xf32> to vector<16xf32>
      %parallel_loop3A_524 = arith.subf %parallel_loop3A_519, %parallel_loop3A_523 : vector<16xf32>
      %parallel_loop3A_525 = arith.mulf %parallel_loop3A_524, %parallel_loop3A_524 : vector<16xf32>
      %parallel_loop3A_526 = arith.addf %parallel_loop3A_482, %parallel_loop3A_525 : vector<16xf32>
      %parallel_loop3A_527 = arith.index_cast %parallel_loop3A_225 : i32 to index
      %parallel_loop3A_528 = arith.constant 432 : index
      %parallel_loop3A_529 = tpu.vector_load %arg7[%parallel_loop3A_527, %parallel_loop3A_528] {strides = array<i32>} : memref<32x512xf32, #tpu.memory_space<vmem>>, vector<1x16xf32>,
      %parallel_loop3A_530 = vector.shape_cast %parallel_loop3A_529 : vector<1x16xf32> to vector<16xf32>
      %parallel_loop3A_531 = arith.index_cast %parallel_loop3A_225 : i32 to index
      %parallel_loop3A_532 = arith.constant 432 : index
      %parallel_loop3A_533 = tpu.vector_load %arg10[%parallel_loop3A_531, %parallel_loop3A_532] {strides = array<i32>} : memref<32x512xf32, #tpu.memory_space<vmem>>, vector<1x16xf32>,
      %parallel_loop3A_534 = vector.shape_cast %parallel_loop3A_533 : vector<1x16xf32> to vector<16xf32>
      %parallel_loop3A_535 = arith.subf %parallel_loop3A_530, %parallel_loop3A_534 : vector<16xf32>
      %parallel_loop3A_536 = arith.mulf %parallel_loop3A_535, %parallel_loop3A_535 : vector<16xf32>
      %parallel_loop3A_537 = arith.addf %parallel_loop3A_493, %parallel_loop3A_536 : vector<16xf32>
      %parallel_loop3A_538 = arith.index_cast %parallel_loop3A_225 : i32 to index
      %parallel_loop3A_539 = arith.constant 448 : index
      %parallel_loop3A_540 = tpu.vector_load %arg7[%parallel_loop3A_538, %parallel_loop3A_539] {strides = array<i32>} : memref<32x512xf32, #tpu.memory_space<vmem>>, vector<1x16xf32>,
      %parallel_loop3A_541 = vector.shape_cast %parallel_loop3A_540 : vector<1x16xf32> to vector<16xf32>
      %parallel_loop3A_542 = arith.index_cast %parallel_loop3A_225 : i32 to index
      %parallel_loop3A_543 = arith.constant 448 : index
      %parallel_loop3A_544 = tpu.vector_load %arg10[%parallel_loop3A_542, %parallel_loop3A_543] {strides = array<i32>} : memref<32x512xf32, #tpu.memory_space<vmem>>, vector<1x16xf32>,
      %parallel_loop3A_545 = vector.shape_cast %parallel_loop3A_544 : vector<1x16xf32> to vector<16xf32>
      %parallel_loop3A_546 = arith.subf %parallel_loop3A_541, %parallel_loop3A_545 : vector<16xf32>
      %parallel_loop3A_547 = arith.mulf %parallel_loop3A_546, %parallel_loop3A_546 : vector<16xf32>
      %parallel_loop3A_548 = arith.addf %parallel_loop3A_504, %parallel_loop3A_547 : vector<16xf32>
      %parallel_loop3A_549 = arith.index_cast %parallel_loop3A_225 : i32 to index
      %parallel_loop3A_550 = arith.constant 464 : index
      %parallel_loop3A_551 = tpu.vector_load %arg7[%parallel_loop3A_549, %parallel_loop3A_550] {strides = array<i32>} : memref<32x512xf32, #tpu.memory_space<vmem>>, vector<1x16xf32>,
      %parallel_loop3A_552 = vector.shape_cast %parallel_loop3A_551 : vector<1x16xf32> to vector<16xf32>
      %parallel_loop3A_553 = arith.index_cast %parallel_loop3A_225 : i32 to index
      %parallel_loop3A_554 = arith.constant 464 : index
      %parallel_loop3A_555 = tpu.vector_load %arg10[%parallel_loop3A_553, %parallel_loop3A_554] {strides = array<i32>} : memref<32x512xf32, #tpu.memory_space<vmem>>, vector<1x16xf32>,
      %parallel_loop3A_556 = vector.shape_cast %parallel_loop3A_555 : vector<1x16xf32> to vector<16xf32>
      %parallel_loop3A_557 = arith.subf %parallel_loop3A_552, %parallel_loop3A_556 : vector<16xf32>
      %parallel_loop3A_558 = arith.mulf %parallel_loop3A_557, %parallel_loop3A_557 : vector<16xf32>
      %parallel_loop3A_559 = arith.addf %parallel_loop3A_515, %parallel_loop3A_558 : vector<16xf32>
      %parallel_loop3A_560 = arith.index_cast %parallel_loop3A_225 : i32 to index
      %parallel_loop3A_561 = arith.constant 480 : index
      %parallel_loop3A_562 = tpu.vector_load %arg7[%parallel_loop3A_560, %parallel_loop3A_561] {strides = array<i32>} : memref<32x512xf32, #tpu.memory_space<vmem>>, vector<1x16xf32>,
      %parallel_loop3A_563 = vector.shape_cast %parallel_loop3A_562 : vector<1x16xf32> to vector<16xf32>
      %parallel_loop3A_564 = arith.index_cast %parallel_loop3A_225 : i32 to index
      %parallel_loop3A_565 = arith.constant 480 : index
      %parallel_loop3A_566 = tpu.vector_load %arg10[%parallel_loop3A_564, %parallel_loop3A_565] {strides = array<i32>} : memref<32x512xf32, #tpu.memory_space<vmem>>, vector<1x16xf32>,
      %parallel_loop3A_567 = vector.shape_cast %parallel_loop3A_566 : vector<1x16xf32> to vector<16xf32>
      %parallel_loop3A_568 = arith.subf %parallel_loop3A_563, %parallel_loop3A_567 : vector<16xf32>
      %parallel_loop3A_569 = arith.mulf %parallel_loop3A_568, %parallel_loop3A_568 : vector<16xf32>
      %parallel_loop3A_570 = arith.addf %parallel_loop3A_526, %parallel_loop3A_569 : vector<16xf32>
      %parallel_loop3A_571 = arith.index_cast %parallel_loop3A_225 : i32 to index
      %parallel_loop3A_572 = arith.constant 496 : index
      %parallel_loop3A_573 = tpu.vector_load %arg7[%parallel_loop3A_571, %parallel_loop3A_572] {strides = array<i32>} : memref<32x512xf32, #tpu.memory_space<vmem>>, vector<1x16xf32>,
      %parallel_loop3A_574 = vector.shape_cast %parallel_loop3A_573 : vector<1x16xf32> to vector<16xf32>
      %parallel_loop3A_575 = arith.index_cast %parallel_loop3A_225 : i32 to index
      %parallel_loop3A_576 = arith.constant 496 : index
      %parallel_loop3A_577 = tpu.vector_load %arg10[%parallel_loop3A_575, %parallel_loop3A_576] {strides = array<i32>} : memref<32x512xf32, #tpu.memory_space<vmem>>, vector<1x16xf32>,
      %parallel_loop3A_578 = vector.shape_cast %parallel_loop3A_577 : vector<1x16xf32> to vector<16xf32>
      %parallel_loop3A_579 = arith.subf %parallel_loop3A_574, %parallel_loop3A_578 : vector<16xf32>
      %parallel_loop3A_580 = arith.mulf %parallel_loop3A_579, %parallel_loop3A_579 : vector<16xf32>
      %parallel_loop3A_581 = arith.addf %parallel_loop3A_537, %parallel_loop3A_580 : vector<16xf32>
      scf.yield %parallel_loop3A_548, %parallel_loop3A_559, %parallel_loop3A_570, %parallel_loop3A_581 : vector<16xf32>, vector<16xf32>, vector<16xf32>, vector<16xf32>
    } {sc.loop_unroll_factor = 2 : i64, sc.parallel_access}
    %add3A_91 = arith.constant 64 : i32
    %add3A_92 = arith.addi %mul3A_2, %add3A_91 : i32
    %dma_start3A_93 = arith.constant 0 : i32
    %dma_start3A_94 = arith.constant 0 : i32
    %dma_start3A_95 = tpu.memref_slice %arg7[%dma_start3A_93, %dma_start3A_94] : memref<32x512xf32, #tpu.memory_space<vmem>> -> memref<32x512xf32, #tpu.memory_space<vmem>>
    %dma_start3A_96 = arith.constant 0 : i32
    %dma_start3A_97 = tpu.memref_slice %arg2[%add3A_92, %dma_start3A_96] : memref<4096x512xf32, #tpu.memory_space<hbm>> -> memref<32x512xf32, #tpu.memory_space<hbm>>
    %dma_start3A_98 = arith.constant 0 : i32
    %dma_start3A_99 = arith.constant 0 : i32
    %dma_start3A_100 = tpu.memref_slice %arg7[%dma_start3A_98, %dma_start3A_99] : memref<32x512xf32, #tpu.memory_space<vmem>> -> memref<32x512xf32, #tpu.memory_space<vmem>>
    %dma_start3A_101 = arith.constant 0 : i32
    %dma_start3A_102 = tpu.memref_slice %arg2[%add3A_92, %dma_start3A_101] : memref<4096x512xf32, #tpu.memory_space<hbm>> -> memref<32x512xf32, #tpu.memory_space<hbm>>
    tpu.enqueue_dma source(%dma_start3A_102 : memref<32x512xf32, #tpu.memory_space<hbm>>) target(%dma_start3A_100 : memref<32x512xf32, #tpu.memory_space<vmem>>) target_semaphore(%arg14 : memref<!tpu.dma_semaphore, #tpu.memory_space<semaphore_mem>>)
    %dma_start3A_103 = arith.constant 0 : i32
    %dma_start3A_104 = arith.constant 0 : i32
    %dma_start3A_105 = tpu.memref_slice %arg10[%dma_start3A_103, %dma_start3A_104] : memref<32x512xf32, #tpu.memory_space<vmem>> -> memref<32x512xf32, #tpu.memory_space<vmem>>
    %dma_start3A_106 = arith.constant 64 : i32
    %dma_start3A_107 = tpu.memref_slice %arg6[%dma_start3A_106] : memref<128xi32, #tpu.memory_space<vmem>> -> memref<32xi32, #tpu.memory_space<vmem>>
    %dma_start3A_108 = arith.constant 0 : i32
    %dma_start3A_109 = arith.constant 0 : i32
    %dma_start3A_110 = tpu.memref_slice %arg4[%dma_start3A_108, %dma_start3A_109] : memref<10000x512xf32, #tpu.memory_space<hbm>> -> memref<10000x512xf32, #tpu.memory_space<hbm>>
    tpu.enqueue_indirect_dma source(%dma_start3A_110 : memref<10000x512xf32, #tpu.memory_space<hbm>>) target(%dma_start3A_105 : memref<32x512xf32, #tpu.memory_space<vmem>>) offsets(%dma_start3A_107 : memref<32xi32, #tpu.memory_space<vmem>>) semaphore(%arg17 : memref<!tpu.dma_semaphore, #tpu.memory_space<semaphore_mem>>)
    %dma_wait3A_111 = arith.constant 0 : i32
    %dma_wait3A_112 = arith.constant 0 : i32
    %dma_wait3A_113 = tpu.memref_slice %arg8[%dma_wait3A_111, %dma_wait3A_112] : memref<32x512xf32, #tpu.memory_space<vmem>> -> memref<16x512xf32, #tpu.memory_space<vmem>>
    %dma_wait3A_114 = arith.constant 0 : i32
    %dma_wait3A_115 = tpu.memref_slice %arg2[%add3A_32, %dma_wait3A_114] : memref<4096x512xf32, #tpu.memory_space<hbm>> -> memref<16x512xf32, #tpu.memory_space<hbm>>
    %dma_wait3A_116 = arith.constant 0 : i32
    %dma_wait3A_117 = arith.constant 0 : i32
    %dma_wait3A_118 = tpu.memref_slice %arg8[%dma_wait3A_116, %dma_wait3A_117] : memref<32x512xf32, #tpu.memory_space<vmem>> -> memref<16x512xf32, #tpu.memory_space<vmem>>
    %dma_wait3A_119 = arith.constant 0 : i32
    %dma_wait3A_120 = tpu.memref_slice %arg2[%add3A_32, %dma_wait3A_119] : memref<4096x512xf32, #tpu.memory_space<hbm>> -> memref<16x512xf32, #tpu.memory_space<hbm>>
    tpu.wait_dma2 semaphore(%arg15 : memref<!tpu.dma_semaphore, #tpu.memory_space<semaphore_mem>>) src(%dma_wait3A_120 : memref<16x512xf32, #tpu.memory_space<hbm>>) dst(%dma_wait3A_118 : memref<16x512xf32, #tpu.memory_space<vmem>>)
    %dma_wait3A_121 = arith.constant 0 : i32
    %dma_wait3A_122 = arith.constant 0 : i32
    %dma_wait3A_123 = tpu.memref_slice %arg11[%dma_wait3A_121, %dma_wait3A_122] : memref<32x512xf32, #tpu.memory_space<vmem>> -> memref<16x512xf32, #tpu.memory_space<vmem>>
    %dma_wait3A_124 = arith.constant 16 : i32
    %dma_wait3A_125 = tpu.memref_slice %arg6[%dma_wait3A_124] : memref<128xi32, #tpu.memory_space<vmem>> -> memref<16xi32, #tpu.memory_space<vmem>>
    %dma_wait3A_126 = arith.constant 0 : i32
    %dma_wait3A_127 = arith.constant 0 : i32
    %dma_wait3A_128 = tpu.memref_slice %arg4[%dma_wait3A_126, %dma_wait3A_127] : memref<10000x512xf32, #tpu.memory_space<hbm>> -> memref<10000x512xf32, #tpu.memory_space<hbm>>
    tpu.wait_indirect_dma semaphore(%arg18 : memref<!tpu.dma_semaphore, #tpu.memory_space<semaphore_mem>>) src(%dma_wait3A_128 : memref<10000x512xf32, #tpu.memory_space<hbm>>) dst(%dma_wait3A_123 : memref<16x512xf32, #tpu.memory_space<vmem>>)
    %parallel_loop3A_129 = arith.constant 0 : i32
    %parallel_loop3A_130 = arith.constant 16 : i32
    %parallel_loop3A_131 = arith.constant 1 : i32
    %parallel_loop3A_132:4 = scf.for %parallel_loop3A_225 = %parallel_loop3A_129 to %parallel_loop3A_130 step %parallel_loop3A_131 iter_args(%parallel_loop3A_226 = %parallel_loop3A_90#0, %parallel_loop3A_227 = %parallel_loop3A_90#1, %parallel_loop3A_228 = %parallel_loop3A_90#2, %parallel_loop3A_229 = %parallel_loop3A_90#3) -> (vector<16xf32>, vector<16xf32>, vector<16xf32>, vector<16xf32>)  : i32 {
      %parallel_loop3A_230 = arith.index_cast %parallel_loop3A_225 : i32 to index
      %parallel_loop3A_231 = arith.constant 0 : index
      %parallel_loop3A_232 = tpu.vector_load %arg8[%parallel_loop3A_230, %parallel_loop3A_231] {strides = array<i32>} : memref<32x512xf32, #tpu.memory_space<vmem>>, vector<1x16xf32>,
      %parallel_loop3A_233 = vector.shape_cast %parallel_loop3A_232 : vector<1x16xf32> to vector<16xf32>
      %parallel_loop3A_234 = arith.index_cast %parallel_loop3A_225 : i32 to index
      %parallel_loop3A_235 = arith.constant 0 : index
      %parallel_loop3A_236 = tpu.vector_load %arg11[%parallel_loop3A_234, %parallel_loop3A_235] {strides = array<i32>} : memref<32x512xf32, #tpu.memory_space<vmem>>, vector<1x16xf32>,
      %parallel_loop3A_237 = vector.shape_cast %parallel_loop3A_236 : vector<1x16xf32> to vector<16xf32>
      %parallel_loop3A_238 = arith.subf %parallel_loop3A_233, %parallel_loop3A_237 : vector<16xf32>
      %parallel_loop3A_239 = arith.mulf %parallel_loop3A_238, %parallel_loop3A_238 : vector<16xf32>
      %parallel_loop3A_240 = arith.addf %parallel_loop3A_226, %parallel_loop3A_239 : vector<16xf32>
      %parallel_loop3A_241 = arith.index_cast %parallel_loop3A_225 : i32 to index
      %parallel_loop3A_242 = arith.constant 16 : index
      %parallel_loop3A_243 = tpu.vector_load %arg8[%parallel_loop3A_241, %parallel_loop3A_242] {strides = array<i32>} : memref<32x512xf32, #tpu.memory_space<vmem>>, vector<1x16xf32>,
      %parallel_loop3A_244 = vector.shape_cast %parallel_loop3A_243 : vector<1x16xf32> to vector<16xf32>
      %parallel_loop3A_245 = arith.index_cast %parallel_loop3A_225 : i32 to index
      %parallel_loop3A_246 = arith.constant 16 : index
      %parallel_loop3A_247 = tpu.vector_load %arg11[%parallel_loop3A_245, %parallel_loop3A_246] {strides = array<i32>} : memref<32x512xf32, #tpu.memory_space<vmem>>, vector<1x16xf32>,
      %parallel_loop3A_248 = vector.shape_cast %parallel_loop3A_247 : vector<1x16xf32> to vector<16xf32>
      %parallel_loop3A_249 = arith.subf %parallel_loop3A_244, %parallel_loop3A_248 : vector<16xf32>
      %parallel_loop3A_250 = arith.mulf %parallel_loop3A_249, %parallel_loop3A_249 : vector<16xf32>
      %parallel_loop3A_251 = arith.addf %parallel_loop3A_227, %parallel_loop3A_250 : vector<16xf32>
      %parallel_loop3A_252 = arith.index_cast %parallel_loop3A_225 : i32 to index
      %parallel_loop3A_253 = arith.constant 32 : index
      %parallel_loop3A_254 = tpu.vector_load %arg8[%parallel_loop3A_252, %parallel_loop3A_253] {strides = array<i32>} : memref<32x512xf32, #tpu.memory_space<vmem>>, vector<1x16xf32>,
      %parallel_loop3A_255 = vector.shape_cast %parallel_loop3A_254 : vector<1x16xf32> to vector<16xf32>
      %parallel_loop3A_256 = arith.index_cast %parallel_loop3A_225 : i32 to index
      %parallel_loop3A_257 = arith.constant 32 : index
      %parallel_loop3A_258 = tpu.vector_load %arg11[%parallel_loop3A_256, %parallel_loop3A_257] {strides = array<i32>} : memref<32x512xf32, #tpu.memory_space<vmem>>, vector<1x16xf32>,
      %parallel_loop3A_259 = vector.shape_cast %parallel_loop3A_258 : vector<1x16xf32> to vector<16xf32>
      %parallel_loop3A_260 = arith.subf %parallel_loop3A_255, %parallel_loop3A_259 : vector<16xf32>
      %parallel_loop3A_261 = arith.mulf %parallel_loop3A_260, %parallel_loop3A_260 : vector<16xf32>
      %parallel_loop3A_262 = arith.addf %parallel_loop3A_228, %parallel_loop3A_261 : vector<16xf32>
      %parallel_loop3A_263 = arith.index_cast %parallel_loop3A_225 : i32 to index
      %parallel_loop3A_264 = arith.constant 48 : index
      %parallel_loop3A_265 = tpu.vector_load %arg8[%parallel_loop3A_263, %parallel_loop3A_264] {strides = array<i32>} : memref<32x512xf32, #tpu.memory_space<vmem>>, vector<1x16xf32>,
      %parallel_loop3A_266 = vector.shape_cast %parallel_loop3A_265 : vector<1x16xf32> to vector<16xf32>
      %parallel_loop3A_267 = arith.index_cast %parallel_loop3A_225 : i32 to index
      %parallel_loop3A_268 = arith.constant 48 : index
      %parallel_loop3A_269 = tpu.vector_load %arg11[%parallel_loop3A_267, %parallel_loop3A_268] {strides = array<i32>} : memref<32x512xf32, #tpu.memory_space<vmem>>, vector<1x16xf32>,
      %parallel_loop3A_270 = vector.shape_cast %parallel_loop3A_269 : vector<1x16xf32> to vector<16xf32>
      %parallel_loop3A_271 = arith.subf %parallel_loop3A_266, %parallel_loop3A_270 : vector<16xf32>
      %parallel_loop3A_272 = arith.mulf %parallel_loop3A_271, %parallel_loop3A_271 : vector<16xf32>
      %parallel_loop3A_273 = arith.addf %parallel_loop3A_229, %parallel_loop3A_272 : vector<16xf32>
      %parallel_loop3A_274 = arith.index_cast %parallel_loop3A_225 : i32 to index
      %parallel_loop3A_275 = arith.constant 64 : index
      %parallel_loop3A_276 = tpu.vector_load %arg8[%parallel_loop3A_274, %parallel_loop3A_275] {strides = array<i32>} : memref<32x512xf32, #tpu.memory_space<vmem>>, vector<1x16xf32>,
      %parallel_loop3A_277 = vector.shape_cast %parallel_loop3A_276 : vector<1x16xf32> to vector<16xf32>
      %parallel_loop3A_278 = arith.index_cast %parallel_loop3A_225 : i32 to index
      %parallel_loop3A_279 = arith.constant 64 : index
      %parallel_loop3A_280 = tpu.vector_load %arg11[%parallel_loop3A_278, %parallel_loop3A_279] {strides = array<i32>} : memref<32x512xf32, #tpu.memory_space<vmem>>, vector<1x16xf32>,
      %parallel_loop3A_281 = vector.shape_cast %parallel_loop3A_280 : vector<1x16xf32> to vector<16xf32>
      %parallel_loop3A_282 = arith.subf %parallel_loop3A_277, %parallel_loop3A_281 : vector<16xf32>
      %parallel_loop3A_283 = arith.mulf %parallel_loop3A_282, %parallel_loop3A_282 : vector<16xf32>
      %parallel_loop3A_284 = arith.addf %parallel_loop3A_240, %parallel_loop3A_283 : vector<16xf32>
      %parallel_loop3A_285 = arith.index_cast %parallel_loop3A_225 : i32 to index
      %parallel_loop3A_286 = arith.constant 80 : index
      %parallel_loop3A_287 = tpu.vector_load %arg8[%parallel_loop3A_285, %parallel_loop3A_286] {strides = array<i32>} : memref<32x512xf32, #tpu.memory_space<vmem>>, vector<1x16xf32>,
      %parallel_loop3A_288 = vector.shape_cast %parallel_loop3A_287 : vector<1x16xf32> to vector<16xf32>
      %parallel_loop3A_289 = arith.index_cast %parallel_loop3A_225 : i32 to index
      %parallel_loop3A_290 = arith.constant 80 : index
      %parallel_loop3A_291 = tpu.vector_load %arg11[%parallel_loop3A_289, %parallel_loop3A_290] {strides = array<i32>} : memref<32x512xf32, #tpu.memory_space<vmem>>, vector<1x16xf32>,
      %parallel_loop3A_292 = vector.shape_cast %parallel_loop3A_291 : vector<1x16xf32> to vector<16xf32>
      %parallel_loop3A_293 = arith.subf %parallel_loop3A_288, %parallel_loop3A_292 : vector<16xf32>
      %parallel_loop3A_294 = arith.mulf %parallel_loop3A_293, %parallel_loop3A_293 : vector<16xf32>
      %parallel_loop3A_295 = arith.addf %parallel_loop3A_251, %parallel_loop3A_294 : vector<16xf32>
      %parallel_loop3A_296 = arith.index_cast %parallel_loop3A_225 : i32 to index
      %parallel_loop3A_297 = arith.constant 96 : index
      %parallel_loop3A_298 = tpu.vector_load %arg8[%parallel_loop3A_296, %parallel_loop3A_297] {strides = array<i32>} : memref<32x512xf32, #tpu.memory_space<vmem>>, vector<1x16xf32>,
      %parallel_loop3A_299 = vector.shape_cast %parallel_loop3A_298 : vector<1x16xf32> to vector<16xf32>
      %parallel_loop3A_300 = arith.index_cast %parallel_loop3A_225 : i32 to index
      %parallel_loop3A_301 = arith.constant 96 : index
      %parallel_loop3A_302 = tpu.vector_load %arg11[%parallel_loop3A_300, %parallel_loop3A_301] {strides = array<i32>} : memref<32x512xf32, #tpu.memory_space<vmem>>, vector<1x16xf32>,
      %parallel_loop3A_303 = vector.shape_cast %parallel_loop3A_302 : vector<1x16xf32> to vector<16xf32>
      %parallel_loop3A_304 = arith.subf %parallel_loop3A_299, %parallel_loop3A_303 : vector<16xf32>
      %parallel_loop3A_305 = arith.mulf %parallel_loop3A_304, %parallel_loop3A_304 : vector<16xf32>
      %parallel_loop3A_306 = arith.addf %parallel_loop3A_262, %parallel_loop3A_305 : vector<16xf32>
      %parallel_loop3A_307 = arith.index_cast %parallel_loop3A_225 : i32 to index
      %parallel_loop3A_308 = arith.constant 112 : index
      %parallel_loop3A_309 = tpu.vector_load %arg8[%parallel_loop3A_307, %parallel_loop3A_308] {strides = array<i32>} : memref<32x512xf32, #tpu.memory_space<vmem>>, vector<1x16xf32>,
      %parallel_loop3A_310 = vector.shape_cast %parallel_loop3A_309 : vector<1x16xf32> to vector<16xf32>
      %parallel_loop3A_311 = arith.index_cast %parallel_loop3A_225 : i32 to index
      %parallel_loop3A_312 = arith.constant 112 : index
      %parallel_loop3A_313 = tpu.vector_load %arg11[%parallel_loop3A_311, %parallel_loop3A_312] {strides = array<i32>} : memref<32x512xf32, #tpu.memory_space<vmem>>, vector<1x16xf32>,
      %parallel_loop3A_314 = vector.shape_cast %parallel_loop3A_313 : vector<1x16xf32> to vector<16xf32>
      %parallel_loop3A_315 = arith.subf %parallel_loop3A_310, %parallel_loop3A_314 : vector<16xf32>
      %parallel_loop3A_316 = arith.mulf %parallel_loop3A_315, %parallel_loop3A_315 : vector<16xf32>
      %parallel_loop3A_317 = arith.addf %parallel_loop3A_273, %parallel_loop3A_316 : vector<16xf32>
      %parallel_loop3A_318 = arith.index_cast %parallel_loop3A_225 : i32 to index
      %parallel_loop3A_319 = arith.constant 128 : index
      %parallel_loop3A_320 = tpu.vector_load %arg8[%parallel_loop3A_318, %parallel_loop3A_319] {strides = array<i32>} : memref<32x512xf32, #tpu.memory_space<vmem>>, vector<1x16xf32>,
      %parallel_loop3A_321 = vector.shape_cast %parallel_loop3A_320 : vector<1x16xf32> to vector<16xf32>
      %parallel_loop3A_322 = arith.index_cast %parallel_loop3A_225 : i32 to index
      %parallel_loop3A_323 = arith.constant 128 : index
      %parallel_loop3A_324 = tpu.vector_load %arg11[%parallel_loop3A_322, %parallel_loop3A_323] {strides = array<i32>} : memref<32x512xf32, #tpu.memory_space<vmem>>, vector<1x16xf32>,
      %parallel_loop3A_325 = vector.shape_cast %parallel_loop3A_324 : vector<1x16xf32> to vector<16xf32>
      %parallel_loop3A_326 = arith.subf %parallel_loop3A_321, %parallel_loop3A_325 : vector<16xf32>
      %parallel_loop3A_327 = arith.mulf %parallel_loop3A_326, %parallel_loop3A_326 : vector<16xf32>
      %parallel_loop3A_328 = arith.addf %parallel_loop3A_284, %parallel_loop3A_327 : vector<16xf32>
      %parallel_loop3A_329 = arith.index_cast %parallel_loop3A_225 : i32 to index
      %parallel_loop3A_330 = arith.constant 144 : index
      %parallel_loop3A_331 = tpu.vector_load %arg8[%parallel_loop3A_329, %parallel_loop3A_330] {strides = array<i32>} : memref<32x512xf32, #tpu.memory_space<vmem>>, vector<1x16xf32>,
      %parallel_loop3A_332 = vector.shape_cast %parallel_loop3A_331 : vector<1x16xf32> to vector<16xf32>
      %parallel_loop3A_333 = arith.index_cast %parallel_loop3A_225 : i32 to index
      %parallel_loop3A_334 = arith.constant 144 : index
      %parallel_loop3A_335 = tpu.vector_load %arg11[%parallel_loop3A_333, %parallel_loop3A_334] {strides = array<i32>} : memref<32x512xf32, #tpu.memory_space<vmem>>, vector<1x16xf32>,
      %parallel_loop3A_336 = vector.shape_cast %parallel_loop3A_335 : vector<1x16xf32> to vector<16xf32>
      %parallel_loop3A_337 = arith.subf %parallel_loop3A_332, %parallel_loop3A_336 : vector<16xf32>
      %parallel_loop3A_338 = arith.mulf %parallel_loop3A_337, %parallel_loop3A_337 : vector<16xf32>
      %parallel_loop3A_339 = arith.addf %parallel_loop3A_295, %parallel_loop3A_338 : vector<16xf32>
      %parallel_loop3A_340 = arith.index_cast %parallel_loop3A_225 : i32 to index
      %parallel_loop3A_341 = arith.constant 160 : index
      %parallel_loop3A_342 = tpu.vector_load %arg8[%parallel_loop3A_340, %parallel_loop3A_341] {strides = array<i32>} : memref<32x512xf32, #tpu.memory_space<vmem>>, vector<1x16xf32>,
      %parallel_loop3A_343 = vector.shape_cast %parallel_loop3A_342 : vector<1x16xf32> to vector<16xf32>
      %parallel_loop3A_344 = arith.index_cast %parallel_loop3A_225 : i32 to index
      %parallel_loop3A_345 = arith.constant 160 : index
      %parallel_loop3A_346 = tpu.vector_load %arg11[%parallel_loop3A_344, %parallel_loop3A_345] {strides = array<i32>} : memref<32x512xf32, #tpu.memory_space<vmem>>, vector<1x16xf32>,
      %parallel_loop3A_347 = vector.shape_cast %parallel_loop3A_346 : vector<1x16xf32> to vector<16xf32>
      %parallel_loop3A_348 = arith.subf %parallel_loop3A_343, %parallel_loop3A_347 : vector<16xf32>
      %parallel_loop3A_349 = arith.mulf %parallel_loop3A_348, %parallel_loop3A_348 : vector<16xf32>
      %parallel_loop3A_350 = arith.addf %parallel_loop3A_306, %parallel_loop3A_349 : vector<16xf32>
      %parallel_loop3A_351 = arith.index_cast %parallel_loop3A_225 : i32 to index
      %parallel_loop3A_352 = arith.constant 176 : index
      %parallel_loop3A_353 = tpu.vector_load %arg8[%parallel_loop3A_351, %parallel_loop3A_352] {strides = array<i32>} : memref<32x512xf32, #tpu.memory_space<vmem>>, vector<1x16xf32>,
      %parallel_loop3A_354 = vector.shape_cast %parallel_loop3A_353 : vector<1x16xf32> to vector<16xf32>
      %parallel_loop3A_355 = arith.index_cast %parallel_loop3A_225 : i32 to index
      %parallel_loop3A_356 = arith.constant 176 : index
      %parallel_loop3A_357 = tpu.vector_load %arg11[%parallel_loop3A_355, %parallel_loop3A_356] {strides = array<i32>} : memref<32x512xf32, #tpu.memory_space<vmem>>, vector<1x16xf32>,
      %parallel_loop3A_358 = vector.shape_cast %parallel_loop3A_357 : vector<1x16xf32> to vector<16xf32>
      %parallel_loop3A_359 = arith.subf %parallel_loop3A_354, %parallel_loop3A_358 : vector<16xf32>
      %parallel_loop3A_360 = arith.mulf %parallel_loop3A_359, %parallel_loop3A_359 : vector<16xf32>
      %parallel_loop3A_361 = arith.addf %parallel_loop3A_317, %parallel_loop3A_360 : vector<16xf32>
      %parallel_loop3A_362 = arith.index_cast %parallel_loop3A_225 : i32 to index
      %parallel_loop3A_363 = arith.constant 192 : index
      %parallel_loop3A_364 = tpu.vector_load %arg8[%parallel_loop3A_362, %parallel_loop3A_363] {strides = array<i32>} : memref<32x512xf32, #tpu.memory_space<vmem>>, vector<1x16xf32>,
      %parallel_loop3A_365 = vector.shape_cast %parallel_loop3A_364 : vector<1x16xf32> to vector<16xf32>
      %parallel_loop3A_366 = arith.index_cast %parallel_loop3A_225 : i32 to index
      %parallel_loop3A_367 = arith.constant 192 : index
      %parallel_loop3A_368 = tpu.vector_load %arg11[%parallel_loop3A_366, %parallel_loop3A_367] {strides = array<i32>} : memref<32x512xf32, #tpu.memory_space<vmem>>, vector<1x16xf32>,
      %parallel_loop3A_369 = vector.shape_cast %parallel_loop3A_368 : vector<1x16xf32> to vector<16xf32>
      %parallel_loop3A_370 = arith.subf %parallel_loop3A_365, %parallel_loop3A_369 : vector<16xf32>
      %parallel_loop3A_371 = arith.mulf %parallel_loop3A_370, %parallel_loop3A_370 : vector<16xf32>
      %parallel_loop3A_372 = arith.addf %parallel_loop3A_328, %parallel_loop3A_371 : vector<16xf32>
      %parallel_loop3A_373 = arith.index_cast %parallel_loop3A_225 : i32 to index
      %parallel_loop3A_374 = arith.constant 208 : index
      %parallel_loop3A_375 = tpu.vector_load %arg8[%parallel_loop3A_373, %parallel_loop3A_374] {strides = array<i32>} : memref<32x512xf32, #tpu.memory_space<vmem>>, vector<1x16xf32>,
      %parallel_loop3A_376 = vector.shape_cast %parallel_loop3A_375 : vector<1x16xf32> to vector<16xf32>
      %parallel_loop3A_377 = arith.index_cast %parallel_loop3A_225 : i32 to index
      %parallel_loop3A_378 = arith.constant 208 : index
      %parallel_loop3A_379 = tpu.vector_load %arg11[%parallel_loop3A_377, %parallel_loop3A_378] {strides = array<i32>} : memref<32x512xf32, #tpu.memory_space<vmem>>, vector<1x16xf32>,
      %parallel_loop3A_380 = vector.shape_cast %parallel_loop3A_379 : vector<1x16xf32> to vector<16xf32>
      %parallel_loop3A_381 = arith.subf %parallel_loop3A_376, %parallel_loop3A_380 : vector<16xf32>
      %parallel_loop3A_382 = arith.mulf %parallel_loop3A_381, %parallel_loop3A_381 : vector<16xf32>
      %parallel_loop3A_383 = arith.addf %parallel_loop3A_339, %parallel_loop3A_382 : vector<16xf32>
      %parallel_loop3A_384 = arith.index_cast %parallel_loop3A_225 : i32 to index
      %parallel_loop3A_385 = arith.constant 224 : index
      %parallel_loop3A_386 = tpu.vector_load %arg8[%parallel_loop3A_384, %parallel_loop3A_385] {strides = array<i32>} : memref<32x512xf32, #tpu.memory_space<vmem>>, vector<1x16xf32>,
      %parallel_loop3A_387 = vector.shape_cast %parallel_loop3A_386 : vector<1x16xf32> to vector<16xf32>
      %parallel_loop3A_388 = arith.index_cast %parallel_loop3A_225 : i32 to index
      %parallel_loop3A_389 = arith.constant 224 : index
      %parallel_loop3A_390 = tpu.vector_load %arg11[%parallel_loop3A_388, %parallel_loop3A_389] {strides = array<i32>} : memref<32x512xf32, #tpu.memory_space<vmem>>, vector<1x16xf32>,
      %parallel_loop3A_391 = vector.shape_cast %parallel_loop3A_390 : vector<1x16xf32> to vector<16xf32>
      %parallel_loop3A_392 = arith.subf %parallel_loop3A_387, %parallel_loop3A_391 : vector<16xf32>
      %parallel_loop3A_393 = arith.mulf %parallel_loop3A_392, %parallel_loop3A_392 : vector<16xf32>
      %parallel_loop3A_394 = arith.addf %parallel_loop3A_350, %parallel_loop3A_393 : vector<16xf32>
      %parallel_loop3A_395 = arith.index_cast %parallel_loop3A_225 : i32 to index
      %parallel_loop3A_396 = arith.constant 240 : index
      %parallel_loop3A_397 = tpu.vector_load %arg8[%parallel_loop3A_395, %parallel_loop3A_396] {strides = array<i32>} : memref<32x512xf32, #tpu.memory_space<vmem>>, vector<1x16xf32>,
      %parallel_loop3A_398 = vector.shape_cast %parallel_loop3A_397 : vector<1x16xf32> to vector<16xf32>
      %parallel_loop3A_399 = arith.index_cast %parallel_loop3A_225 : i32 to index
      %parallel_loop3A_400 = arith.constant 240 : index
      %parallel_loop3A_401 = tpu.vector_load %arg11[%parallel_loop3A_399, %parallel_loop3A_400] {strides = array<i32>} : memref<32x512xf32, #tpu.memory_space<vmem>>, vector<1x16xf32>,
      %parallel_loop3A_402 = vector.shape_cast %parallel_loop3A_401 : vector<1x16xf32> to vector<16xf32>
      %parallel_loop3A_403 = arith.subf %parallel_loop3A_398, %parallel_loop3A_402 : vector<16xf32>
      %parallel_loop3A_404 = arith.mulf %parallel_loop3A_403, %parallel_loop3A_403 : vector<16xf32>
      %parallel_loop3A_405 = arith.addf %parallel_loop3A_361, %parallel_loop3A_404 : vector<16xf32>
      %parallel_loop3A_406 = arith.index_cast %parallel_loop3A_225 : i32 to index
      %parallel_loop3A_407 = arith.constant 256 : index
      %parallel_loop3A_408 = tpu.vector_load %arg8[%parallel_loop3A_406, %parallel_loop3A_407] {strides = array<i32>} : memref<32x512xf32, #tpu.memory_space<vmem>>, vector<1x16xf32>,
      %parallel_loop3A_409 = vector.shape_cast %parallel_loop3A_408 : vector<1x16xf32> to vector<16xf32>
      %parallel_loop3A_410 = arith.index_cast %parallel_loop3A_225 : i32 to index
      %parallel_loop3A_411 = arith.constant 256 : index
      %parallel_loop3A_412 = tpu.vector_load %arg11[%parallel_loop3A_410, %parallel_loop3A_411] {strides = array<i32>} : memref<32x512xf32, #tpu.memory_space<vmem>>, vector<1x16xf32>,
      %parallel_loop3A_413 = vector.shape_cast %parallel_loop3A_412 : vector<1x16xf32> to vector<16xf32>
      %parallel_loop3A_414 = arith.subf %parallel_loop3A_409, %parallel_loop3A_413 : vector<16xf32>
      %parallel_loop3A_415 = arith.mulf %parallel_loop3A_414, %parallel_loop3A_414 : vector<16xf32>
      %parallel_loop3A_416 = arith.addf %parallel_loop3A_372, %parallel_loop3A_415 : vector<16xf32>
      %parallel_loop3A_417 = arith.index_cast %parallel_loop3A_225 : i32 to index
      %parallel_loop3A_418 = arith.constant 272 : index
      %parallel_loop3A_419 = tpu.vector_load %arg8[%parallel_loop3A_417, %parallel_loop3A_418] {strides = array<i32>} : memref<32x512xf32, #tpu.memory_space<vmem>>, vector<1x16xf32>,
      %parallel_loop3A_420 = vector.shape_cast %parallel_loop3A_419 : vector<1x16xf32> to vector<16xf32>
      %parallel_loop3A_421 = arith.index_cast %parallel_loop3A_225 : i32 to index
      %parallel_loop3A_422 = arith.constant 272 : index
      %parallel_loop3A_423 = tpu.vector_load %arg11[%parallel_loop3A_421, %parallel_loop3A_422] {strides = array<i32>} : memref<32x512xf32, #tpu.memory_space<vmem>>, vector<1x16xf32>,
      %parallel_loop3A_424 = vector.shape_cast %parallel_loop3A_423 : vector<1x16xf32> to vector<16xf32>
      %parallel_loop3A_425 = arith.subf %parallel_loop3A_420, %parallel_loop3A_424 : vector<16xf32>
      %parallel_loop3A_426 = arith.mulf %parallel_loop3A_425, %parallel_loop3A_425 : vector<16xf32>
      %parallel_loop3A_427 = arith.addf %parallel_loop3A_383, %parallel_loop3A_426 : vector<16xf32>
      %parallel_loop3A_428 = arith.index_cast %parallel_loop3A_225 : i32 to index
      %parallel_loop3A_429 = arith.constant 288 : index
      %parallel_loop3A_430 = tpu.vector_load %arg8[%parallel_loop3A_428, %parallel_loop3A_429] {strides = array<i32>} : memref<32x512xf32, #tpu.memory_space<vmem>>, vector<1x16xf32>,
      %parallel_loop3A_431 = vector.shape_cast %parallel_loop3A_430 : vector<1x16xf32> to vector<16xf32>
      %parallel_loop3A_432 = arith.index_cast %parallel_loop3A_225 : i32 to index
      %parallel_loop3A_433 = arith.constant 288 : index
      %parallel_loop3A_434 = tpu.vector_load %arg11[%parallel_loop3A_432, %parallel_loop3A_433] {strides = array<i32>} : memref<32x512xf32, #tpu.memory_space<vmem>>, vector<1x16xf32>,
      %parallel_loop3A_435 = vector.shape_cast %parallel_loop3A_434 : vector<1x16xf32> to vector<16xf32>
      %parallel_loop3A_436 = arith.subf %parallel_loop3A_431, %parallel_loop3A_435 : vector<16xf32>
      %parallel_loop3A_437 = arith.mulf %parallel_loop3A_436, %parallel_loop3A_436 : vector<16xf32>
      %parallel_loop3A_438 = arith.addf %parallel_loop3A_394, %parallel_loop3A_437 : vector<16xf32>
      %parallel_loop3A_439 = arith.index_cast %parallel_loop3A_225 : i32 to index
      %parallel_loop3A_440 = arith.constant 304 : index
      %parallel_loop3A_441 = tpu.vector_load %arg8[%parallel_loop3A_439, %parallel_loop3A_440] {strides = array<i32>} : memref<32x512xf32, #tpu.memory_space<vmem>>, vector<1x16xf32>,
      %parallel_loop3A_442 = vector.shape_cast %parallel_loop3A_441 : vector<1x16xf32> to vector<16xf32>
      %parallel_loop3A_443 = arith.index_cast %parallel_loop3A_225 : i32 to index
      %parallel_loop3A_444 = arith.constant 304 : index
      %parallel_loop3A_445 = tpu.vector_load %arg11[%parallel_loop3A_443, %parallel_loop3A_444] {strides = array<i32>} : memref<32x512xf32, #tpu.memory_space<vmem>>, vector<1x16xf32>,
      %parallel_loop3A_446 = vector.shape_cast %parallel_loop3A_445 : vector<1x16xf32> to vector<16xf32>
      %parallel_loop3A_447 = arith.subf %parallel_loop3A_442, %parallel_loop3A_446 : vector<16xf32>
      %parallel_loop3A_448 = arith.mulf %parallel_loop3A_447, %parallel_loop3A_447 : vector<16xf32>
      %parallel_loop3A_449 = arith.addf %parallel_loop3A_405, %parallel_loop3A_448 : vector<16xf32>
      %parallel_loop3A_450 = arith.index_cast %parallel_loop3A_225 : i32 to index
      %parallel_loop3A_451 = arith.constant 320 : index
      %parallel_loop3A_452 = tpu.vector_load %arg8[%parallel_loop3A_450, %parallel_loop3A_451] {strides = array<i32>} : memref<32x512xf32, #tpu.memory_space<vmem>>, vector<1x16xf32>,
      %parallel_loop3A_453 = vector.shape_cast %parallel_loop3A_452 : vector<1x16xf32> to vector<16xf32>
      %parallel_loop3A_454 = arith.index_cast %parallel_loop3A_225 : i32 to index
      %parallel_loop3A_455 = arith.constant 320 : index
      %parallel_loop3A_456 = tpu.vector_load %arg11[%parallel_loop3A_454, %parallel_loop3A_455] {strides = array<i32>} : memref<32x512xf32, #tpu.memory_space<vmem>>, vector<1x16xf32>,
      %parallel_loop3A_457 = vector.shape_cast %parallel_loop3A_456 : vector<1x16xf32> to vector<16xf32>
      %parallel_loop3A_458 = arith.subf %parallel_loop3A_453, %parallel_loop3A_457 : vector<16xf32>
      %parallel_loop3A_459 = arith.mulf %parallel_loop3A_458, %parallel_loop3A_458 : vector<16xf32>
      %parallel_loop3A_460 = arith.addf %parallel_loop3A_416, %parallel_loop3A_459 : vector<16xf32>
      %parallel_loop3A_461 = arith.index_cast %parallel_loop3A_225 : i32 to index
      %parallel_loop3A_462 = arith.constant 336 : index
      %parallel_loop3A_463 = tpu.vector_load %arg8[%parallel_loop3A_461, %parallel_loop3A_462] {strides = array<i32>} : memref<32x512xf32, #tpu.memory_space<vmem>>, vector<1x16xf32>,
      %parallel_loop3A_464 = vector.shape_cast %parallel_loop3A_463 : vector<1x16xf32> to vector<16xf32>
      %parallel_loop3A_465 = arith.index_cast %parallel_loop3A_225 : i32 to index
      %parallel_loop3A_466 = arith.constant 336 : index
      %parallel_loop3A_467 = tpu.vector_load %arg11[%parallel_loop3A_465, %parallel_loop3A_466] {strides = array<i32>} : memref<32x512xf32, #tpu.memory_space<vmem>>, vector<1x16xf32>,
      %parallel_loop3A_468 = vector.shape_cast %parallel_loop3A_467 : vector<1x16xf32> to vector<16xf32>
      %parallel_loop3A_469 = arith.subf %parallel_loop3A_464, %parallel_loop3A_468 : vector<16xf32>
      %parallel_loop3A_470 = arith.mulf %parallel_loop3A_469, %parallel_loop3A_469 : vector<16xf32>
      %parallel_loop3A_471 = arith.addf %parallel_loop3A_427, %parallel_loop3A_470 : vector<16xf32>
      %parallel_loop3A_472 = arith.index_cast %parallel_loop3A_225 : i32 to index
      %parallel_loop3A_473 = arith.constant 352 : index
      %parallel_loop3A_474 = tpu.vector_load %arg8[%parallel_loop3A_472, %parallel_loop3A_473] {strides = array<i32>} : memref<32x512xf32, #tpu.memory_space<vmem>>, vector<1x16xf32>,
      %parallel_loop3A_475 = vector.shape_cast %parallel_loop3A_474 : vector<1x16xf32> to vector<16xf32>
      %parallel_loop3A_476 = arith.index_cast %parallel_loop3A_225 : i32 to index
      %parallel_loop3A_477 = arith.constant 352 : index
      %parallel_loop3A_478 = tpu.vector_load %arg11[%parallel_loop3A_476, %parallel_loop3A_477] {strides = array<i32>} : memref<32x512xf32, #tpu.memory_space<vmem>>, vector<1x16xf32>,
      %parallel_loop3A_479 = vector.shape_cast %parallel_loop3A_478 : vector<1x16xf32> to vector<16xf32>
      %parallel_loop3A_480 = arith.subf %parallel_loop3A_475, %parallel_loop3A_479 : vector<16xf32>
      %parallel_loop3A_481 = arith.mulf %parallel_loop3A_480, %parallel_loop3A_480 : vector<16xf32>
      %parallel_loop3A_482 = arith.addf %parallel_loop3A_438, %parallel_loop3A_481 : vector<16xf32>
      %parallel_loop3A_483 = arith.index_cast %parallel_loop3A_225 : i32 to index
      %parallel_loop3A_484 = arith.constant 368 : index
      %parallel_loop3A_485 = tpu.vector_load %arg8[%parallel_loop3A_483, %parallel_loop3A_484] {strides = array<i32>} : memref<32x512xf32, #tpu.memory_space<vmem>>, vector<1x16xf32>,
      %parallel_loop3A_486 = vector.shape_cast %parallel_loop3A_485 : vector<1x16xf32> to vector<16xf32>
      %parallel_loop3A_487 = arith.index_cast %parallel_loop3A_225 : i32 to index
      %parallel_loop3A_488 = arith.constant 368 : index
      %parallel_loop3A_489 = tpu.vector_load %arg11[%parallel_loop3A_487, %parallel_loop3A_488] {strides = array<i32>} : memref<32x512xf32, #tpu.memory_space<vmem>>, vector<1x16xf32>,
      %parallel_loop3A_490 = vector.shape_cast %parallel_loop3A_489 : vector<1x16xf32> to vector<16xf32>
      %parallel_loop3A_491 = arith.subf %parallel_loop3A_486, %parallel_loop3A_490 : vector<16xf32>
      %parallel_loop3A_492 = arith.mulf %parallel_loop3A_491, %parallel_loop3A_491 : vector<16xf32>
      %parallel_loop3A_493 = arith.addf %parallel_loop3A_449, %parallel_loop3A_492 : vector<16xf32>
      %parallel_loop3A_494 = arith.index_cast %parallel_loop3A_225 : i32 to index
      %parallel_loop3A_495 = arith.constant 384 : index
      %parallel_loop3A_496 = tpu.vector_load %arg8[%parallel_loop3A_494, %parallel_loop3A_495] {strides = array<i32>} : memref<32x512xf32, #tpu.memory_space<vmem>>, vector<1x16xf32>,
      %parallel_loop3A_497 = vector.shape_cast %parallel_loop3A_496 : vector<1x16xf32> to vector<16xf32>
      %parallel_loop3A_498 = arith.index_cast %parallel_loop3A_225 : i32 to index
      %parallel_loop3A_499 = arith.constant 384 : index
      %parallel_loop3A_500 = tpu.vector_load %arg11[%parallel_loop3A_498, %parallel_loop3A_499] {strides = array<i32>} : memref<32x512xf32, #tpu.memory_space<vmem>>, vector<1x16xf32>,
      %parallel_loop3A_501 = vector.shape_cast %parallel_loop3A_500 : vector<1x16xf32> to vector<16xf32>
      %parallel_loop3A_502 = arith.subf %parallel_loop3A_497, %parallel_loop3A_501 : vector<16xf32>
      %parallel_loop3A_503 = arith.mulf %parallel_loop3A_502, %parallel_loop3A_502 : vector<16xf32>
      %parallel_loop3A_504 = arith.addf %parallel_loop3A_460, %parallel_loop3A_503 : vector<16xf32>
      %parallel_loop3A_505 = arith.index_cast %parallel_loop3A_225 : i32 to index
      %parallel_loop3A_506 = arith.constant 400 : index
      %parallel_loop3A_507 = tpu.vector_load %arg8[%parallel_loop3A_505, %parallel_loop3A_506] {strides = array<i32>} : memref<32x512xf32, #tpu.memory_space<vmem>>, vector<1x16xf32>,
      %parallel_loop3A_508 = vector.shape_cast %parallel_loop3A_507 : vector<1x16xf32> to vector<16xf32>
      %parallel_loop3A_509 = arith.index_cast %parallel_loop3A_225 : i32 to index
      %parallel_loop3A_510 = arith.constant 400 : index
      %parallel_loop3A_511 = tpu.vector_load %arg11[%parallel_loop3A_509, %parallel_loop3A_510] {strides = array<i32>} : memref<32x512xf32, #tpu.memory_space<vmem>>, vector<1x16xf32>,
      %parallel_loop3A_512 = vector.shape_cast %parallel_loop3A_511 : vector<1x16xf32> to vector<16xf32>
      %parallel_loop3A_513 = arith.subf %parallel_loop3A_508, %parallel_loop3A_512 : vector<16xf32>
      %parallel_loop3A_514 = arith.mulf %parallel_loop3A_513, %parallel_loop3A_513 : vector<16xf32>
      %parallel_loop3A_515 = arith.addf %parallel_loop3A_471, %parallel_loop3A_514 : vector<16xf32>
      %parallel_loop3A_516 = arith.index_cast %parallel_loop3A_225 : i32 to index
      %parallel_loop3A_517 = arith.constant 416 : index
      %parallel_loop3A_518 = tpu.vector_load %arg8[%parallel_loop3A_516, %parallel_loop3A_517] {strides = array<i32>} : memref<32x512xf32, #tpu.memory_space<vmem>>, vector<1x16xf32>,
      %parallel_loop3A_519 = vector.shape_cast %parallel_loop3A_518 : vector<1x16xf32> to vector<16xf32>
      %parallel_loop3A_520 = arith.index_cast %parallel_loop3A_225 : i32 to index
      %parallel_loop3A_521 = arith.constant 416 : index
      %parallel_loop3A_522 = tpu.vector_load %arg11[%parallel_loop3A_520, %parallel_loop3A_521] {strides = array<i32>} : memref<32x512xf32, #tpu.memory_space<vmem>>, vector<1x16xf32>,
      %parallel_loop3A_523 = vector.shape_cast %parallel_loop3A_522 : vector<1x16xf32> to vector<16xf32>
      %parallel_loop3A_524 = arith.subf %parallel_loop3A_519, %parallel_loop3A_523 : vector<16xf32>
      %parallel_loop3A_525 = arith.mulf %parallel_loop3A_524, %parallel_loop3A_524 : vector<16xf32>
      %parallel_loop3A_526 = arith.addf %parallel_loop3A_482, %parallel_loop3A_525 : vector<16xf32>
      %parallel_loop3A_527 = arith.index_cast %parallel_loop3A_225 : i32 to index
      %parallel_loop3A_528 = arith.constant 432 : index
      %parallel_loop3A_529 = tpu.vector_load %arg8[%parallel_loop3A_527, %parallel_loop3A_528] {strides = array<i32>} : memref<32x512xf32, #tpu.memory_space<vmem>>, vector<1x16xf32>,
      %parallel_loop3A_530 = vector.shape_cast %parallel_loop3A_529 : vector<1x16xf32> to vector<16xf32>
      %parallel_loop3A_531 = arith.index_cast %parallel_loop3A_225 : i32 to index
      %parallel_loop3A_532 = arith.constant 432 : index
      %parallel_loop3A_533 = tpu.vector_load %arg11[%parallel_loop3A_531, %parallel_loop3A_532] {strides = array<i32>} : memref<32x512xf32, #tpu.memory_space<vmem>>, vector<1x16xf32>,
      %parallel_loop3A_534 = vector.shape_cast %parallel_loop3A_533 : vector<1x16xf32> to vector<16xf32>
      %parallel_loop3A_535 = arith.subf %parallel_loop3A_530, %parallel_loop3A_534 : vector<16xf32>
      %parallel_loop3A_536 = arith.mulf %parallel_loop3A_535, %parallel_loop3A_535 : vector<16xf32>
      %parallel_loop3A_537 = arith.addf %parallel_loop3A_493, %parallel_loop3A_536 : vector<16xf32>
      %parallel_loop3A_538 = arith.index_cast %parallel_loop3A_225 : i32 to index
      %parallel_loop3A_539 = arith.constant 448 : index
      %parallel_loop3A_540 = tpu.vector_load %arg8[%parallel_loop3A_538, %parallel_loop3A_539] {strides = array<i32>} : memref<32x512xf32, #tpu.memory_space<vmem>>, vector<1x16xf32>,
      %parallel_loop3A_541 = vector.shape_cast %parallel_loop3A_540 : vector<1x16xf32> to vector<16xf32>
      %parallel_loop3A_542 = arith.index_cast %parallel_loop3A_225 : i32 to index
      %parallel_loop3A_543 = arith.constant 448 : index
      %parallel_loop3A_544 = tpu.vector_load %arg11[%parallel_loop3A_542, %parallel_loop3A_543] {strides = array<i32>} : memref<32x512xf32, #tpu.memory_space<vmem>>, vector<1x16xf32>,
      %parallel_loop3A_545 = vector.shape_cast %parallel_loop3A_544 : vector<1x16xf32> to vector<16xf32>
      %parallel_loop3A_546 = arith.subf %parallel_loop3A_541, %parallel_loop3A_545 : vector<16xf32>
      %parallel_loop3A_547 = arith.mulf %parallel_loop3A_546, %parallel_loop3A_546 : vector<16xf32>
      %parallel_loop3A_548 = arith.addf %parallel_loop3A_504, %parallel_loop3A_547 : vector<16xf32>
      %parallel_loop3A_549 = arith.index_cast %parallel_loop3A_225 : i32 to index
      %parallel_loop3A_550 = arith.constant 464 : index
      %parallel_loop3A_551 = tpu.vector_load %arg8[%parallel_loop3A_549, %parallel_loop3A_550] {strides = array<i32>} : memref<32x512xf32, #tpu.memory_space<vmem>>, vector<1x16xf32>,
      %parallel_loop3A_552 = vector.shape_cast %parallel_loop3A_551 : vector<1x16xf32> to vector<16xf32>
      %parallel_loop3A_553 = arith.index_cast %parallel_loop3A_225 : i32 to index
      %parallel_loop3A_554 = arith.constant 464 : index
      %parallel_loop3A_555 = tpu.vector_load %arg11[%parallel_loop3A_553, %parallel_loop3A_554] {strides = array<i32>} : memref<32x512xf32, #tpu.memory_space<vmem>>, vector<1x16xf32>,
      %parallel_loop3A_556 = vector.shape_cast %parallel_loop3A_555 : vector<1x16xf32> to vector<16xf32>
      %parallel_loop3A_557 = arith.subf %parallel_loop3A_552, %parallel_loop3A_556 : vector<16xf32>
      %parallel_loop3A_558 = arith.mulf %parallel_loop3A_557, %parallel_loop3A_557 : vector<16xf32>
      %parallel_loop3A_559 = arith.addf %parallel_loop3A_515, %parallel_loop3A_558 : vector<16xf32>
      %parallel_loop3A_560 = arith.index_cast %parallel_loop3A_225 : i32 to index
      %parallel_loop3A_561 = arith.constant 480 : index
      %parallel_loop3A_562 = tpu.vector_load %arg8[%parallel_loop3A_560, %parallel_loop3A_561] {strides = array<i32>} : memref<32x512xf32, #tpu.memory_space<vmem>>, vector<1x16xf32>,
      %parallel_loop3A_563 = vector.shape_cast %parallel_loop3A_562 : vector<1x16xf32> to vector<16xf32>
      %parallel_loop3A_564 = arith.index_cast %parallel_loop3A_225 : i32 to index
      %parallel_loop3A_565 = arith.constant 480 : index
      %parallel_loop3A_566 = tpu.vector_load %arg11[%parallel_loop3A_564, %parallel_loop3A_565] {strides = array<i32>} : memref<32x512xf32, #tpu.memory_space<vmem>>, vector<1x16xf32>,
      %parallel_loop3A_567 = vector.shape_cast %parallel_loop3A_566 : vector<1x16xf32> to vector<16xf32>
      %parallel_loop3A_568 = arith.subf %parallel_loop3A_563, %parallel_loop3A_567 : vector<16xf32>
      %parallel_loop3A_569 = arith.mulf %parallel_loop3A_568, %parallel_loop3A_568 : vector<16xf32>
      %parallel_loop3A_570 = arith.addf %parallel_loop3A_526, %parallel_loop3A_569 : vector<16xf32>
      %parallel_loop3A_571 = arith.index_cast %parallel_loop3A_225 : i32 to index
      %parallel_loop3A_572 = arith.constant 496 : index
      %parallel_loop3A_573 = tpu.vector_load %arg8[%parallel_loop3A_571, %parallel_loop3A_572] {strides = array<i32>} : memref<32x512xf32, #tpu.memory_space<vmem>>, vector<1x16xf32>,
      %parallel_loop3A_574 = vector.shape_cast %parallel_loop3A_573 : vector<1x16xf32> to vector<16xf32>
      %parallel_loop3A_575 = arith.index_cast %parallel_loop3A_225 : i32 to index
      %parallel_loop3A_576 = arith.constant 496 : index
      %parallel_loop3A_577 = tpu.vector_load %arg11[%parallel_loop3A_575, %parallel_loop3A_576] {strides = array<i32>} : memref<32x512xf32, #tpu.memory_space<vmem>>, vector<1x16xf32>,
      %parallel_loop3A_578 = vector.shape_cast %parallel_loop3A_577 : vector<1x16xf32> to vector<16xf32>
      %parallel_loop3A_579 = arith.subf %parallel_loop3A_574, %parallel_loop3A_578 : vector<16xf32>
      %parallel_loop3A_580 = arith.mulf %parallel_loop3A_579, %parallel_loop3A_579 : vector<16xf32>
      %parallel_loop3A_581 = arith.addf %parallel_loop3A_537, %parallel_loop3A_580 : vector<16xf32>
      scf.yield %parallel_loop3A_548, %parallel_loop3A_559, %parallel_loop3A_570, %parallel_loop3A_581 : vector<16xf32>, vector<16xf32>, vector<16xf32>, vector<16xf32>
    } {sc.loop_unroll_factor = 2 : i64, sc.parallel_access}
    %add3A_133 = arith.constant 96 : i32
    %add3A_134 = arith.addi %mul3A_2, %add3A_133 : i32
    %dma_start3A_135 = arith.constant 0 : i32
    %dma_start3A_136 = arith.constant 0 : i32
    %dma_start3A_137 = tpu.memref_slice %arg8[%dma_start3A_135, %dma_start3A_136] : memref<32x512xf32, #tpu.memory_space<vmem>> -> memref<32x512xf32, #tpu.memory_space<vmem>>
    %dma_start3A_138 = arith.constant 0 : i32
    %dma_start3A_139 = tpu.memref_slice %arg2[%add3A_134, %dma_start3A_138] : memref<4096x512xf32, #tpu.memory_space<hbm>> -> memref<32x512xf32, #tpu.memory_space<hbm>>
    %dma_start3A_140 = arith.constant 0 : i32
    %dma_start3A_141 = arith.constant 0 : i32
    %dma_start3A_142 = tpu.memref_slice %arg8[%dma_start3A_140, %dma_start3A_141] : memref<32x512xf32, #tpu.memory_space<vmem>> -> memref<32x512xf32, #tpu.memory_space<vmem>>
    %dma_start3A_143 = arith.constant 0 : i32
    %dma_start3A_144 = tpu.memref_slice %arg2[%add3A_134, %dma_start3A_143] : memref<4096x512xf32, #tpu.memory_space<hbm>> -> memref<32x512xf32, #tpu.memory_space<hbm>>
    tpu.enqueue_dma source(%dma_start3A_144 : memref<32x512xf32, #tpu.memory_space<hbm>>) target(%dma_start3A_142 : memref<32x512xf32, #tpu.memory_space<vmem>>) target_semaphore(%arg15 : memref<!tpu.dma_semaphore, #tpu.memory_space<semaphore_mem>>)
    %dma_start3A_145 = arith.constant 0 : i32
    %dma_start3A_146 = arith.constant 0 : i32
    %dma_start3A_147 = tpu.memref_slice %arg11[%dma_start3A_145, %dma_start3A_146] : memref<32x512xf32, #tpu.memory_space<vmem>> -> memref<32x512xf32, #tpu.memory_space<vmem>>
    %dma_start3A_148 = arith.constant 96 : i32
    %dma_start3A_149 = tpu.memref_slice %arg6[%dma_start3A_148] : memref<128xi32, #tpu.memory_space<vmem>> -> memref<32xi32, #tpu.memory_space<vmem>>
    %dma_start3A_150 = arith.constant 0 : i32
    %dma_start3A_151 = arith.constant 0 : i32
    %dma_start3A_152 = tpu.memref_slice %arg4[%dma_start3A_150, %dma_start3A_151] : memref<10000x512xf32, #tpu.memory_space<hbm>> -> memref<10000x512xf32, #tpu.memory_space<hbm>>
    tpu.enqueue_indirect_dma source(%dma_start3A_152 : memref<10000x512xf32, #tpu.memory_space<hbm>>) target(%dma_start3A_147 : memref<32x512xf32, #tpu.memory_space<vmem>>) offsets(%dma_start3A_149 : memref<32xi32, #tpu.memory_space<vmem>>) semaphore(%arg18 : memref<!tpu.dma_semaphore, #tpu.memory_space<semaphore_mem>>)
    %dma_wait3A_153 = arith.constant 0 : i32
    %dma_wait3A_154 = arith.constant 0 : i32
    %dma_wait3A_155 = tpu.memref_slice %arg9[%dma_wait3A_153, %dma_wait3A_154] : memref<32x512xf32, #tpu.memory_space<vmem>> -> memref<32x512xf32, #tpu.memory_space<vmem>>
    %dma_wait3A_156 = arith.constant 0 : i32
    %dma_wait3A_157 = tpu.memref_slice %arg2[%add3A_52, %dma_wait3A_156] : memref<4096x512xf32, #tpu.memory_space<hbm>> -> memref<32x512xf32, #tpu.memory_space<hbm>>
    %dma_wait3A_158 = arith.constant 0 : i32
    %dma_wait3A_159 = arith.constant 0 : i32
    %dma_wait3A_160 = tpu.memref_slice %arg9[%dma_wait3A_158, %dma_wait3A_159] : memref<32x512xf32, #tpu.memory_space<vmem>> -> memref<32x512xf32, #tpu.memory_space<vmem>>
    %dma_wait3A_161 = arith.constant 0 : i32
    %dma_wait3A_162 = tpu.memref_slice %arg2[%add3A_52, %dma_wait3A_161] : memref<4096x512xf32, #tpu.memory_space<hbm>> -> memref<32x512xf32, #tpu.memory_space<hbm>>
    tpu.wait_dma2 semaphore(%arg16 : memref<!tpu.dma_semaphore, #tpu.memory_space<semaphore_mem>>) src(%dma_wait3A_162 : memref<32x512xf32, #tpu.memory_space<hbm>>) dst(%dma_wait3A_160 : memref<32x512xf32, #tpu.memory_space<vmem>>)
    %dma_wait3A_163 = arith.constant 0 : i32
    %dma_wait3A_164 = arith.constant 0 : i32
    %dma_wait3A_165 = tpu.memref_slice %arg12[%dma_wait3A_163, %dma_wait3A_164] : memref<32x512xf32, #tpu.memory_space<vmem>> -> memref<32x512xf32, #tpu.memory_space<vmem>>
    %dma_wait3A_166 = arith.constant 32 : i32
    %dma_wait3A_167 = tpu.memref_slice %arg6[%dma_wait3A_166] : memref<128xi32, #tpu.memory_space<vmem>> -> memref<32xi32, #tpu.memory_space<vmem>>
    %dma_wait3A_168 = arith.constant 0 : i32
    %dma_wait3A_169 = arith.constant 0 : i32
    %dma_wait3A_170 = tpu.memref_slice %arg4[%dma_wait3A_168, %dma_wait3A_169] : memref<10000x512xf32, #tpu.memory_space<hbm>> -> memref<10000x512xf32, #tpu.memory_space<hbm>>
    tpu.wait_indirect_dma semaphore(%arg19 : memref<!tpu.dma_semaphore, #tpu.memory_space<semaphore_mem>>) src(%dma_wait3A_170 : memref<10000x512xf32, #tpu.memory_space<hbm>>) dst(%dma_wait3A_165 : memref<32x512xf32, #tpu.memory_space<vmem>>)
    %parallel_loop3A_171 = arith.constant 0 : i32
    %parallel_loop3A_172 = arith.constant 32 : i32
    %parallel_loop3A_173 = arith.constant 1 : i32
    %parallel_loop3A_174:4 = scf.for %parallel_loop3A_225 = %parallel_loop3A_171 to %parallel_loop3A_172 step %parallel_loop3A_173 iter_args(%parallel_loop3A_226 = %parallel_loop3A_132#0, %parallel_loop3A_227 = %parallel_loop3A_132#1, %parallel_loop3A_228 = %parallel_loop3A_132#2, %parallel_loop3A_229 = %parallel_loop3A_132#3) -> (vector<16xf32>, vector<16xf32>, vector<16xf32>, vector<16xf32>)  : i32 {
      %parallel_loop3A_230 = arith.index_cast %parallel_loop3A_225 : i32 to index
      %parallel_loop3A_231 = arith.constant 0 : index
      %parallel_loop3A_232 = tpu.vector_load %arg9[%parallel_loop3A_230, %parallel_loop3A_231] {strides = array<i32>} : memref<32x512xf32, #tpu.memory_space<vmem>>, vector<1x16xf32>,
      %parallel_loop3A_233 = vector.shape_cast %parallel_loop3A_232 : vector<1x16xf32> to vector<16xf32>
      %parallel_loop3A_234 = arith.index_cast %parallel_loop3A_225 : i32 to index
      %parallel_loop3A_235 = arith.constant 0 : index
      %parallel_loop3A_236 = tpu.vector_load %arg12[%parallel_loop3A_234, %parallel_loop3A_235] {strides = array<i32>} : memref<32x512xf32, #tpu.memory_space<vmem>>, vector<1x16xf32>,
      %parallel_loop3A_237 = vector.shape_cast %parallel_loop3A_236 : vector<1x16xf32> to vector<16xf32>
      %parallel_loop3A_238 = arith.subf %parallel_loop3A_233, %parallel_loop3A_237 : vector<16xf32>
      %parallel_loop3A_239 = arith.mulf %parallel_loop3A_238, %parallel_loop3A_238 : vector<16xf32>
      %parallel_loop3A_240 = arith.addf %parallel_loop3A_226, %parallel_loop3A_239 : vector<16xf32>
      %parallel_loop3A_241 = arith.index_cast %parallel_loop3A_225 : i32 to index
      %parallel_loop3A_242 = arith.constant 16 : index
      %parallel_loop3A_243 = tpu.vector_load %arg9[%parallel_loop3A_241, %parallel_loop3A_242] {strides = array<i32>} : memref<32x512xf32, #tpu.memory_space<vmem>>, vector<1x16xf32>,
      %parallel_loop3A_244 = vector.shape_cast %parallel_loop3A_243 : vector<1x16xf32> to vector<16xf32>
      %parallel_loop3A_245 = arith.index_cast %parallel_loop3A_225 : i32 to index
      %parallel_loop3A_246 = arith.constant 16 : index
      %parallel_loop3A_247 = tpu.vector_load %arg12[%parallel_loop3A_245, %parallel_loop3A_246] {strides = array<i32>} : memref<32x512xf32, #tpu.memory_space<vmem>>, vector<1x16xf32>,
      %parallel_loop3A_248 = vector.shape_cast %parallel_loop3A_247 : vector<1x16xf32> to vector<16xf32>
      %parallel_loop3A_249 = arith.subf %parallel_loop3A_244, %parallel_loop3A_248 : vector<16xf32>
      %parallel_loop3A_250 = arith.mulf %parallel_loop3A_249, %parallel_loop3A_249 : vector<16xf32>
      %parallel_loop3A_251 = arith.addf %parallel_loop3A_227, %parallel_loop3A_250 : vector<16xf32>
      %parallel_loop3A_252 = arith.index_cast %parallel_loop3A_225 : i32 to index
      %parallel_loop3A_253 = arith.constant 32 : index
      %parallel_loop3A_254 = tpu.vector_load %arg9[%parallel_loop3A_252, %parallel_loop3A_253] {strides = array<i32>} : memref<32x512xf32, #tpu.memory_space<vmem>>, vector<1x16xf32>,
      %parallel_loop3A_255 = vector.shape_cast %parallel_loop3A_254 : vector<1x16xf32> to vector<16xf32>
      %parallel_loop3A_256 = arith.index_cast %parallel_loop3A_225 : i32 to index
      %parallel_loop3A_257 = arith.constant 32 : index
      %parallel_loop3A_258 = tpu.vector_load %arg12[%parallel_loop3A_256, %parallel_loop3A_257] {strides = array<i32>} : memref<32x512xf32, #tpu.memory_space<vmem>>, vector<1x16xf32>,
      %parallel_loop3A_259 = vector.shape_cast %parallel_loop3A_258 : vector<1x16xf32> to vector<16xf32>
      %parallel_loop3A_260 = arith.subf %parallel_loop3A_255, %parallel_loop3A_259 : vector<16xf32>
      %parallel_loop3A_261 = arith.mulf %parallel_loop3A_260, %parallel_loop3A_260 : vector<16xf32>
      %parallel_loop3A_262 = arith.addf %parallel_loop3A_228, %parallel_loop3A_261 : vector<16xf32>
      %parallel_loop3A_263 = arith.index_cast %parallel_loop3A_225 : i32 to index
      %parallel_loop3A_264 = arith.constant 48 : index
      %parallel_loop3A_265 = tpu.vector_load %arg9[%parallel_loop3A_263, %parallel_loop3A_264] {strides = array<i32>} : memref<32x512xf32, #tpu.memory_space<vmem>>, vector<1x16xf32>,
      %parallel_loop3A_266 = vector.shape_cast %parallel_loop3A_265 : vector<1x16xf32> to vector<16xf32>
      %parallel_loop3A_267 = arith.index_cast %parallel_loop3A_225 : i32 to index
      %parallel_loop3A_268 = arith.constant 48 : index
      %parallel_loop3A_269 = tpu.vector_load %arg12[%parallel_loop3A_267, %parallel_loop3A_268] {strides = array<i32>} : memref<32x512xf32, #tpu.memory_space<vmem>>, vector<1x16xf32>,
      %parallel_loop3A_270 = vector.shape_cast %parallel_loop3A_269 : vector<1x16xf32> to vector<16xf32>
      %parallel_loop3A_271 = arith.subf %parallel_loop3A_266, %parallel_loop3A_270 : vector<16xf32>
      %parallel_loop3A_272 = arith.mulf %parallel_loop3A_271, %parallel_loop3A_271 : vector<16xf32>
      %parallel_loop3A_273 = arith.addf %parallel_loop3A_229, %parallel_loop3A_272 : vector<16xf32>
      %parallel_loop3A_274 = arith.index_cast %parallel_loop3A_225 : i32 to index
      %parallel_loop3A_275 = arith.constant 64 : index
      %parallel_loop3A_276 = tpu.vector_load %arg9[%parallel_loop3A_274, %parallel_loop3A_275] {strides = array<i32>} : memref<32x512xf32, #tpu.memory_space<vmem>>, vector<1x16xf32>,
      %parallel_loop3A_277 = vector.shape_cast %parallel_loop3A_276 : vector<1x16xf32> to vector<16xf32>
      %parallel_loop3A_278 = arith.index_cast %parallel_loop3A_225 : i32 to index
      %parallel_loop3A_279 = arith.constant 64 : index
      %parallel_loop3A_280 = tpu.vector_load %arg12[%parallel_loop3A_278, %parallel_loop3A_279] {strides = array<i32>} : memref<32x512xf32, #tpu.memory_space<vmem>>, vector<1x16xf32>,
      %parallel_loop3A_281 = vector.shape_cast %parallel_loop3A_280 : vector<1x16xf32> to vector<16xf32>
      %parallel_loop3A_282 = arith.subf %parallel_loop3A_277, %parallel_loop3A_281 : vector<16xf32>
      %parallel_loop3A_283 = arith.mulf %parallel_loop3A_282, %parallel_loop3A_282 : vector<16xf32>
      %parallel_loop3A_284 = arith.addf %parallel_loop3A_240, %parallel_loop3A_283 : vector<16xf32>
      %parallel_loop3A_285 = arith.index_cast %parallel_loop3A_225 : i32 to index
      %parallel_loop3A_286 = arith.constant 80 : index
      %parallel_loop3A_287 = tpu.vector_load %arg9[%parallel_loop3A_285, %parallel_loop3A_286] {strides = array<i32>} : memref<32x512xf32, #tpu.memory_space<vmem>>, vector<1x16xf32>,
      %parallel_loop3A_288 = vector.shape_cast %parallel_loop3A_287 : vector<1x16xf32> to vector<16xf32>
      %parallel_loop3A_289 = arith.index_cast %parallel_loop3A_225 : i32 to index
      %parallel_loop3A_290 = arith.constant 80 : index
      %parallel_loop3A_291 = tpu.vector_load %arg12[%parallel_loop3A_289, %parallel_loop3A_290] {strides = array<i32>} : memref<32x512xf32, #tpu.memory_space<vmem>>, vector<1x16xf32>,
      %parallel_loop3A_292 = vector.shape_cast %parallel_loop3A_291 : vector<1x16xf32> to vector<16xf32>
      %parallel_loop3A_293 = arith.subf %parallel_loop3A_288, %parallel_loop3A_292 : vector<16xf32>
      %parallel_loop3A_294 = arith.mulf %parallel_loop3A_293, %parallel_loop3A_293 : vector<16xf32>
      %parallel_loop3A_295 = arith.addf %parallel_loop3A_251, %parallel_loop3A_294 : vector<16xf32>
      %parallel_loop3A_296 = arith.index_cast %parallel_loop3A_225 : i32 to index
      %parallel_loop3A_297 = arith.constant 96 : index
      %parallel_loop3A_298 = tpu.vector_load %arg9[%parallel_loop3A_296, %parallel_loop3A_297] {strides = array<i32>} : memref<32x512xf32, #tpu.memory_space<vmem>>, vector<1x16xf32>,
      %parallel_loop3A_299 = vector.shape_cast %parallel_loop3A_298 : vector<1x16xf32> to vector<16xf32>
      %parallel_loop3A_300 = arith.index_cast %parallel_loop3A_225 : i32 to index
      %parallel_loop3A_301 = arith.constant 96 : index
      %parallel_loop3A_302 = tpu.vector_load %arg12[%parallel_loop3A_300, %parallel_loop3A_301] {strides = array<i32>} : memref<32x512xf32, #tpu.memory_space<vmem>>, vector<1x16xf32>,
      %parallel_loop3A_303 = vector.shape_cast %parallel_loop3A_302 : vector<1x16xf32> to vector<16xf32>
      %parallel_loop3A_304 = arith.subf %parallel_loop3A_299, %parallel_loop3A_303 : vector<16xf32>
      %parallel_loop3A_305 = arith.mulf %parallel_loop3A_304, %parallel_loop3A_304 : vector<16xf32>
      %parallel_loop3A_306 = arith.addf %parallel_loop3A_262, %parallel_loop3A_305 : vector<16xf32>
      %parallel_loop3A_307 = arith.index_cast %parallel_loop3A_225 : i32 to index
      %parallel_loop3A_308 = arith.constant 112 : index
      %parallel_loop3A_309 = tpu.vector_load %arg9[%parallel_loop3A_307, %parallel_loop3A_308] {strides = array<i32>} : memref<32x512xf32, #tpu.memory_space<vmem>>, vector<1x16xf32>,
      %parallel_loop3A_310 = vector.shape_cast %parallel_loop3A_309 : vector<1x16xf32> to vector<16xf32>
      %parallel_loop3A_311 = arith.index_cast %parallel_loop3A_225 : i32 to index
      %parallel_loop3A_312 = arith.constant 112 : index
      %parallel_loop3A_313 = tpu.vector_load %arg12[%parallel_loop3A_311, %parallel_loop3A_312] {strides = array<i32>} : memref<32x512xf32, #tpu.memory_space<vmem>>, vector<1x16xf32>,
      %parallel_loop3A_314 = vector.shape_cast %parallel_loop3A_313 : vector<1x16xf32> to vector<16xf32>
      %parallel_loop3A_315 = arith.subf %parallel_loop3A_310, %parallel_loop3A_314 : vector<16xf32>
      %parallel_loop3A_316 = arith.mulf %parallel_loop3A_315, %parallel_loop3A_315 : vector<16xf32>
      %parallel_loop3A_317 = arith.addf %parallel_loop3A_273, %parallel_loop3A_316 : vector<16xf32>
      %parallel_loop3A_318 = arith.index_cast %parallel_loop3A_225 : i32 to index
      %parallel_loop3A_319 = arith.constant 128 : index
      %parallel_loop3A_320 = tpu.vector_load %arg9[%parallel_loop3A_318, %parallel_loop3A_319] {strides = array<i32>} : memref<32x512xf32, #tpu.memory_space<vmem>>, vector<1x16xf32>,
      %parallel_loop3A_321 = vector.shape_cast %parallel_loop3A_320 : vector<1x16xf32> to vector<16xf32>
      %parallel_loop3A_322 = arith.index_cast %parallel_loop3A_225 : i32 to index
      %parallel_loop3A_323 = arith.constant 128 : index
      %parallel_loop3A_324 = tpu.vector_load %arg12[%parallel_loop3A_322, %parallel_loop3A_323] {strides = array<i32>} : memref<32x512xf32, #tpu.memory_space<vmem>>, vector<1x16xf32>,
      %parallel_loop3A_325 = vector.shape_cast %parallel_loop3A_324 : vector<1x16xf32> to vector<16xf32>
      %parallel_loop3A_326 = arith.subf %parallel_loop3A_321, %parallel_loop3A_325 : vector<16xf32>
      %parallel_loop3A_327 = arith.mulf %parallel_loop3A_326, %parallel_loop3A_326 : vector<16xf32>
      %parallel_loop3A_328 = arith.addf %parallel_loop3A_284, %parallel_loop3A_327 : vector<16xf32>
      %parallel_loop3A_329 = arith.index_cast %parallel_loop3A_225 : i32 to index
      %parallel_loop3A_330 = arith.constant 144 : index
      %parallel_loop3A_331 = tpu.vector_load %arg9[%parallel_loop3A_329, %parallel_loop3A_330] {strides = array<i32>} : memref<32x512xf32, #tpu.memory_space<vmem>>, vector<1x16xf32>,
      %parallel_loop3A_332 = vector.shape_cast %parallel_loop3A_331 : vector<1x16xf32> to vector<16xf32>
      %parallel_loop3A_333 = arith.index_cast %parallel_loop3A_225 : i32 to index
      %parallel_loop3A_334 = arith.constant 144 : index
      %parallel_loop3A_335 = tpu.vector_load %arg12[%parallel_loop3A_333, %parallel_loop3A_334] {strides = array<i32>} : memref<32x512xf32, #tpu.memory_space<vmem>>, vector<1x16xf32>,
      %parallel_loop3A_336 = vector.shape_cast %parallel_loop3A_335 : vector<1x16xf32> to vector<16xf32>
      %parallel_loop3A_337 = arith.subf %parallel_loop3A_332, %parallel_loop3A_336 : vector<16xf32>
      %parallel_loop3A_338 = arith.mulf %parallel_loop3A_337, %parallel_loop3A_337 : vector<16xf32>
      %parallel_loop3A_339 = arith.addf %parallel_loop3A_295, %parallel_loop3A_338 : vector<16xf32>
      %parallel_loop3A_340 = arith.index_cast %parallel_loop3A_225 : i32 to index
      %parallel_loop3A_341 = arith.constant 160 : index
      %parallel_loop3A_342 = tpu.vector_load %arg9[%parallel_loop3A_340, %parallel_loop3A_341] {strides = array<i32>} : memref<32x512xf32, #tpu.memory_space<vmem>>, vector<1x16xf32>,
      %parallel_loop3A_343 = vector.shape_cast %parallel_loop3A_342 : vector<1x16xf32> to vector<16xf32>
      %parallel_loop3A_344 = arith.index_cast %parallel_loop3A_225 : i32 to index
      %parallel_loop3A_345 = arith.constant 160 : index
      %parallel_loop3A_346 = tpu.vector_load %arg12[%parallel_loop3A_344, %parallel_loop3A_345] {strides = array<i32>} : memref<32x512xf32, #tpu.memory_space<vmem>>, vector<1x16xf32>,
      %parallel_loop3A_347 = vector.shape_cast %parallel_loop3A_346 : vector<1x16xf32> to vector<16xf32>
      %parallel_loop3A_348 = arith.subf %parallel_loop3A_343, %parallel_loop3A_347 : vector<16xf32>
      %parallel_loop3A_349 = arith.mulf %parallel_loop3A_348, %parallel_loop3A_348 : vector<16xf32>
      %parallel_loop3A_350 = arith.addf %parallel_loop3A_306, %parallel_loop3A_349 : vector<16xf32>
      %parallel_loop3A_351 = arith.index_cast %parallel_loop3A_225 : i32 to index
      %parallel_loop3A_352 = arith.constant 176 : index
      %parallel_loop3A_353 = tpu.vector_load %arg9[%parallel_loop3A_351, %parallel_loop3A_352] {strides = array<i32>} : memref<32x512xf32, #tpu.memory_space<vmem>>, vector<1x16xf32>,
      %parallel_loop3A_354 = vector.shape_cast %parallel_loop3A_353 : vector<1x16xf32> to vector<16xf32>
      %parallel_loop3A_355 = arith.index_cast %parallel_loop3A_225 : i32 to index
      %parallel_loop3A_356 = arith.constant 176 : index
      %parallel_loop3A_357 = tpu.vector_load %arg12[%parallel_loop3A_355, %parallel_loop3A_356] {strides = array<i32>} : memref<32x512xf32, #tpu.memory_space<vmem>>, vector<1x16xf32>,
      %parallel_loop3A_358 = vector.shape_cast %parallel_loop3A_357 : vector<1x16xf32> to vector<16xf32>
      %parallel_loop3A_359 = arith.subf %parallel_loop3A_354, %parallel_loop3A_358 : vector<16xf32>
      %parallel_loop3A_360 = arith.mulf %parallel_loop3A_359, %parallel_loop3A_359 : vector<16xf32>
      %parallel_loop3A_361 = arith.addf %parallel_loop3A_317, %parallel_loop3A_360 : vector<16xf32>
      %parallel_loop3A_362 = arith.index_cast %parallel_loop3A_225 : i32 to index
      %parallel_loop3A_363 = arith.constant 192 : index
      %parallel_loop3A_364 = tpu.vector_load %arg9[%parallel_loop3A_362, %parallel_loop3A_363] {strides = array<i32>} : memref<32x512xf32, #tpu.memory_space<vmem>>, vector<1x16xf32>,
      %parallel_loop3A_365 = vector.shape_cast %parallel_loop3A_364 : vector<1x16xf32> to vector<16xf32>
      %parallel_loop3A_366 = arith.index_cast %parallel_loop3A_225 : i32 to index
      %parallel_loop3A_367 = arith.constant 192 : index
      %parallel_loop3A_368 = tpu.vector_load %arg12[%parallel_loop3A_366, %parallel_loop3A_367] {strides = array<i32>} : memref<32x512xf32, #tpu.memory_space<vmem>>, vector<1x16xf32>,
      %parallel_loop3A_369 = vector.shape_cast %parallel_loop3A_368 : vector<1x16xf32> to vector<16xf32>
      %parallel_loop3A_370 = arith.subf %parallel_loop3A_365, %parallel_loop3A_369 : vector<16xf32>
      %parallel_loop3A_371 = arith.mulf %parallel_loop3A_370, %parallel_loop3A_370 : vector<16xf32>
      %parallel_loop3A_372 = arith.addf %parallel_loop3A_328, %parallel_loop3A_371 : vector<16xf32>
      %parallel_loop3A_373 = arith.index_cast %parallel_loop3A_225 : i32 to index
      %parallel_loop3A_374 = arith.constant 208 : index
      %parallel_loop3A_375 = tpu.vector_load %arg9[%parallel_loop3A_373, %parallel_loop3A_374] {strides = array<i32>} : memref<32x512xf32, #tpu.memory_space<vmem>>, vector<1x16xf32>,
      %parallel_loop3A_376 = vector.shape_cast %parallel_loop3A_375 : vector<1x16xf32> to vector<16xf32>
      %parallel_loop3A_377 = arith.index_cast %parallel_loop3A_225 : i32 to index
      %parallel_loop3A_378 = arith.constant 208 : index
      %parallel_loop3A_379 = tpu.vector_load %arg12[%parallel_loop3A_377, %parallel_loop3A_378] {strides = array<i32>} : memref<32x512xf32, #tpu.memory_space<vmem>>, vector<1x16xf32>,
      %parallel_loop3A_380 = vector.shape_cast %parallel_loop3A_379 : vector<1x16xf32> to vector<16xf32>
      %parallel_loop3A_381 = arith.subf %parallel_loop3A_376, %parallel_loop3A_380 : vector<16xf32>
      %parallel_loop3A_382 = arith.mulf %parallel_loop3A_381, %parallel_loop3A_381 : vector<16xf32>
      %parallel_loop3A_383 = arith.addf %parallel_loop3A_339, %parallel_loop3A_382 : vector<16xf32>
      %parallel_loop3A_384 = arith.index_cast %parallel_loop3A_225 : i32 to index
      %parallel_loop3A_385 = arith.constant 224 : index
      %parallel_loop3A_386 = tpu.vector_load %arg9[%parallel_loop3A_384, %parallel_loop3A_385] {strides = array<i32>} : memref<32x512xf32, #tpu.memory_space<vmem>>, vector<1x16xf32>,
      %parallel_loop3A_387 = vector.shape_cast %parallel_loop3A_386 : vector<1x16xf32> to vector<16xf32>
      %parallel_loop3A_388 = arith.index_cast %parallel_loop3A_225 : i32 to index
      %parallel_loop3A_389 = arith.constant 224 : index
      %parallel_loop3A_390 = tpu.vector_load %arg12[%parallel_loop3A_388, %parallel_loop3A_389] {strides = array<i32>} : memref<32x512xf32, #tpu.memory_space<vmem>>, vector<1x16xf32>,
      %parallel_loop3A_391 = vector.shape_cast %parallel_loop3A_390 : vector<1x16xf32> to vector<16xf32>
      %parallel_loop3A_392 = arith.subf %parallel_loop3A_387, %parallel_loop3A_391 : vector<16xf32>
      %parallel_loop3A_393 = arith.mulf %parallel_loop3A_392, %parallel_loop3A_392 : vector<16xf32>
      %parallel_loop3A_394 = arith.addf %parallel_loop3A_350, %parallel_loop3A_393 : vector<16xf32>
      %parallel_loop3A_395 = arith.index_cast %parallel_loop3A_225 : i32 to index
      %parallel_loop3A_396 = arith.constant 240 : index
      %parallel_loop3A_397 = tpu.vector_load %arg9[%parallel_loop3A_395, %parallel_loop3A_396] {strides = array<i32>} : memref<32x512xf32, #tpu.memory_space<vmem>>, vector<1x16xf32>,
      %parallel_loop3A_398 = vector.shape_cast %parallel_loop3A_397 : vector<1x16xf32> to vector<16xf32>
      %parallel_loop3A_399 = arith.index_cast %parallel_loop3A_225 : i32 to index
      %parallel_loop3A_400 = arith.constant 240 : index
      %parallel_loop3A_401 = tpu.vector_load %arg12[%parallel_loop3A_399, %parallel_loop3A_400] {strides = array<i32>} : memref<32x512xf32, #tpu.memory_space<vmem>>, vector<1x16xf32>,
      %parallel_loop3A_402 = vector.shape_cast %parallel_loop3A_401 : vector<1x16xf32> to vector<16xf32>
      %parallel_loop3A_403 = arith.subf %parallel_loop3A_398, %parallel_loop3A_402 : vector<16xf32>
      %parallel_loop3A_404 = arith.mulf %parallel_loop3A_403, %parallel_loop3A_403 : vector<16xf32>
      %parallel_loop3A_405 = arith.addf %parallel_loop3A_361, %parallel_loop3A_404 : vector<16xf32>
      %parallel_loop3A_406 = arith.index_cast %parallel_loop3A_225 : i32 to index
      %parallel_loop3A_407 = arith.constant 256 : index
      %parallel_loop3A_408 = tpu.vector_load %arg9[%parallel_loop3A_406, %parallel_loop3A_407] {strides = array<i32>} : memref<32x512xf32, #tpu.memory_space<vmem>>, vector<1x16xf32>,
      %parallel_loop3A_409 = vector.shape_cast %parallel_loop3A_408 : vector<1x16xf32> to vector<16xf32>
      %parallel_loop3A_410 = arith.index_cast %parallel_loop3A_225 : i32 to index
      %parallel_loop3A_411 = arith.constant 256 : index
      %parallel_loop3A_412 = tpu.vector_load %arg12[%parallel_loop3A_410, %parallel_loop3A_411] {strides = array<i32>} : memref<32x512xf32, #tpu.memory_space<vmem>>, vector<1x16xf32>,
      %parallel_loop3A_413 = vector.shape_cast %parallel_loop3A_412 : vector<1x16xf32> to vector<16xf32>
      %parallel_loop3A_414 = arith.subf %parallel_loop3A_409, %parallel_loop3A_413 : vector<16xf32>
      %parallel_loop3A_415 = arith.mulf %parallel_loop3A_414, %parallel_loop3A_414 : vector<16xf32>
      %parallel_loop3A_416 = arith.addf %parallel_loop3A_372, %parallel_loop3A_415 : vector<16xf32>
      %parallel_loop3A_417 = arith.index_cast %parallel_loop3A_225 : i32 to index
      %parallel_loop3A_418 = arith.constant 272 : index
      %parallel_loop3A_419 = tpu.vector_load %arg9[%parallel_loop3A_417, %parallel_loop3A_418] {strides = array<i32>} : memref<32x512xf32, #tpu.memory_space<vmem>>, vector<1x16xf32>,
      %parallel_loop3A_420 = vector.shape_cast %parallel_loop3A_419 : vector<1x16xf32> to vector<16xf32>
      %parallel_loop3A_421 = arith.index_cast %parallel_loop3A_225 : i32 to index
      %parallel_loop3A_422 = arith.constant 272 : index
      %parallel_loop3A_423 = tpu.vector_load %arg12[%parallel_loop3A_421, %parallel_loop3A_422] {strides = array<i32>} : memref<32x512xf32, #tpu.memory_space<vmem>>, vector<1x16xf32>,
      %parallel_loop3A_424 = vector.shape_cast %parallel_loop3A_423 : vector<1x16xf32> to vector<16xf32>
      %parallel_loop3A_425 = arith.subf %parallel_loop3A_420, %parallel_loop3A_424 : vector<16xf32>
      %parallel_loop3A_426 = arith.mulf %parallel_loop3A_425, %parallel_loop3A_425 : vector<16xf32>
      %parallel_loop3A_427 = arith.addf %parallel_loop3A_383, %parallel_loop3A_426 : vector<16xf32>
      %parallel_loop3A_428 = arith.index_cast %parallel_loop3A_225 : i32 to index
      %parallel_loop3A_429 = arith.constant 288 : index
      %parallel_loop3A_430 = tpu.vector_load %arg9[%parallel_loop3A_428, %parallel_loop3A_429] {strides = array<i32>} : memref<32x512xf32, #tpu.memory_space<vmem>>, vector<1x16xf32>,
      %parallel_loop3A_431 = vector.shape_cast %parallel_loop3A_430 : vector<1x16xf32> to vector<16xf32>
      %parallel_loop3A_432 = arith.index_cast %parallel_loop3A_225 : i32 to index
      %parallel_loop3A_433 = arith.constant 288 : index
      %parallel_loop3A_434 = tpu.vector_load %arg12[%parallel_loop3A_432, %parallel_loop3A_433] {strides = array<i32>} : memref<32x512xf32, #tpu.memory_space<vmem>>, vector<1x16xf32>,
      %parallel_loop3A_435 = vector.shape_cast %parallel_loop3A_434 : vector<1x16xf32> to vector<16xf32>
      %parallel_loop3A_436 = arith.subf %parallel_loop3A_431, %parallel_loop3A_435 : vector<16xf32>
      %parallel_loop3A_437 = arith.mulf %parallel_loop3A_436, %parallel_loop3A_436 : vector<16xf32>
      %parallel_loop3A_438 = arith.addf %parallel_loop3A_394, %parallel_loop3A_437 : vector<16xf32>
      %parallel_loop3A_439 = arith.index_cast %parallel_loop3A_225 : i32 to index
      %parallel_loop3A_440 = arith.constant 304 : index
      %parallel_loop3A_441 = tpu.vector_load %arg9[%parallel_loop3A_439, %parallel_loop3A_440] {strides = array<i32>} : memref<32x512xf32, #tpu.memory_space<vmem>>, vector<1x16xf32>,
      %parallel_loop3A_442 = vector.shape_cast %parallel_loop3A_441 : vector<1x16xf32> to vector<16xf32>
      %parallel_loop3A_443 = arith.index_cast %parallel_loop3A_225 : i32 to index
      %parallel_loop3A_444 = arith.constant 304 : index
      %parallel_loop3A_445 = tpu.vector_load %arg12[%parallel_loop3A_443, %parallel_loop3A_444] {strides = array<i32>} : memref<32x512xf32, #tpu.memory_space<vmem>>, vector<1x16xf32>,
      %parallel_loop3A_446 = vector.shape_cast %parallel_loop3A_445 : vector<1x16xf32> to vector<16xf32>
      %parallel_loop3A_447 = arith.subf %parallel_loop3A_442, %parallel_loop3A_446 : vector<16xf32>
      %parallel_loop3A_448 = arith.mulf %parallel_loop3A_447, %parallel_loop3A_447 : vector<16xf32>
      %parallel_loop3A_449 = arith.addf %parallel_loop3A_405, %parallel_loop3A_448 : vector<16xf32>
      %parallel_loop3A_450 = arith.index_cast %parallel_loop3A_225 : i32 to index
      %parallel_loop3A_451 = arith.constant 320 : index
      %parallel_loop3A_452 = tpu.vector_load %arg9[%parallel_loop3A_450, %parallel_loop3A_451] {strides = array<i32>} : memref<32x512xf32, #tpu.memory_space<vmem>>, vector<1x16xf32>,
      %parallel_loop3A_453 = vector.shape_cast %parallel_loop3A_452 : vector<1x16xf32> to vector<16xf32>
      %parallel_loop3A_454 = arith.index_cast %parallel_loop3A_225 : i32 to index
      %parallel_loop3A_455 = arith.constant 320 : index
      %parallel_loop3A_456 = tpu.vector_load %arg12[%parallel_loop3A_454, %parallel_loop3A_455] {strides = array<i32>} : memref<32x512xf32, #tpu.memory_space<vmem>>, vector<1x16xf32>,
      %parallel_loop3A_457 = vector.shape_cast %parallel_loop3A_456 : vector<1x16xf32> to vector<16xf32>
      %parallel_loop3A_458 = arith.subf %parallel_loop3A_453, %parallel_loop3A_457 : vector<16xf32>
      %parallel_loop3A_459 = arith.mulf %parallel_loop3A_458, %parallel_loop3A_458 : vector<16xf32>
      %parallel_loop3A_460 = arith.addf %parallel_loop3A_416, %parallel_loop3A_459 : vector<16xf32>
      %parallel_loop3A_461 = arith.index_cast %parallel_loop3A_225 : i32 to index
      %parallel_loop3A_462 = arith.constant 336 : index
      %parallel_loop3A_463 = tpu.vector_load %arg9[%parallel_loop3A_461, %parallel_loop3A_462] {strides = array<i32>} : memref<32x512xf32, #tpu.memory_space<vmem>>, vector<1x16xf32>,
      %parallel_loop3A_464 = vector.shape_cast %parallel_loop3A_463 : vector<1x16xf32> to vector<16xf32>
      %parallel_loop3A_465 = arith.index_cast %parallel_loop3A_225 : i32 to index
      %parallel_loop3A_466 = arith.constant 336 : index
      %parallel_loop3A_467 = tpu.vector_load %arg12[%parallel_loop3A_465, %parallel_loop3A_466] {strides = array<i32>} : memref<32x512xf32, #tpu.memory_space<vmem>>, vector<1x16xf32>,
      %parallel_loop3A_468 = vector.shape_cast %parallel_loop3A_467 : vector<1x16xf32> to vector<16xf32>
      %parallel_loop3A_469 = arith.subf %parallel_loop3A_464, %parallel_loop3A_468 : vector<16xf32>
      %parallel_loop3A_470 = arith.mulf %parallel_loop3A_469, %parallel_loop3A_469 : vector<16xf32>
      %parallel_loop3A_471 = arith.addf %parallel_loop3A_427, %parallel_loop3A_470 : vector<16xf32>
      %parallel_loop3A_472 = arith.index_cast %parallel_loop3A_225 : i32 to index
      %parallel_loop3A_473 = arith.constant 352 : index
      %parallel_loop3A_474 = tpu.vector_load %arg9[%parallel_loop3A_472, %parallel_loop3A_473] {strides = array<i32>} : memref<32x512xf32, #tpu.memory_space<vmem>>, vector<1x16xf32>,
      %parallel_loop3A_475 = vector.shape_cast %parallel_loop3A_474 : vector<1x16xf32> to vector<16xf32>
      %parallel_loop3A_476 = arith.index_cast %parallel_loop3A_225 : i32 to index
      %parallel_loop3A_477 = arith.constant 352 : index
      %parallel_loop3A_478 = tpu.vector_load %arg12[%parallel_loop3A_476, %parallel_loop3A_477] {strides = array<i32>} : memref<32x512xf32, #tpu.memory_space<vmem>>, vector<1x16xf32>,
      %parallel_loop3A_479 = vector.shape_cast %parallel_loop3A_478 : vector<1x16xf32> to vector<16xf32>
      %parallel_loop3A_480 = arith.subf %parallel_loop3A_475, %parallel_loop3A_479 : vector<16xf32>
      %parallel_loop3A_481 = arith.mulf %parallel_loop3A_480, %parallel_loop3A_480 : vector<16xf32>
      %parallel_loop3A_482 = arith.addf %parallel_loop3A_438, %parallel_loop3A_481 : vector<16xf32>
      %parallel_loop3A_483 = arith.index_cast %parallel_loop3A_225 : i32 to index
      %parallel_loop3A_484 = arith.constant 368 : index
      %parallel_loop3A_485 = tpu.vector_load %arg9[%parallel_loop3A_483, %parallel_loop3A_484] {strides = array<i32>} : memref<32x512xf32, #tpu.memory_space<vmem>>, vector<1x16xf32>,
      %parallel_loop3A_486 = vector.shape_cast %parallel_loop3A_485 : vector<1x16xf32> to vector<16xf32>
      %parallel_loop3A_487 = arith.index_cast %parallel_loop3A_225 : i32 to index
      %parallel_loop3A_488 = arith.constant 368 : index
      %parallel_loop3A_489 = tpu.vector_load %arg12[%parallel_loop3A_487, %parallel_loop3A_488] {strides = array<i32>} : memref<32x512xf32, #tpu.memory_space<vmem>>, vector<1x16xf32>,
      %parallel_loop3A_490 = vector.shape_cast %parallel_loop3A_489 : vector<1x16xf32> to vector<16xf32>
      %parallel_loop3A_491 = arith.subf %parallel_loop3A_486, %parallel_loop3A_490 : vector<16xf32>
      %parallel_loop3A_492 = arith.mulf %parallel_loop3A_491, %parallel_loop3A_491 : vector<16xf32>
      %parallel_loop3A_493 = arith.addf %parallel_loop3A_449, %parallel_loop3A_492 : vector<16xf32>
      %parallel_loop3A_494 = arith.index_cast %parallel_loop3A_225 : i32 to index
      %parallel_loop3A_495 = arith.constant 384 : index
      %parallel_loop3A_496 = tpu.vector_load %arg9[%parallel_loop3A_494, %parallel_loop3A_495] {strides = array<i32>} : memref<32x512xf32, #tpu.memory_space<vmem>>, vector<1x16xf32>,
      %parallel_loop3A_497 = vector.shape_cast %parallel_loop3A_496 : vector<1x16xf32> to vector<16xf32>
      %parallel_loop3A_498 = arith.index_cast %parallel_loop3A_225 : i32 to index
      %parallel_loop3A_499 = arith.constant 384 : index
      %parallel_loop3A_500 = tpu.vector_load %arg12[%parallel_loop3A_498, %parallel_loop3A_499] {strides = array<i32>} : memref<32x512xf32, #tpu.memory_space<vmem>>, vector<1x16xf32>,
      %parallel_loop3A_501 = vector.shape_cast %parallel_loop3A_500 : vector<1x16xf32> to vector<16xf32>
      %parallel_loop3A_502 = arith.subf %parallel_loop3A_497, %parallel_loop3A_501 : vector<16xf32>
      %parallel_loop3A_503 = arith.mulf %parallel_loop3A_502, %parallel_loop3A_502 : vector<16xf32>
      %parallel_loop3A_504 = arith.addf %parallel_loop3A_460, %parallel_loop3A_503 : vector<16xf32>
      %parallel_loop3A_505 = arith.index_cast %parallel_loop3A_225 : i32 to index
      %parallel_loop3A_506 = arith.constant 400 : index
      %parallel_loop3A_507 = tpu.vector_load %arg9[%parallel_loop3A_505, %parallel_loop3A_506] {strides = array<i32>} : memref<32x512xf32, #tpu.memory_space<vmem>>, vector<1x16xf32>,
      %parallel_loop3A_508 = vector.shape_cast %parallel_loop3A_507 : vector<1x16xf32> to vector<16xf32>
      %parallel_loop3A_509 = arith.index_cast %parallel_loop3A_225 : i32 to index
      %parallel_loop3A_510 = arith.constant 400 : index
      %parallel_loop3A_511 = tpu.vector_load %arg12[%parallel_loop3A_509, %parallel_loop3A_510] {strides = array<i32>} : memref<32x512xf32, #tpu.memory_space<vmem>>, vector<1x16xf32>,
      %parallel_loop3A_512 = vector.shape_cast %parallel_loop3A_511 : vector<1x16xf32> to vector<16xf32>
      %parallel_loop3A_513 = arith.subf %parallel_loop3A_508, %parallel_loop3A_512 : vector<16xf32>
      %parallel_loop3A_514 = arith.mulf %parallel_loop3A_513, %parallel_loop3A_513 : vector<16xf32>
      %parallel_loop3A_515 = arith.addf %parallel_loop3A_471, %parallel_loop3A_514 : vector<16xf32>
      %parallel_loop3A_516 = arith.index_cast %parallel_loop3A_225 : i32 to index
      %parallel_loop3A_517 = arith.constant 416 : index
      %parallel_loop3A_518 = tpu.vector_load %arg9[%parallel_loop3A_516, %parallel_loop3A_517] {strides = array<i32>} : memref<32x512xf32, #tpu.memory_space<vmem>>, vector<1x16xf32>,
      %parallel_loop3A_519 = vector.shape_cast %parallel_loop3A_518 : vector<1x16xf32> to vector<16xf32>
      %parallel_loop3A_520 = arith.index_cast %parallel_loop3A_225 : i32 to index
      %parallel_loop3A_521 = arith.constant 416 : index
      %parallel_loop3A_522 = tpu.vector_load %arg12[%parallel_loop3A_520, %parallel_loop3A_521] {strides = array<i32>} : memref<32x512xf32, #tpu.memory_space<vmem>>, vector<1x16xf32>,
      %parallel_loop3A_523 = vector.shape_cast %parallel_loop3A_522 : vector<1x16xf32> to vector<16xf32>
      %parallel_loop3A_524 = arith.subf %parallel_loop3A_519, %parallel_loop3A_523 : vector<16xf32>
      %parallel_loop3A_525 = arith.mulf %parallel_loop3A_524, %parallel_loop3A_524 : vector<16xf32>
      %parallel_loop3A_526 = arith.addf %parallel_loop3A_482, %parallel_loop3A_525 : vector<16xf32>
      %parallel_loop3A_527 = arith.index_cast %parallel_loop3A_225 : i32 to index
      %parallel_loop3A_528 = arith.constant 432 : index
      %parallel_loop3A_529 = tpu.vector_load %arg9[%parallel_loop3A_527, %parallel_loop3A_528] {strides = array<i32>} : memref<32x512xf32, #tpu.memory_space<vmem>>, vector<1x16xf32>,
      %parallel_loop3A_530 = vector.shape_cast %parallel_loop3A_529 : vector<1x16xf32> to vector<16xf32>
      %parallel_loop3A_531 = arith.index_cast %parallel_loop3A_225 : i32 to index
      %parallel_loop3A_532 = arith.constant 432 : index
      %parallel_loop3A_533 = tpu.vector_load %arg12[%parallel_loop3A_531, %parallel_loop3A_532] {strides = array<i32>} : memref<32x512xf32, #tpu.memory_space<vmem>>, vector<1x16xf32>,
      %parallel_loop3A_534 = vector.shape_cast %parallel_loop3A_533 : vector<1x16xf32> to vector<16xf32>
      %parallel_loop3A_535 = arith.subf %parallel_loop3A_530, %parallel_loop3A_534 : vector<16xf32>
      %parallel_loop3A_536 = arith.mulf %parallel_loop3A_535, %parallel_loop3A_535 : vector<16xf32>
      %parallel_loop3A_537 = arith.addf %parallel_loop3A_493, %parallel_loop3A_536 : vector<16xf32>
      %parallel_loop3A_538 = arith.index_cast %parallel_loop3A_225 : i32 to index
      %parallel_loop3A_539 = arith.constant 448 : index
      %parallel_loop3A_540 = tpu.vector_load %arg9[%parallel_loop3A_538, %parallel_loop3A_539] {strides = array<i32>} : memref<32x512xf32, #tpu.memory_space<vmem>>, vector<1x16xf32>,
      %parallel_loop3A_541 = vector.shape_cast %parallel_loop3A_540 : vector<1x16xf32> to vector<16xf32>
      %parallel_loop3A_542 = arith.index_cast %parallel_loop3A_225 : i32 to index
      %parallel_loop3A_543 = arith.constant 448 : index
      %parallel_loop3A_544 = tpu.vector_load %arg12[%parallel_loop3A_542, %parallel_loop3A_543] {strides = array<i32>} : memref<32x512xf32, #tpu.memory_space<vmem>>, vector<1x16xf32>,
      %parallel_loop3A_545 = vector.shape_cast %parallel_loop3A_544 : vector<1x16xf32> to vector<16xf32>
      %parallel_loop3A_546 = arith.subf %parallel_loop3A_541, %parallel_loop3A_545 : vector<16xf32>
      %parallel_loop3A_547 = arith.mulf %parallel_loop3A_546, %parallel_loop3A_546 : vector<16xf32>
      %parallel_loop3A_548 = arith.addf %parallel_loop3A_504, %parallel_loop3A_547 : vector<16xf32>
      %parallel_loop3A_549 = arith.index_cast %parallel_loop3A_225 : i32 to index
      %parallel_loop3A_550 = arith.constant 464 : index
      %parallel_loop3A_551 = tpu.vector_load %arg9[%parallel_loop3A_549, %parallel_loop3A_550] {strides = array<i32>} : memref<32x512xf32, #tpu.memory_space<vmem>>, vector<1x16xf32>,
      %parallel_loop3A_552 = vector.shape_cast %parallel_loop3A_551 : vector<1x16xf32> to vector<16xf32>
      %parallel_loop3A_553 = arith.index_cast %parallel_loop3A_225 : i32 to index
      %parallel_loop3A_554 = arith.constant 464 : index
      %parallel_loop3A_555 = tpu.vector_load %arg12[%parallel_loop3A_553, %parallel_loop3A_554] {strides = array<i32>} : memref<32x512xf32, #tpu.memory_space<vmem>>, vector<1x16xf32>,
      %parallel_loop3A_556 = vector.shape_cast %parallel_loop3A_555 : vector<1x16xf32> to vector<16xf32>
      %parallel_loop3A_557 = arith.subf %parallel_loop3A_552, %parallel_loop3A_556 : vector<16xf32>
      %parallel_loop3A_558 = arith.mulf %parallel_loop3A_557, %parallel_loop3A_557 : vector<16xf32>
      %parallel_loop3A_559 = arith.addf %parallel_loop3A_515, %parallel_loop3A_558 : vector<16xf32>
      %parallel_loop3A_560 = arith.index_cast %parallel_loop3A_225 : i32 to index
      %parallel_loop3A_561 = arith.constant 480 : index
      %parallel_loop3A_562 = tpu.vector_load %arg9[%parallel_loop3A_560, %parallel_loop3A_561] {strides = array<i32>} : memref<32x512xf32, #tpu.memory_space<vmem>>, vector<1x16xf32>,
      %parallel_loop3A_563 = vector.shape_cast %parallel_loop3A_562 : vector<1x16xf32> to vector<16xf32>
      %parallel_loop3A_564 = arith.index_cast %parallel_loop3A_225 : i32 to index
      %parallel_loop3A_565 = arith.constant 480 : index
      %parallel_loop3A_566 = tpu.vector_load %arg12[%parallel_loop3A_564, %parallel_loop3A_565] {strides = array<i32>} : memref<32x512xf32, #tpu.memory_space<vmem>>, vector<1x16xf32>,
      %parallel_loop3A_567 = vector.shape_cast %parallel_loop3A_566 : vector<1x16xf32> to vector<16xf32>
      %parallel_loop3A_568 = arith.subf %parallel_loop3A_563, %parallel_loop3A_567 : vector<16xf32>
      %parallel_loop3A_569 = arith.mulf %parallel_loop3A_568, %parallel_loop3A_568 : vector<16xf32>
      %parallel_loop3A_570 = arith.addf %parallel_loop3A_526, %parallel_loop3A_569 : vector<16xf32>
      %parallel_loop3A_571 = arith.index_cast %parallel_loop3A_225 : i32 to index
      %parallel_loop3A_572 = arith.constant 496 : index
      %parallel_loop3A_573 = tpu.vector_load %arg9[%parallel_loop3A_571, %parallel_loop3A_572] {strides = array<i32>} : memref<32x512xf32, #tpu.memory_space<vmem>>, vector<1x16xf32>,
      %parallel_loop3A_574 = vector.shape_cast %parallel_loop3A_573 : vector<1x16xf32> to vector<16xf32>
      %parallel_loop3A_575 = arith.index_cast %parallel_loop3A_225 : i32 to index
      %parallel_loop3A_576 = arith.constant 496 : index
      %parallel_loop3A_577 = tpu.vector_load %arg12[%parallel_loop3A_575, %parallel_loop3A_576] {strides = array<i32>} : memref<32x512xf32, #tpu.memory_space<vmem>>, vector<1x16xf32>,
      %parallel_loop3A_578 = vector.shape_cast %parallel_loop3A_577 : vector<1x16xf32> to vector<16xf32>
      %parallel_loop3A_579 = arith.subf %parallel_loop3A_574, %parallel_loop3A_578 : vector<16xf32>
      %parallel_loop3A_580 = arith.mulf %parallel_loop3A_579, %parallel_loop3A_579 : vector<16xf32>
      %parallel_loop3A_581 = arith.addf %parallel_loop3A_537, %parallel_loop3A_580 : vector<16xf32>
      scf.yield %parallel_loop3A_548, %parallel_loop3A_559, %parallel_loop3A_570, %parallel_loop3A_581 : vector<16xf32>, vector<16xf32>, vector<16xf32>, vector<16xf32>
    } {sc.loop_unroll_factor = 2 : i64, sc.parallel_access}
    %dma_wait3A_175 = arith.constant 0 : i32
    %dma_wait3A_176 = arith.constant 0 : i32
    %dma_wait3A_177 = tpu.memref_slice %arg7[%dma_wait3A_175, %dma_wait3A_176] : memref<32x512xf32, #tpu.memory_space<vmem>> -> memref<32x512xf32, #tpu.memory_space<vmem>>
    %dma_wait3A_178 = arith.constant 0 : i32
    %dma_wait3A_179 = tpu.memref_slice %arg2[%add3A_92, %dma_wait3A_178] : memref<4096x512xf32, #tpu.memory_space<hbm>> -> memref<32x512xf32, #tpu.memory_space<hbm>>
    %dma_wait3A_180 = arith.constant 0 : i32
    %dma_wait3A_181 = arith.constant 0 : i32
    %dma_wait3A_182 = tpu.memref_slice %arg7[%dma_wait3A_180, %dma_wait3A_181] : memref<32x512xf32, #tpu.memory_space<vmem>> -> memref<32x512xf32, #tpu.memory_space<vmem>>
    %dma_wait3A_183 = arith.constant 0 : i32
    %dma_wait3A_184 = tpu.memref_slice %arg2[%add3A_92, %dma_wait3A_183] : memref<4096x512xf32, #tpu.memory_space<hbm>> -> memref<32x512xf32, #tpu.memory_space<hbm>>
    tpu.wait_dma2 semaphore(%arg14 : memref<!tpu.dma_semaphore, #tpu.memory_space<semaphore_mem>>) src(%dma_wait3A_184 : memref<32x512xf32, #tpu.memory_space<hbm>>) dst(%dma_wait3A_182 : memref<32x512xf32, #tpu.memory_space<vmem>>)
    %dma_wait3A_185 = arith.constant 0 : i32
    %dma_wait3A_186 = arith.constant 0 : i32
    %dma_wait3A_187 = tpu.memref_slice %arg10[%dma_wait3A_185, %dma_wait3A_186] : memref<32x512xf32, #tpu.memory_space<vmem>> -> memref<32x512xf32, #tpu.memory_space<vmem>>
    %dma_wait3A_188 = arith.constant 64 : i32
    %dma_wait3A_189 = tpu.memref_slice %arg6[%dma_wait3A_188] : memref<128xi32, #tpu.memory_space<vmem>> -> memref<32xi32, #tpu.memory_space<vmem>>
    %dma_wait3A_190 = arith.constant 0 : i32
    %dma_wait3A_191 = arith.constant 0 : i32
    %dma_wait3A_192 = tpu.memref_slice %arg4[%dma_wait3A_190, %dma_wait3A_191] : memref<10000x512xf32, #tpu.memory_space<hbm>> -> memref<10000x512xf32, #tpu.memory_space<hbm>>
    tpu.wait_indirect_dma semaphore(%arg17 : memref<!tpu.dma_semaphore, #tpu.memory_space<semaphore_mem>>) src(%dma_wait3A_192 : memref<10000x512xf32, #tpu.memory_space<hbm>>) dst(%dma_wait3A_187 : memref<32x512xf32, #tpu.memory_space<vmem>>)
    %parallel_loop3A_193 = arith.constant 0 : i32
    %parallel_loop3A_194 = arith.constant 32 : i32
    %parallel_loop3A_195 = arith.constant 1 : i32
    %parallel_loop3A_196:4 = scf.for %parallel_loop3A_225 = %parallel_loop3A_193 to %parallel_loop3A_194 step %parallel_loop3A_195 iter_args(%parallel_loop3A_226 = %parallel_loop3A_174#0, %parallel_loop3A_227 = %parallel_loop3A_174#1, %parallel_loop3A_228 = %parallel_loop3A_174#2, %parallel_loop3A_229 = %parallel_loop3A_174#3) -> (vector<16xf32>, vector<16xf32>, vector<16xf32>, vector<16xf32>)  : i32 {
      %parallel_loop3A_230 = arith.index_cast %parallel_loop3A_225 : i32 to index
      %parallel_loop3A_231 = arith.constant 0 : index
      %parallel_loop3A_232 = tpu.vector_load %arg7[%parallel_loop3A_230, %parallel_loop3A_231] {strides = array<i32>} : memref<32x512xf32, #tpu.memory_space<vmem>>, vector<1x16xf32>,
      %parallel_loop3A_233 = vector.shape_cast %parallel_loop3A_232 : vector<1x16xf32> to vector<16xf32>
      %parallel_loop3A_234 = arith.index_cast %parallel_loop3A_225 : i32 to index
      %parallel_loop3A_235 = arith.constant 0 : index
      %parallel_loop3A_236 = tpu.vector_load %arg10[%parallel_loop3A_234, %parallel_loop3A_235] {strides = array<i32>} : memref<32x512xf32, #tpu.memory_space<vmem>>, vector<1x16xf32>,
      %parallel_loop3A_237 = vector.shape_cast %parallel_loop3A_236 : vector<1x16xf32> to vector<16xf32>
      %parallel_loop3A_238 = arith.subf %parallel_loop3A_233, %parallel_loop3A_237 : vector<16xf32>
      %parallel_loop3A_239 = arith.mulf %parallel_loop3A_238, %parallel_loop3A_238 : vector<16xf32>
      %parallel_loop3A_240 = arith.addf %parallel_loop3A_226, %parallel_loop3A_239 : vector<16xf32>
      %parallel_loop3A_241 = arith.index_cast %parallel_loop3A_225 : i32 to index
      %parallel_loop3A_242 = arith.constant 16 : index
      %parallel_loop3A_243 = tpu.vector_load %arg7[%parallel_loop3A_241, %parallel_loop3A_242] {strides = array<i32>} : memref<32x512xf32, #tpu.memory_space<vmem>>, vector<1x16xf32>,
      %parallel_loop3A_244 = vector.shape_cast %parallel_loop3A_243 : vector<1x16xf32> to vector<16xf32>
      %parallel_loop3A_245 = arith.index_cast %parallel_loop3A_225 : i32 to index
      %parallel_loop3A_246 = arith.constant 16 : index
      %parallel_loop3A_247 = tpu.vector_load %arg10[%parallel_loop3A_245, %parallel_loop3A_246] {strides = array<i32>} : memref<32x512xf32, #tpu.memory_space<vmem>>, vector<1x16xf32>,
      %parallel_loop3A_248 = vector.shape_cast %parallel_loop3A_247 : vector<1x16xf32> to vector<16xf32>
      %parallel_loop3A_249 = arith.subf %parallel_loop3A_244, %parallel_loop3A_248 : vector<16xf32>
      %parallel_loop3A_250 = arith.mulf %parallel_loop3A_249, %parallel_loop3A_249 : vector<16xf32>
      %parallel_loop3A_251 = arith.addf %parallel_loop3A_227, %parallel_loop3A_250 : vector<16xf32>
      %parallel_loop3A_252 = arith.index_cast %parallel_loop3A_225 : i32 to index
      %parallel_loop3A_253 = arith.constant 32 : index
      %parallel_loop3A_254 = tpu.vector_load %arg7[%parallel_loop3A_252, %parallel_loop3A_253] {strides = array<i32>} : memref<32x512xf32, #tpu.memory_space<vmem>>, vector<1x16xf32>,
      %parallel_loop3A_255 = vector.shape_cast %parallel_loop3A_254 : vector<1x16xf32> to vector<16xf32>
      %parallel_loop3A_256 = arith.index_cast %parallel_loop3A_225 : i32 to index
      %parallel_loop3A_257 = arith.constant 32 : index
      %parallel_loop3A_258 = tpu.vector_load %arg10[%parallel_loop3A_256, %parallel_loop3A_257] {strides = array<i32>} : memref<32x512xf32, #tpu.memory_space<vmem>>, vector<1x16xf32>,
      %parallel_loop3A_259 = vector.shape_cast %parallel_loop3A_258 : vector<1x16xf32> to vector<16xf32>
      %parallel_loop3A_260 = arith.subf %parallel_loop3A_255, %parallel_loop3A_259 : vector<16xf32>
      %parallel_loop3A_261 = arith.mulf %parallel_loop3A_260, %parallel_loop3A_260 : vector<16xf32>
      %parallel_loop3A_262 = arith.addf %parallel_loop3A_228, %parallel_loop3A_261 : vector<16xf32>
      %parallel_loop3A_263 = arith.index_cast %parallel_loop3A_225 : i32 to index
      %parallel_loop3A_264 = arith.constant 48 : index
      %parallel_loop3A_265 = tpu.vector_load %arg7[%parallel_loop3A_263, %parallel_loop3A_264] {strides = array<i32>} : memref<32x512xf32, #tpu.memory_space<vmem>>, vector<1x16xf32>,
      %parallel_loop3A_266 = vector.shape_cast %parallel_loop3A_265 : vector<1x16xf32> to vector<16xf32>
      %parallel_loop3A_267 = arith.index_cast %parallel_loop3A_225 : i32 to index
      %parallel_loop3A_268 = arith.constant 48 : index
      %parallel_loop3A_269 = tpu.vector_load %arg10[%parallel_loop3A_267, %parallel_loop3A_268] {strides = array<i32>} : memref<32x512xf32, #tpu.memory_space<vmem>>, vector<1x16xf32>,
      %parallel_loop3A_270 = vector.shape_cast %parallel_loop3A_269 : vector<1x16xf32> to vector<16xf32>
      %parallel_loop3A_271 = arith.subf %parallel_loop3A_266, %parallel_loop3A_270 : vector<16xf32>
      %parallel_loop3A_272 = arith.mulf %parallel_loop3A_271, %parallel_loop3A_271 : vector<16xf32>
      %parallel_loop3A_273 = arith.addf %parallel_loop3A_229, %parallel_loop3A_272 : vector<16xf32>
      %parallel_loop3A_274 = arith.index_cast %parallel_loop3A_225 : i32 to index
      %parallel_loop3A_275 = arith.constant 64 : index
      %parallel_loop3A_276 = tpu.vector_load %arg7[%parallel_loop3A_274, %parallel_loop3A_275] {strides = array<i32>} : memref<32x512xf32, #tpu.memory_space<vmem>>, vector<1x16xf32>,
      %parallel_loop3A_277 = vector.shape_cast %parallel_loop3A_276 : vector<1x16xf32> to vector<16xf32>
      %parallel_loop3A_278 = arith.index_cast %parallel_loop3A_225 : i32 to index
      %parallel_loop3A_279 = arith.constant 64 : index
      %parallel_loop3A_280 = tpu.vector_load %arg10[%parallel_loop3A_278, %parallel_loop3A_279] {strides = array<i32>} : memref<32x512xf32, #tpu.memory_space<vmem>>, vector<1x16xf32>,
      %parallel_loop3A_281 = vector.shape_cast %parallel_loop3A_280 : vector<1x16xf32> to vector<16xf32>
      %parallel_loop3A_282 = arith.subf %parallel_loop3A_277, %parallel_loop3A_281 : vector<16xf32>
      %parallel_loop3A_283 = arith.mulf %parallel_loop3A_282, %parallel_loop3A_282 : vector<16xf32>
      %parallel_loop3A_284 = arith.addf %parallel_loop3A_240, %parallel_loop3A_283 : vector<16xf32>
      %parallel_loop3A_285 = arith.index_cast %parallel_loop3A_225 : i32 to index
      %parallel_loop3A_286 = arith.constant 80 : index
      %parallel_loop3A_287 = tpu.vector_load %arg7[%parallel_loop3A_285, %parallel_loop3A_286] {strides = array<i32>} : memref<32x512xf32, #tpu.memory_space<vmem>>, vector<1x16xf32>,
      %parallel_loop3A_288 = vector.shape_cast %parallel_loop3A_287 : vector<1x16xf32> to vector<16xf32>
      %parallel_loop3A_289 = arith.index_cast %parallel_loop3A_225 : i32 to index
      %parallel_loop3A_290 = arith.constant 80 : index
      %parallel_loop3A_291 = tpu.vector_load %arg10[%parallel_loop3A_289, %parallel_loop3A_290] {strides = array<i32>} : memref<32x512xf32, #tpu.memory_space<vmem>>, vector<1x16xf32>,
      %parallel_loop3A_292 = vector.shape_cast %parallel_loop3A_291 : vector<1x16xf32> to vector<16xf32>
      %parallel_loop3A_293 = arith.subf %parallel_loop3A_288, %parallel_loop3A_292 : vector<16xf32>
      %parallel_loop3A_294 = arith.mulf %parallel_loop3A_293, %parallel_loop3A_293 : vector<16xf32>
      %parallel_loop3A_295 = arith.addf %parallel_loop3A_251, %parallel_loop3A_294 : vector<16xf32>
      %parallel_loop3A_296 = arith.index_cast %parallel_loop3A_225 : i32 to index
      %parallel_loop3A_297 = arith.constant 96 : index
      %parallel_loop3A_298 = tpu.vector_load %arg7[%parallel_loop3A_296, %parallel_loop3A_297] {strides = array<i32>} : memref<32x512xf32, #tpu.memory_space<vmem>>, vector<1x16xf32>,
      %parallel_loop3A_299 = vector.shape_cast %parallel_loop3A_298 : vector<1x16xf32> to vector<16xf32>
      %parallel_loop3A_300 = arith.index_cast %parallel_loop3A_225 : i32 to index
      %parallel_loop3A_301 = arith.constant 96 : index
      %parallel_loop3A_302 = tpu.vector_load %arg10[%parallel_loop3A_300, %parallel_loop3A_301] {strides = array<i32>} : memref<32x512xf32, #tpu.memory_space<vmem>>, vector<1x16xf32>,
      %parallel_loop3A_303 = vector.shape_cast %parallel_loop3A_302 : vector<1x16xf32> to vector<16xf32>
      %parallel_loop3A_304 = arith.subf %parallel_loop3A_299, %parallel_loop3A_303 : vector<16xf32>
      %parallel_loop3A_305 = arith.mulf %parallel_loop3A_304, %parallel_loop3A_304 : vector<16xf32>
      %parallel_loop3A_306 = arith.addf %parallel_loop3A_262, %parallel_loop3A_305 : vector<16xf32>
      %parallel_loop3A_307 = arith.index_cast %parallel_loop3A_225 : i32 to index
      %parallel_loop3A_308 = arith.constant 112 : index
      %parallel_loop3A_309 = tpu.vector_load %arg7[%parallel_loop3A_307, %parallel_loop3A_308] {strides = array<i32>} : memref<32x512xf32, #tpu.memory_space<vmem>>, vector<1x16xf32>,
      %parallel_loop3A_310 = vector.shape_cast %parallel_loop3A_309 : vector<1x16xf32> to vector<16xf32>
      %parallel_loop3A_311 = arith.index_cast %parallel_loop3A_225 : i32 to index
      %parallel_loop3A_312 = arith.constant 112 : index
      %parallel_loop3A_313 = tpu.vector_load %arg10[%parallel_loop3A_311, %parallel_loop3A_312] {strides = array<i32>} : memref<32x512xf32, #tpu.memory_space<vmem>>, vector<1x16xf32>,
      %parallel_loop3A_314 = vector.shape_cast %parallel_loop3A_313 : vector<1x16xf32> to vector<16xf32>
      %parallel_loop3A_315 = arith.subf %parallel_loop3A_310, %parallel_loop3A_314 : vector<16xf32>
      %parallel_loop3A_316 = arith.mulf %parallel_loop3A_315, %parallel_loop3A_315 : vector<16xf32>
      %parallel_loop3A_317 = arith.addf %parallel_loop3A_273, %parallel_loop3A_316 : vector<16xf32>
      %parallel_loop3A_318 = arith.index_cast %parallel_loop3A_225 : i32 to index
      %parallel_loop3A_319 = arith.constant 128 : index
      %parallel_loop3A_320 = tpu.vector_load %arg7[%parallel_loop3A_318, %parallel_loop3A_319] {strides = array<i32>} : memref<32x512xf32, #tpu.memory_space<vmem>>, vector<1x16xf32>,
      %parallel_loop3A_321 = vector.shape_cast %parallel_loop3A_320 : vector<1x16xf32> to vector<16xf32>
      %parallel_loop3A_322 = arith.index_cast %parallel_loop3A_225 : i32 to index
      %parallel_loop3A_323 = arith.constant 128 : index
      %parallel_loop3A_324 = tpu.vector_load %arg10[%parallel_loop3A_322, %parallel_loop3A_323] {strides = array<i32>} : memref<32x512xf32, #tpu.memory_space<vmem>>, vector<1x16xf32>,
      %parallel_loop3A_325 = vector.shape_cast %parallel_loop3A_324 : vector<1x16xf32> to vector<16xf32>
      %parallel_loop3A_326 = arith.subf %parallel_loop3A_321, %parallel_loop3A_325 : vector<16xf32>
      %parallel_loop3A_327 = arith.mulf %parallel_loop3A_326, %parallel_loop3A_326 : vector<16xf32>
      %parallel_loop3A_328 = arith.addf %parallel_loop3A_284, %parallel_loop3A_327 : vector<16xf32>
      %parallel_loop3A_329 = arith.index_cast %parallel_loop3A_225 : i32 to index
      %parallel_loop3A_330 = arith.constant 144 : index
      %parallel_loop3A_331 = tpu.vector_load %arg7[%parallel_loop3A_329, %parallel_loop3A_330] {strides = array<i32>} : memref<32x512xf32, #tpu.memory_space<vmem>>, vector<1x16xf32>,
      %parallel_loop3A_332 = vector.shape_cast %parallel_loop3A_331 : vector<1x16xf32> to vector<16xf32>
      %parallel_loop3A_333 = arith.index_cast %parallel_loop3A_225 : i32 to index
      %parallel_loop3A_334 = arith.constant 144 : index
      %parallel_loop3A_335 = tpu.vector_load %arg10[%parallel_loop3A_333, %parallel_loop3A_334] {strides = array<i32>} : memref<32x512xf32, #tpu.memory_space<vmem>>, vector<1x16xf32>,
      %parallel_loop3A_336 = vector.shape_cast %parallel_loop3A_335 : vector<1x16xf32> to vector<16xf32>
      %parallel_loop3A_337 = arith.subf %parallel_loop3A_332, %parallel_loop3A_336 : vector<16xf32>
      %parallel_loop3A_338 = arith.mulf %parallel_loop3A_337, %parallel_loop3A_337 : vector<16xf32>
      %parallel_loop3A_339 = arith.addf %parallel_loop3A_295, %parallel_loop3A_338 : vector<16xf32>
      %parallel_loop3A_340 = arith.index_cast %parallel_loop3A_225 : i32 to index
      %parallel_loop3A_341 = arith.constant 160 : index
      %parallel_loop3A_342 = tpu.vector_load %arg7[%parallel_loop3A_340, %parallel_loop3A_341] {strides = array<i32>} : memref<32x512xf32, #tpu.memory_space<vmem>>, vector<1x16xf32>,
      %parallel_loop3A_343 = vector.shape_cast %parallel_loop3A_342 : vector<1x16xf32> to vector<16xf32>
      %parallel_loop3A_344 = arith.index_cast %parallel_loop3A_225 : i32 to index
      %parallel_loop3A_345 = arith.constant 160 : index
      %parallel_loop3A_346 = tpu.vector_load %arg10[%parallel_loop3A_344, %parallel_loop3A_345] {strides = array<i32>} : memref<32x512xf32, #tpu.memory_space<vmem>>, vector<1x16xf32>,
      %parallel_loop3A_347 = vector.shape_cast %parallel_loop3A_346 : vector<1x16xf32> to vector<16xf32>
      %parallel_loop3A_348 = arith.subf %parallel_loop3A_343, %parallel_loop3A_347 : vector<16xf32>
      %parallel_loop3A_349 = arith.mulf %parallel_loop3A_348, %parallel_loop3A_348 : vector<16xf32>
      %parallel_loop3A_350 = arith.addf %parallel_loop3A_306, %parallel_loop3A_349 : vector<16xf32>
      %parallel_loop3A_351 = arith.index_cast %parallel_loop3A_225 : i32 to index
      %parallel_loop3A_352 = arith.constant 176 : index
      %parallel_loop3A_353 = tpu.vector_load %arg7[%parallel_loop3A_351, %parallel_loop3A_352] {strides = array<i32>} : memref<32x512xf32, #tpu.memory_space<vmem>>, vector<1x16xf32>,
      %parallel_loop3A_354 = vector.shape_cast %parallel_loop3A_353 : vector<1x16xf32> to vector<16xf32>
      %parallel_loop3A_355 = arith.index_cast %parallel_loop3A_225 : i32 to index
      %parallel_loop3A_356 = arith.constant 176 : index
      %parallel_loop3A_357 = tpu.vector_load %arg10[%parallel_loop3A_355, %parallel_loop3A_356] {strides = array<i32>} : memref<32x512xf32, #tpu.memory_space<vmem>>, vector<1x16xf32>,
      %parallel_loop3A_358 = vector.shape_cast %parallel_loop3A_357 : vector<1x16xf32> to vector<16xf32>
      %parallel_loop3A_359 = arith.subf %parallel_loop3A_354, %parallel_loop3A_358 : vector<16xf32>
      %parallel_loop3A_360 = arith.mulf %parallel_loop3A_359, %parallel_loop3A_359 : vector<16xf32>
      %parallel_loop3A_361 = arith.addf %parallel_loop3A_317, %parallel_loop3A_360 : vector<16xf32>
      %parallel_loop3A_362 = arith.index_cast %parallel_loop3A_225 : i32 to index
      %parallel_loop3A_363 = arith.constant 192 : index
      %parallel_loop3A_364 = tpu.vector_load %arg7[%parallel_loop3A_362, %parallel_loop3A_363] {strides = array<i32>} : memref<32x512xf32, #tpu.memory_space<vmem>>, vector<1x16xf32>,
      %parallel_loop3A_365 = vector.shape_cast %parallel_loop3A_364 : vector<1x16xf32> to vector<16xf32>
      %parallel_loop3A_366 = arith.index_cast %parallel_loop3A_225 : i32 to index
      %parallel_loop3A_367 = arith.constant 192 : index
      %parallel_loop3A_368 = tpu.vector_load %arg10[%parallel_loop3A_366, %parallel_loop3A_367] {strides = array<i32>} : memref<32x512xf32, #tpu.memory_space<vmem>>, vector<1x16xf32>,
      %parallel_loop3A_369 = vector.shape_cast %parallel_loop3A_368 : vector<1x16xf32> to vector<16xf32>
      %parallel_loop3A_370 = arith.subf %parallel_loop3A_365, %parallel_loop3A_369 : vector<16xf32>
      %parallel_loop3A_371 = arith.mulf %parallel_loop3A_370, %parallel_loop3A_370 : vector<16xf32>
      %parallel_loop3A_372 = arith.addf %parallel_loop3A_328, %parallel_loop3A_371 : vector<16xf32>
      %parallel_loop3A_373 = arith.index_cast %parallel_loop3A_225 : i32 to index
      %parallel_loop3A_374 = arith.constant 208 : index
      %parallel_loop3A_375 = tpu.vector_load %arg7[%parallel_loop3A_373, %parallel_loop3A_374] {strides = array<i32>} : memref<32x512xf32, #tpu.memory_space<vmem>>, vector<1x16xf32>,
      %parallel_loop3A_376 = vector.shape_cast %parallel_loop3A_375 : vector<1x16xf32> to vector<16xf32>
      %parallel_loop3A_377 = arith.index_cast %parallel_loop3A_225 : i32 to index
      %parallel_loop3A_378 = arith.constant 208 : index
      %parallel_loop3A_379 = tpu.vector_load %arg10[%parallel_loop3A_377, %parallel_loop3A_378] {strides = array<i32>} : memref<32x512xf32, #tpu.memory_space<vmem>>, vector<1x16xf32>,
      %parallel_loop3A_380 = vector.shape_cast %parallel_loop3A_379 : vector<1x16xf32> to vector<16xf32>
      %parallel_loop3A_381 = arith.subf %parallel_loop3A_376, %parallel_loop3A_380 : vector<16xf32>
      %parallel_loop3A_382 = arith.mulf %parallel_loop3A_381, %parallel_loop3A_381 : vector<16xf32>
      %parallel_loop3A_383 = arith.addf %parallel_loop3A_339, %parallel_loop3A_382 : vector<16xf32>
      %parallel_loop3A_384 = arith.index_cast %parallel_loop3A_225 : i32 to index
      %parallel_loop3A_385 = arith.constant 224 : index
      %parallel_loop3A_386 = tpu.vector_load %arg7[%parallel_loop3A_384, %parallel_loop3A_385] {strides = array<i32>} : memref<32x512xf32, #tpu.memory_space<vmem>>, vector<1x16xf32>,
      %parallel_loop3A_387 = vector.shape_cast %parallel_loop3A_386 : vector<1x16xf32> to vector<16xf32>
      %parallel_loop3A_388 = arith.index_cast %parallel_loop3A_225 : i32 to index
      %parallel_loop3A_389 = arith.constant 224 : index
      %parallel_loop3A_390 = tpu.vector_load %arg10[%parallel_loop3A_388, %parallel_loop3A_389] {strides = array<i32>} : memref<32x512xf32, #tpu.memory_space<vmem>>, vector<1x16xf32>,
      %parallel_loop3A_391 = vector.shape_cast %parallel_loop3A_390 : vector<1x16xf32> to vector<16xf32>
      %parallel_loop3A_392 = arith.subf %parallel_loop3A_387, %parallel_loop3A_391 : vector<16xf32>
      %parallel_loop3A_393 = arith.mulf %parallel_loop3A_392, %parallel_loop3A_392 : vector<16xf32>
      %parallel_loop3A_394 = arith.addf %parallel_loop3A_350, %parallel_loop3A_393 : vector<16xf32>
      %parallel_loop3A_395 = arith.index_cast %parallel_loop3A_225 : i32 to index
      %parallel_loop3A_396 = arith.constant 240 : index
      %parallel_loop3A_397 = tpu.vector_load %arg7[%parallel_loop3A_395, %parallel_loop3A_396] {strides = array<i32>} : memref<32x512xf32, #tpu.memory_space<vmem>>, vector<1x16xf32>,
      %parallel_loop3A_398 = vector.shape_cast %parallel_loop3A_397 : vector<1x16xf32> to vector<16xf32>
      %parallel_loop3A_399 = arith.index_cast %parallel_loop3A_225 : i32 to index
      %parallel_loop3A_400 = arith.constant 240 : index
      %parallel_loop3A_401 = tpu.vector_load %arg10[%parallel_loop3A_399, %parallel_loop3A_400] {strides = array<i32>} : memref<32x512xf32, #tpu.memory_space<vmem>>, vector<1x16xf32>,
      %parallel_loop3A_402 = vector.shape_cast %parallel_loop3A_401 : vector<1x16xf32> to vector<16xf32>
      %parallel_loop3A_403 = arith.subf %parallel_loop3A_398, %parallel_loop3A_402 : vector<16xf32>
      %parallel_loop3A_404 = arith.mulf %parallel_loop3A_403, %parallel_loop3A_403 : vector<16xf32>
      %parallel_loop3A_405 = arith.addf %parallel_loop3A_361, %parallel_loop3A_404 : vector<16xf32>
      %parallel_loop3A_406 = arith.index_cast %parallel_loop3A_225 : i32 to index
      %parallel_loop3A_407 = arith.constant 256 : index
      %parallel_loop3A_408 = tpu.vector_load %arg7[%parallel_loop3A_406, %parallel_loop3A_407] {strides = array<i32>} : memref<32x512xf32, #tpu.memory_space<vmem>>, vector<1x16xf32>,
      %parallel_loop3A_409 = vector.shape_cast %parallel_loop3A_408 : vector<1x16xf32> to vector<16xf32>
      %parallel_loop3A_410 = arith.index_cast %parallel_loop3A_225 : i32 to index
      %parallel_loop3A_411 = arith.constant 256 : index
      %parallel_loop3A_412 = tpu.vector_load %arg10[%parallel_loop3A_410, %parallel_loop3A_411] {strides = array<i32>} : memref<32x512xf32, #tpu.memory_space<vmem>>, vector<1x16xf32>,
      %parallel_loop3A_413 = vector.shape_cast %parallel_loop3A_412 : vector<1x16xf32> to vector<16xf32>
      %parallel_loop3A_414 = arith.subf %parallel_loop3A_409, %parallel_loop3A_413 : vector<16xf32>
      %parallel_loop3A_415 = arith.mulf %parallel_loop3A_414, %parallel_loop3A_414 : vector<16xf32>
      %parallel_loop3A_416 = arith.addf %parallel_loop3A_372, %parallel_loop3A_415 : vector<16xf32>
      %parallel_loop3A_417 = arith.index_cast %parallel_loop3A_225 : i32 to index
      %parallel_loop3A_418 = arith.constant 272 : index
      %parallel_loop3A_419 = tpu.vector_load %arg7[%parallel_loop3A_417, %parallel_loop3A_418] {strides = array<i32>} : memref<32x512xf32, #tpu.memory_space<vmem>>, vector<1x16xf32>,
      %parallel_loop3A_420 = vector.shape_cast %parallel_loop3A_419 : vector<1x16xf32> to vector<16xf32>
      %parallel_loop3A_421 = arith.index_cast %parallel_loop3A_225 : i32 to index
      %parallel_loop3A_422 = arith.constant 272 : index
      %parallel_loop3A_423 = tpu.vector_load %arg10[%parallel_loop3A_421, %parallel_loop3A_422] {strides = array<i32>} : memref<32x512xf32, #tpu.memory_space<vmem>>, vector<1x16xf32>,
      %parallel_loop3A_424 = vector.shape_cast %parallel_loop3A_423 : vector<1x16xf32> to vector<16xf32>
      %parallel_loop3A_425 = arith.subf %parallel_loop3A_420, %parallel_loop3A_424 : vector<16xf32>
      %parallel_loop3A_426 = arith.mulf %parallel_loop3A_425, %parallel_loop3A_425 : vector<16xf32>
      %parallel_loop3A_427 = arith.addf %parallel_loop3A_383, %parallel_loop3A_426 : vector<16xf32>
      %parallel_loop3A_428 = arith.index_cast %parallel_loop3A_225 : i32 to index
      %parallel_loop3A_429 = arith.constant 288 : index
      %parallel_loop3A_430 = tpu.vector_load %arg7[%parallel_loop3A_428, %parallel_loop3A_429] {strides = array<i32>} : memref<32x512xf32, #tpu.memory_space<vmem>>, vector<1x16xf32>,
      %parallel_loop3A_431 = vector.shape_cast %parallel_loop3A_430 : vector<1x16xf32> to vector<16xf32>
      %parallel_loop3A_432 = arith.index_cast %parallel_loop3A_225 : i32 to index
      %parallel_loop3A_433 = arith.constant 288 : index
      %parallel_loop3A_434 = tpu.vector_load %arg10[%parallel_loop3A_432, %parallel_loop3A_433] {strides = array<i32>} : memref<32x512xf32, #tpu.memory_space<vmem>>, vector<1x16xf32>,
      %parallel_loop3A_435 = vector.shape_cast %parallel_loop3A_434 : vector<1x16xf32> to vector<16xf32>
      %parallel_loop3A_436 = arith.subf %parallel_loop3A_431, %parallel_loop3A_435 : vector<16xf32>
      %parallel_loop3A_437 = arith.mulf %parallel_loop3A_436, %parallel_loop3A_436 : vector<16xf32>
      %parallel_loop3A_438 = arith.addf %parallel_loop3A_394, %parallel_loop3A_437 : vector<16xf32>
      %parallel_loop3A_439 = arith.index_cast %parallel_loop3A_225 : i32 to index
      %parallel_loop3A_440 = arith.constant 304 : index
      %parallel_loop3A_441 = tpu.vector_load %arg7[%parallel_loop3A_439, %parallel_loop3A_440] {strides = array<i32>} : memref<32x512xf32, #tpu.memory_space<vmem>>, vector<1x16xf32>,
      %parallel_loop3A_442 = vector.shape_cast %parallel_loop3A_441 : vector<1x16xf32> to vector<16xf32>
      %parallel_loop3A_443 = arith.index_cast %parallel_loop3A_225 : i32 to index
      %parallel_loop3A_444 = arith.constant 304 : index
      %parallel_loop3A_445 = tpu.vector_load %arg10[%parallel_loop3A_443, %parallel_loop3A_444] {strides = array<i32>} : memref<32x512xf32, #tpu.memory_space<vmem>>, vector<1x16xf32>,
      %parallel_loop3A_446 = vector.shape_cast %parallel_loop3A_445 : vector<1x16xf32> to vector<16xf32>
      %parallel_loop3A_447 = arith.subf %parallel_loop3A_442, %parallel_loop3A_446 : vector<16xf32>
      %parallel_loop3A_448 = arith.mulf %parallel_loop3A_447, %parallel_loop3A_447 : vector<16xf32>
      %parallel_loop3A_449 = arith.addf %parallel_loop3A_405, %parallel_loop3A_448 : vector<16xf32>
      %parallel_loop3A_450 = arith.index_cast %parallel_loop3A_225 : i32 to index
      %parallel_loop3A_451 = arith.constant 320 : index
      %parallel_loop3A_452 = tpu.vector_load %arg7[%parallel_loop3A_450, %parallel_loop3A_451] {strides = array<i32>} : memref<32x512xf32, #tpu.memory_space<vmem>>, vector<1x16xf32>,
      %parallel_loop3A_453 = vector.shape_cast %parallel_loop3A_452 : vector<1x16xf32> to vector<16xf32>
      %parallel_loop3A_454 = arith.index_cast %parallel_loop3A_225 : i32 to index
      %parallel_loop3A_455 = arith.constant 320 : index
      %parallel_loop3A_456 = tpu.vector_load %arg10[%parallel_loop3A_454, %parallel_loop3A_455] {strides = array<i32>} : memref<32x512xf32, #tpu.memory_space<vmem>>, vector<1x16xf32>,
      %parallel_loop3A_457 = vector.shape_cast %parallel_loop3A_456 : vector<1x16xf32> to vector<16xf32>
      %parallel_loop3A_458 = arith.subf %parallel_loop3A_453, %parallel_loop3A_457 : vector<16xf32>
      %parallel_loop3A_459 = arith.mulf %parallel_loop3A_458, %parallel_loop3A_458 : vector<16xf32>
      %parallel_loop3A_460 = arith.addf %parallel_loop3A_416, %parallel_loop3A_459 : vector<16xf32>
      %parallel_loop3A_461 = arith.index_cast %parallel_loop3A_225 : i32 to index
      %parallel_loop3A_462 = arith.constant 336 : index
      %parallel_loop3A_463 = tpu.vector_load %arg7[%parallel_loop3A_461, %parallel_loop3A_462] {strides = array<i32>} : memref<32x512xf32, #tpu.memory_space<vmem>>, vector<1x16xf32>,
      %parallel_loop3A_464 = vector.shape_cast %parallel_loop3A_463 : vector<1x16xf32> to vector<16xf32>
      %parallel_loop3A_465 = arith.index_cast %parallel_loop3A_225 : i32 to index
      %parallel_loop3A_466 = arith.constant 336 : index
      %parallel_loop3A_467 = tpu.vector_load %arg10[%parallel_loop3A_465, %parallel_loop3A_466] {strides = array<i32>} : memref<32x512xf32, #tpu.memory_space<vmem>>, vector<1x16xf32>,
      %parallel_loop3A_468 = vector.shape_cast %parallel_loop3A_467 : vector<1x16xf32> to vector<16xf32>
      %parallel_loop3A_469 = arith.subf %parallel_loop3A_464, %parallel_loop3A_468 : vector<16xf32>
      %parallel_loop3A_470 = arith.mulf %parallel_loop3A_469, %parallel_loop3A_469 : vector<16xf32>
      %parallel_loop3A_471 = arith.addf %parallel_loop3A_427, %parallel_loop3A_470 : vector<16xf32>
      %parallel_loop3A_472 = arith.index_cast %parallel_loop3A_225 : i32 to index
      %parallel_loop3A_473 = arith.constant 352 : index
      %parallel_loop3A_474 = tpu.vector_load %arg7[%parallel_loop3A_472, %parallel_loop3A_473] {strides = array<i32>} : memref<32x512xf32, #tpu.memory_space<vmem>>, vector<1x16xf32>,
      %parallel_loop3A_475 = vector.shape_cast %parallel_loop3A_474 : vector<1x16xf32> to vector<16xf32>
      %parallel_loop3A_476 = arith.index_cast %parallel_loop3A_225 : i32 to index
      %parallel_loop3A_477 = arith.constant 352 : index
      %parallel_loop3A_478 = tpu.vector_load %arg10[%parallel_loop3A_476, %parallel_loop3A_477] {strides = array<i32>} : memref<32x512xf32, #tpu.memory_space<vmem>>, vector<1x16xf32>,
      %parallel_loop3A_479 = vector.shape_cast %parallel_loop3A_478 : vector<1x16xf32> to vector<16xf32>
      %parallel_loop3A_480 = arith.subf %parallel_loop3A_475, %parallel_loop3A_479 : vector<16xf32>
      %parallel_loop3A_481 = arith.mulf %parallel_loop3A_480, %parallel_loop3A_480 : vector<16xf32>
      %parallel_loop3A_482 = arith.addf %parallel_loop3A_438, %parallel_loop3A_481 : vector<16xf32>
      %parallel_loop3A_483 = arith.index_cast %parallel_loop3A_225 : i32 to index
      %parallel_loop3A_484 = arith.constant 368 : index
      %parallel_loop3A_485 = tpu.vector_load %arg7[%parallel_loop3A_483, %parallel_loop3A_484] {strides = array<i32>} : memref<32x512xf32, #tpu.memory_space<vmem>>, vector<1x16xf32>,
      %parallel_loop3A_486 = vector.shape_cast %parallel_loop3A_485 : vector<1x16xf32> to vector<16xf32>
      %parallel_loop3A_487 = arith.index_cast %parallel_loop3A_225 : i32 to index
      %parallel_loop3A_488 = arith.constant 368 : index
      %parallel_loop3A_489 = tpu.vector_load %arg10[%parallel_loop3A_487, %parallel_loop3A_488] {strides = array<i32>} : memref<32x512xf32, #tpu.memory_space<vmem>>, vector<1x16xf32>,
      %parallel_loop3A_490 = vector.shape_cast %parallel_loop3A_489 : vector<1x16xf32> to vector<16xf32>
      %parallel_loop3A_491 = arith.subf %parallel_loop3A_486, %parallel_loop3A_490 : vector<16xf32>
      %parallel_loop3A_492 = arith.mulf %parallel_loop3A_491, %parallel_loop3A_491 : vector<16xf32>
      %parallel_loop3A_493 = arith.addf %parallel_loop3A_449, %parallel_loop3A_492 : vector<16xf32>
      %parallel_loop3A_494 = arith.index_cast %parallel_loop3A_225 : i32 to index
      %parallel_loop3A_495 = arith.constant 384 : index
      %parallel_loop3A_496 = tpu.vector_load %arg7[%parallel_loop3A_494, %parallel_loop3A_495] {strides = array<i32>} : memref<32x512xf32, #tpu.memory_space<vmem>>, vector<1x16xf32>,
      %parallel_loop3A_497 = vector.shape_cast %parallel_loop3A_496 : vector<1x16xf32> to vector<16xf32>
      %parallel_loop3A_498 = arith.index_cast %parallel_loop3A_225 : i32 to index
      %parallel_loop3A_499 = arith.constant 384 : index
      %parallel_loop3A_500 = tpu.vector_load %arg10[%parallel_loop3A_498, %parallel_loop3A_499] {strides = array<i32>} : memref<32x512xf32, #tpu.memory_space<vmem>>, vector<1x16xf32>,
      %parallel_loop3A_501 = vector.shape_cast %parallel_loop3A_500 : vector<1x16xf32> to vector<16xf32>
      %parallel_loop3A_502 = arith.subf %parallel_loop3A_497, %parallel_loop3A_501 : vector<16xf32>
      %parallel_loop3A_503 = arith.mulf %parallel_loop3A_502, %parallel_loop3A_502 : vector<16xf32>
      %parallel_loop3A_504 = arith.addf %parallel_loop3A_460, %parallel_loop3A_503 : vector<16xf32>
      %parallel_loop3A_505 = arith.index_cast %parallel_loop3A_225 : i32 to index
      %parallel_loop3A_506 = arith.constant 400 : index
      %parallel_loop3A_507 = tpu.vector_load %arg7[%parallel_loop3A_505, %parallel_loop3A_506] {strides = array<i32>} : memref<32x512xf32, #tpu.memory_space<vmem>>, vector<1x16xf32>,
      %parallel_loop3A_508 = vector.shape_cast %parallel_loop3A_507 : vector<1x16xf32> to vector<16xf32>
      %parallel_loop3A_509 = arith.index_cast %parallel_loop3A_225 : i32 to index
      %parallel_loop3A_510 = arith.constant 400 : index
      %parallel_loop3A_511 = tpu.vector_load %arg10[%parallel_loop3A_509, %parallel_loop3A_510] {strides = array<i32>} : memref<32x512xf32, #tpu.memory_space<vmem>>, vector<1x16xf32>,
      %parallel_loop3A_512 = vector.shape_cast %parallel_loop3A_511 : vector<1x16xf32> to vector<16xf32>
      %parallel_loop3A_513 = arith.subf %parallel_loop3A_508, %parallel_loop3A_512 : vector<16xf32>
      %parallel_loop3A_514 = arith.mulf %parallel_loop3A_513, %parallel_loop3A_513 : vector<16xf32>
      %parallel_loop3A_515 = arith.addf %parallel_loop3A_471, %parallel_loop3A_514 : vector<16xf32>
      %parallel_loop3A_516 = arith.index_cast %parallel_loop3A_225 : i32 to index
      %parallel_loop3A_517 = arith.constant 416 : index
      %parallel_loop3A_518 = tpu.vector_load %arg7[%parallel_loop3A_516, %parallel_loop3A_517] {strides = array<i32>} : memref<32x512xf32, #tpu.memory_space<vmem>>, vector<1x16xf32>,
      %parallel_loop3A_519 = vector.shape_cast %parallel_loop3A_518 : vector<1x16xf32> to vector<16xf32>
      %parallel_loop3A_520 = arith.index_cast %parallel_loop3A_225 : i32 to index
      %parallel_loop3A_521 = arith.constant 416 : index
      %parallel_loop3A_522 = tpu.vector_load %arg10[%parallel_loop3A_520, %parallel_loop3A_521] {strides = array<i32>} : memref<32x512xf32, #tpu.memory_space<vmem>>, vector<1x16xf32>,
      %parallel_loop3A_523 = vector.shape_cast %parallel_loop3A_522 : vector<1x16xf32> to vector<16xf32>
      %parallel_loop3A_524 = arith.subf %parallel_loop3A_519, %parallel_loop3A_523 : vector<16xf32>
      %parallel_loop3A_525 = arith.mulf %parallel_loop3A_524, %parallel_loop3A_524 : vector<16xf32>
      %parallel_loop3A_526 = arith.addf %parallel_loop3A_482, %parallel_loop3A_525 : vector<16xf32>
      %parallel_loop3A_527 = arith.index_cast %parallel_loop3A_225 : i32 to index
      %parallel_loop3A_528 = arith.constant 432 : index
      %parallel_loop3A_529 = tpu.vector_load %arg7[%parallel_loop3A_527, %parallel_loop3A_528] {strides = array<i32>} : memref<32x512xf32, #tpu.memory_space<vmem>>, vector<1x16xf32>,
      %parallel_loop3A_530 = vector.shape_cast %parallel_loop3A_529 : vector<1x16xf32> to vector<16xf32>
      %parallel_loop3A_531 = arith.index_cast %parallel_loop3A_225 : i32 to index
      %parallel_loop3A_532 = arith.constant 432 : index
      %parallel_loop3A_533 = tpu.vector_load %arg10[%parallel_loop3A_531, %parallel_loop3A_532] {strides = array<i32>} : memref<32x512xf32, #tpu.memory_space<vmem>>, vector<1x16xf32>,
      %parallel_loop3A_534 = vector.shape_cast %parallel_loop3A_533 : vector<1x16xf32> to vector<16xf32>
      %parallel_loop3A_535 = arith.subf %parallel_loop3A_530, %parallel_loop3A_534 : vector<16xf32>
      %parallel_loop3A_536 = arith.mulf %parallel_loop3A_535, %parallel_loop3A_535 : vector<16xf32>
      %parallel_loop3A_537 = arith.addf %parallel_loop3A_493, %parallel_loop3A_536 : vector<16xf32>
      %parallel_loop3A_538 = arith.index_cast %parallel_loop3A_225 : i32 to index
      %parallel_loop3A_539 = arith.constant 448 : index
      %parallel_loop3A_540 = tpu.vector_load %arg7[%parallel_loop3A_538, %parallel_loop3A_539] {strides = array<i32>} : memref<32x512xf32, #tpu.memory_space<vmem>>, vector<1x16xf32>,
      %parallel_loop3A_541 = vector.shape_cast %parallel_loop3A_540 : vector<1x16xf32> to vector<16xf32>
      %parallel_loop3A_542 = arith.index_cast %parallel_loop3A_225 : i32 to index
      %parallel_loop3A_543 = arith.constant 448 : index
      %parallel_loop3A_544 = tpu.vector_load %arg10[%parallel_loop3A_542, %parallel_loop3A_543] {strides = array<i32>} : memref<32x512xf32, #tpu.memory_space<vmem>>, vector<1x16xf32>,
      %parallel_loop3A_545 = vector.shape_cast %parallel_loop3A_544 : vector<1x16xf32> to vector<16xf32>
      %parallel_loop3A_546 = arith.subf %parallel_loop3A_541, %parallel_loop3A_545 : vector<16xf32>
      %parallel_loop3A_547 = arith.mulf %parallel_loop3A_546, %parallel_loop3A_546 : vector<16xf32>
      %parallel_loop3A_548 = arith.addf %parallel_loop3A_504, %parallel_loop3A_547 : vector<16xf32>
      %parallel_loop3A_549 = arith.index_cast %parallel_loop3A_225 : i32 to index
      %parallel_loop3A_550 = arith.constant 464 : index
      %parallel_loop3A_551 = tpu.vector_load %arg7[%parallel_loop3A_549, %parallel_loop3A_550] {strides = array<i32>} : memref<32x512xf32, #tpu.memory_space<vmem>>, vector<1x16xf32>,
      %parallel_loop3A_552 = vector.shape_cast %parallel_loop3A_551 : vector<1x16xf32> to vector<16xf32>
      %parallel_loop3A_553 = arith.index_cast %parallel_loop3A_225 : i32 to index
      %parallel_loop3A_554 = arith.constant 464 : index
      %parallel_loop3A_555 = tpu.vector_load %arg10[%parallel_loop3A_553, %parallel_loop3A_554] {strides = array<i32>} : memref<32x512xf32, #tpu.memory_space<vmem>>, vector<1x16xf32>,
      %parallel_loop3A_556 = vector.shape_cast %parallel_loop3A_555 : vector<1x16xf32> to vector<16xf32>
      %parallel_loop3A_557 = arith.subf %parallel_loop3A_552, %parallel_loop3A_556 : vector<16xf32>
      %parallel_loop3A_558 = arith.mulf %parallel_loop3A_557, %parallel_loop3A_557 : vector<16xf32>
      %parallel_loop3A_559 = arith.addf %parallel_loop3A_515, %parallel_loop3A_558 : vector<16xf32>
      %parallel_loop3A_560 = arith.index_cast %parallel_loop3A_225 : i32 to index
      %parallel_loop3A_561 = arith.constant 480 : index
      %parallel_loop3A_562 = tpu.vector_load %arg7[%parallel_loop3A_560, %parallel_loop3A_561] {strides = array<i32>} : memref<32x512xf32, #tpu.memory_space<vmem>>, vector<1x16xf32>,
      %parallel_loop3A_563 = vector.shape_cast %parallel_loop3A_562 : vector<1x16xf32> to vector<16xf32>
      %parallel_loop3A_564 = arith.index_cast %parallel_loop3A_225 : i32 to index
      %parallel_loop3A_565 = arith.constant 480 : index
      %parallel_loop3A_566 = tpu.vector_load %arg10[%parallel_loop3A_564, %parallel_loop3A_565] {strides = array<i32>} : memref<32x512xf32, #tpu.memory_space<vmem>>, vector<1x16xf32>,
      %parallel_loop3A_567 = vector.shape_cast %parallel_loop3A_566 : vector<1x16xf32> to vector<16xf32>
      %parallel_loop3A_568 = arith.subf %parallel_loop3A_563, %parallel_loop3A_567 : vector<16xf32>
      %parallel_loop3A_569 = arith.mulf %parallel_loop3A_568, %parallel_loop3A_568 : vector<16xf32>
      %parallel_loop3A_570 = arith.addf %parallel_loop3A_526, %parallel_loop3A_569 : vector<16xf32>
      %parallel_loop3A_571 = arith.index_cast %parallel_loop3A_225 : i32 to index
      %parallel_loop3A_572 = arith.constant 496 : index
      %parallel_loop3A_573 = tpu.vector_load %arg7[%parallel_loop3A_571, %parallel_loop3A_572] {strides = array<i32>} : memref<32x512xf32, #tpu.memory_space<vmem>>, vector<1x16xf32>,
      %parallel_loop3A_574 = vector.shape_cast %parallel_loop3A_573 : vector<1x16xf32> to vector<16xf32>
      %parallel_loop3A_575 = arith.index_cast %parallel_loop3A_225 : i32 to index
      %parallel_loop3A_576 = arith.constant 496 : index
      %parallel_loop3A_577 = tpu.vector_load %arg10[%parallel_loop3A_575, %parallel_loop3A_576] {strides = array<i32>} : memref<32x512xf32, #tpu.memory_space<vmem>>, vector<1x16xf32>,
      %parallel_loop3A_578 = vector.shape_cast %parallel_loop3A_577 : vector<1x16xf32> to vector<16xf32>
      %parallel_loop3A_579 = arith.subf %parallel_loop3A_574, %parallel_loop3A_578 : vector<16xf32>
      %parallel_loop3A_580 = arith.mulf %parallel_loop3A_579, %parallel_loop3A_579 : vector<16xf32>
      %parallel_loop3A_581 = arith.addf %parallel_loop3A_537, %parallel_loop3A_580 : vector<16xf32>
      scf.yield %parallel_loop3A_548, %parallel_loop3A_559, %parallel_loop3A_570, %parallel_loop3A_581 : vector<16xf32>, vector<16xf32>, vector<16xf32>, vector<16xf32>
    } {sc.loop_unroll_factor = 2 : i64, sc.parallel_access}
    %dma_wait3A_197 = arith.constant 0 : i32
    %dma_wait3A_198 = arith.constant 0 : i32
    %dma_wait3A_199 = tpu.memref_slice %arg8[%dma_wait3A_197, %dma_wait3A_198] : memref<32x512xf32, #tpu.memory_space<vmem>> -> memref<32x512xf32, #tpu.memory_space<vmem>>
    %dma_wait3A_200 = arith.constant 0 : i32
    %dma_wait3A_201 = tpu.memref_slice %arg2[%add3A_134, %dma_wait3A_200] : memref<4096x512xf32, #tpu.memory_space<hbm>> -> memref<32x512xf32, #tpu.memory_space<hbm>>
    %dma_wait3A_202 = arith.constant 0 : i32
    %dma_wait3A_203 = arith.constant 0 : i32
    %dma_wait3A_204 = tpu.memref_slice %arg8[%dma_wait3A_202, %dma_wait3A_203] : memref<32x512xf32, #tpu.memory_space<vmem>> -> memref<32x512xf32, #tpu.memory_space<vmem>>
    %dma_wait3A_205 = arith.constant 0 : i32
    %dma_wait3A_206 = tpu.memref_slice %arg2[%add3A_134, %dma_wait3A_205] : memref<4096x512xf32, #tpu.memory_space<hbm>> -> memref<32x512xf32, #tpu.memory_space<hbm>>
    tpu.wait_dma2 semaphore(%arg15 : memref<!tpu.dma_semaphore, #tpu.memory_space<semaphore_mem>>) src(%dma_wait3A_206 : memref<32x512xf32, #tpu.memory_space<hbm>>) dst(%dma_wait3A_204 : memref<32x512xf32, #tpu.memory_space<vmem>>)
    %dma_wait3A_207 = arith.constant 0 : i32
    %dma_wait3A_208 = arith.constant 0 : i32
    %dma_wait3A_209 = tpu.memref_slice %arg11[%dma_wait3A_207, %dma_wait3A_208] : memref<32x512xf32, #tpu.memory_space<vmem>> -> memref<32x512xf32, #tpu.memory_space<vmem>>
    %dma_wait3A_210 = arith.constant 96 : i32
    %dma_wait3A_211 = tpu.memref_slice %arg6[%dma_wait3A_210] : memref<128xi32, #tpu.memory_space<vmem>> -> memref<32xi32, #tpu.memory_space<vmem>>
    %dma_wait3A_212 = arith.constant 0 : i32
    %dma_wait3A_213 = arith.constant 0 : i32
    %dma_wait3A_214 = tpu.memref_slice %arg4[%dma_wait3A_212, %dma_wait3A_213] : memref<10000x512xf32, #tpu.memory_space<hbm>> -> memref<10000x512xf32, #tpu.memory_space<hbm>>
    tpu.wait_indirect_dma semaphore(%arg18 : memref<!tpu.dma_semaphore, #tpu.memory_space<semaphore_mem>>) src(%dma_wait3A_214 : memref<10000x512xf32, #tpu.memory_space<hbm>>) dst(%dma_wait3A_209 : memref<32x512xf32, #tpu.memory_space<vmem>>)
    %parallel_loop3A_215 = arith.constant 0 : i32
    %parallel_loop3A_216 = arith.constant 32 : i32
    %parallel_loop3A_217 = arith.constant 1 : i32
    %parallel_loop3A_218:4 = scf.for %parallel_loop3A_225 = %parallel_loop3A_215 to %parallel_loop3A_216 step %parallel_loop3A_217 iter_args(%parallel_loop3A_226 = %parallel_loop3A_196#0, %parallel_loop3A_227 = %parallel_loop3A_196#1, %parallel_loop3A_228 = %parallel_loop3A_196#2, %parallel_loop3A_229 = %parallel_loop3A_196#3) -> (vector<16xf32>, vector<16xf32>, vector<16xf32>, vector<16xf32>)  : i32 {
      %parallel_loop3A_230 = arith.index_cast %parallel_loop3A_225 : i32 to index
      %parallel_loop3A_231 = arith.constant 0 : index
      %parallel_loop3A_232 = tpu.vector_load %arg8[%parallel_loop3A_230, %parallel_loop3A_231] {strides = array<i32>} : memref<32x512xf32, #tpu.memory_space<vmem>>, vector<1x16xf32>,
      %parallel_loop3A_233 = vector.shape_cast %parallel_loop3A_232 : vector<1x16xf32> to vector<16xf32>
      %parallel_loop3A_234 = arith.index_cast %parallel_loop3A_225 : i32 to index
      %parallel_loop3A_235 = arith.constant 0 : index
      %parallel_loop3A_236 = tpu.vector_load %arg11[%parallel_loop3A_234, %parallel_loop3A_235] {strides = array<i32>} : memref<32x512xf32, #tpu.memory_space<vmem>>, vector<1x16xf32>,
      %parallel_loop3A_237 = vector.shape_cast %parallel_loop3A_236 : vector<1x16xf32> to vector<16xf32>
      %parallel_loop3A_238 = arith.subf %parallel_loop3A_233, %parallel_loop3A_237 : vector<16xf32>
      %parallel_loop3A_239 = arith.mulf %parallel_loop3A_238, %parallel_loop3A_238 : vector<16xf32>
      %parallel_loop3A_240 = arith.addf %parallel_loop3A_226, %parallel_loop3A_239 : vector<16xf32>
      %parallel_loop3A_241 = arith.index_cast %parallel_loop3A_225 : i32 to index
      %parallel_loop3A_242 = arith.constant 16 : index
      %parallel_loop3A_243 = tpu.vector_load %arg8[%parallel_loop3A_241, %parallel_loop3A_242] {strides = array<i32>} : memref<32x512xf32, #tpu.memory_space<vmem>>, vector<1x16xf32>,
      %parallel_loop3A_244 = vector.shape_cast %parallel_loop3A_243 : vector<1x16xf32> to vector<16xf32>
      %parallel_loop3A_245 = arith.index_cast %parallel_loop3A_225 : i32 to index
      %parallel_loop3A_246 = arith.constant 16 : index
      %parallel_loop3A_247 = tpu.vector_load %arg11[%parallel_loop3A_245, %parallel_loop3A_246] {strides = array<i32>} : memref<32x512xf32, #tpu.memory_space<vmem>>, vector<1x16xf32>,
      %parallel_loop3A_248 = vector.shape_cast %parallel_loop3A_247 : vector<1x16xf32> to vector<16xf32>
      %parallel_loop3A_249 = arith.subf %parallel_loop3A_244, %parallel_loop3A_248 : vector<16xf32>
      %parallel_loop3A_250 = arith.mulf %parallel_loop3A_249, %parallel_loop3A_249 : vector<16xf32>
      %parallel_loop3A_251 = arith.addf %parallel_loop3A_227, %parallel_loop3A_250 : vector<16xf32>
      %parallel_loop3A_252 = arith.index_cast %parallel_loop3A_225 : i32 to index
      %parallel_loop3A_253 = arith.constant 32 : index
      %parallel_loop3A_254 = tpu.vector_load %arg8[%parallel_loop3A_252, %parallel_loop3A_253] {strides = array<i32>} : memref<32x512xf32, #tpu.memory_space<vmem>>, vector<1x16xf32>,
      %parallel_loop3A_255 = vector.shape_cast %parallel_loop3A_254 : vector<1x16xf32> to vector<16xf32>
      %parallel_loop3A_256 = arith.index_cast %parallel_loop3A_225 : i32 to index
      %parallel_loop3A_257 = arith.constant 32 : index
      %parallel_loop3A_258 = tpu.vector_load %arg11[%parallel_loop3A_256, %parallel_loop3A_257] {strides = array<i32>} : memref<32x512xf32, #tpu.memory_space<vmem>>, vector<1x16xf32>,
      %parallel_loop3A_259 = vector.shape_cast %parallel_loop3A_258 : vector<1x16xf32> to vector<16xf32>
      %parallel_loop3A_260 = arith.subf %parallel_loop3A_255, %parallel_loop3A_259 : vector<16xf32>
      %parallel_loop3A_261 = arith.mulf %parallel_loop3A_260, %parallel_loop3A_260 : vector<16xf32>
      %parallel_loop3A_262 = arith.addf %parallel_loop3A_228, %parallel_loop3A_261 : vector<16xf32>
      %parallel_loop3A_263 = arith.index_cast %parallel_loop3A_225 : i32 to index
      %parallel_loop3A_264 = arith.constant 48 : index
      %parallel_loop3A_265 = tpu.vector_load %arg8[%parallel_loop3A_263, %parallel_loop3A_264] {strides = array<i32>} : memref<32x512xf32, #tpu.memory_space<vmem>>, vector<1x16xf32>,
      %parallel_loop3A_266 = vector.shape_cast %parallel_loop3A_265 : vector<1x16xf32> to vector<16xf32>
      %parallel_loop3A_267 = arith.index_cast %parallel_loop3A_225 : i32 to index
      %parallel_loop3A_268 = arith.constant 48 : index
      %parallel_loop3A_269 = tpu.vector_load %arg11[%parallel_loop3A_267, %parallel_loop3A_268] {strides = array<i32>} : memref<32x512xf32, #tpu.memory_space<vmem>>, vector<1x16xf32>,
      %parallel_loop3A_270 = vector.shape_cast %parallel_loop3A_269 : vector<1x16xf32> to vector<16xf32>
      %parallel_loop3A_271 = arith.subf %parallel_loop3A_266, %parallel_loop3A_270 : vector<16xf32>
      %parallel_loop3A_272 = arith.mulf %parallel_loop3A_271, %parallel_loop3A_271 : vector<16xf32>
      %parallel_loop3A_273 = arith.addf %parallel_loop3A_229, %parallel_loop3A_272 : vector<16xf32>
      %parallel_loop3A_274 = arith.index_cast %parallel_loop3A_225 : i32 to index
      %parallel_loop3A_275 = arith.constant 64 : index
      %parallel_loop3A_276 = tpu.vector_load %arg8[%parallel_loop3A_274, %parallel_loop3A_275] {strides = array<i32>} : memref<32x512xf32, #tpu.memory_space<vmem>>, vector<1x16xf32>,
      %parallel_loop3A_277 = vector.shape_cast %parallel_loop3A_276 : vector<1x16xf32> to vector<16xf32>
      %parallel_loop3A_278 = arith.index_cast %parallel_loop3A_225 : i32 to index
      %parallel_loop3A_279 = arith.constant 64 : index
      %parallel_loop3A_280 = tpu.vector_load %arg11[%parallel_loop3A_278, %parallel_loop3A_279] {strides = array<i32>} : memref<32x512xf32, #tpu.memory_space<vmem>>, vector<1x16xf32>,
      %parallel_loop3A_281 = vector.shape_cast %parallel_loop3A_280 : vector<1x16xf32> to vector<16xf32>
      %parallel_loop3A_282 = arith.subf %parallel_loop3A_277, %parallel_loop3A_281 : vector<16xf32>
      %parallel_loop3A_283 = arith.mulf %parallel_loop3A_282, %parallel_loop3A_282 : vector<16xf32>
      %parallel_loop3A_284 = arith.addf %parallel_loop3A_240, %parallel_loop3A_283 : vector<16xf32>
      %parallel_loop3A_285 = arith.index_cast %parallel_loop3A_225 : i32 to index
      %parallel_loop3A_286 = arith.constant 80 : index
      %parallel_loop3A_287 = tpu.vector_load %arg8[%parallel_loop3A_285, %parallel_loop3A_286] {strides = array<i32>} : memref<32x512xf32, #tpu.memory_space<vmem>>, vector<1x16xf32>,
      %parallel_loop3A_288 = vector.shape_cast %parallel_loop3A_287 : vector<1x16xf32> to vector<16xf32>
      %parallel_loop3A_289 = arith.index_cast %parallel_loop3A_225 : i32 to index
      %parallel_loop3A_290 = arith.constant 80 : index
      %parallel_loop3A_291 = tpu.vector_load %arg11[%parallel_loop3A_289, %parallel_loop3A_290] {strides = array<i32>} : memref<32x512xf32, #tpu.memory_space<vmem>>, vector<1x16xf32>,
      %parallel_loop3A_292 = vector.shape_cast %parallel_loop3A_291 : vector<1x16xf32> to vector<16xf32>
      %parallel_loop3A_293 = arith.subf %parallel_loop3A_288, %parallel_loop3A_292 : vector<16xf32>
      %parallel_loop3A_294 = arith.mulf %parallel_loop3A_293, %parallel_loop3A_293 : vector<16xf32>
      %parallel_loop3A_295 = arith.addf %parallel_loop3A_251, %parallel_loop3A_294 : vector<16xf32>
      %parallel_loop3A_296 = arith.index_cast %parallel_loop3A_225 : i32 to index
      %parallel_loop3A_297 = arith.constant 96 : index
      %parallel_loop3A_298 = tpu.vector_load %arg8[%parallel_loop3A_296, %parallel_loop3A_297] {strides = array<i32>} : memref<32x512xf32, #tpu.memory_space<vmem>>, vector<1x16xf32>,
      %parallel_loop3A_299 = vector.shape_cast %parallel_loop3A_298 : vector<1x16xf32> to vector<16xf32>
      %parallel_loop3A_300 = arith.index_cast %parallel_loop3A_225 : i32 to index
      %parallel_loop3A_301 = arith.constant 96 : index
      %parallel_loop3A_302 = tpu.vector_load %arg11[%parallel_loop3A_300, %parallel_loop3A_301] {strides = array<i32>} : memref<32x512xf32, #tpu.memory_space<vmem>>, vector<1x16xf32>,
      %parallel_loop3A_303 = vector.shape_cast %parallel_loop3A_302 : vector<1x16xf32> to vector<16xf32>
      %parallel_loop3A_304 = arith.subf %parallel_loop3A_299, %parallel_loop3A_303 : vector<16xf32>
      %parallel_loop3A_305 = arith.mulf %parallel_loop3A_304, %parallel_loop3A_304 : vector<16xf32>
      %parallel_loop3A_306 = arith.addf %parallel_loop3A_262, %parallel_loop3A_305 : vector<16xf32>
      %parallel_loop3A_307 = arith.index_cast %parallel_loop3A_225 : i32 to index
      %parallel_loop3A_308 = arith.constant 112 : index
      %parallel_loop3A_309 = tpu.vector_load %arg8[%parallel_loop3A_307, %parallel_loop3A_308] {strides = array<i32>} : memref<32x512xf32, #tpu.memory_space<vmem>>, vector<1x16xf32>,
      %parallel_loop3A_310 = vector.shape_cast %parallel_loop3A_309 : vector<1x16xf32> to vector<16xf32>
      %parallel_loop3A_311 = arith.index_cast %parallel_loop3A_225 : i32 to index
      %parallel_loop3A_312 = arith.constant 112 : index
      %parallel_loop3A_313 = tpu.vector_load %arg11[%parallel_loop3A_311, %parallel_loop3A_312] {strides = array<i32>} : memref<32x512xf32, #tpu.memory_space<vmem>>, vector<1x16xf32>,
      %parallel_loop3A_314 = vector.shape_cast %parallel_loop3A_313 : vector<1x16xf32> to vector<16xf32>
      %parallel_loop3A_315 = arith.subf %parallel_loop3A_310, %parallel_loop3A_314 : vector<16xf32>
      %parallel_loop3A_316 = arith.mulf %parallel_loop3A_315, %parallel_loop3A_315 : vector<16xf32>
      %parallel_loop3A_317 = arith.addf %parallel_loop3A_273, %parallel_loop3A_316 : vector<16xf32>
      %parallel_loop3A_318 = arith.index_cast %parallel_loop3A_225 : i32 to index
      %parallel_loop3A_319 = arith.constant 128 : index
      %parallel_loop3A_320 = tpu.vector_load %arg8[%parallel_loop3A_318, %parallel_loop3A_319] {strides = array<i32>} : memref<32x512xf32, #tpu.memory_space<vmem>>, vector<1x16xf32>,
      %parallel_loop3A_321 = vector.shape_cast %parallel_loop3A_320 : vector<1x16xf32> to vector<16xf32>
      %parallel_loop3A_322 = arith.index_cast %parallel_loop3A_225 : i32 to index
      %parallel_loop3A_323 = arith.constant 128 : index
      %parallel_loop3A_324 = tpu.vector_load %arg11[%parallel_loop3A_322, %parallel_loop3A_323] {strides = array<i32>} : memref<32x512xf32, #tpu.memory_space<vmem>>, vector<1x16xf32>,
      %parallel_loop3A_325 = vector.shape_cast %parallel_loop3A_324 : vector<1x16xf32> to vector<16xf32>
      %parallel_loop3A_326 = arith.subf %parallel_loop3A_321, %parallel_loop3A_325 : vector<16xf32>
      %parallel_loop3A_327 = arith.mulf %parallel_loop3A_326, %parallel_loop3A_326 : vector<16xf32>
      %parallel_loop3A_328 = arith.addf %parallel_loop3A_284, %parallel_loop3A_327 : vector<16xf32>
      %parallel_loop3A_329 = arith.index_cast %parallel_loop3A_225 : i32 to index
      %parallel_loop3A_330 = arith.constant 144 : index
      %parallel_loop3A_331 = tpu.vector_load %arg8[%parallel_loop3A_329, %parallel_loop3A_330] {strides = array<i32>} : memref<32x512xf32, #tpu.memory_space<vmem>>, vector<1x16xf32>,
      %parallel_loop3A_332 = vector.shape_cast %parallel_loop3A_331 : vector<1x16xf32> to vector<16xf32>
      %parallel_loop3A_333 = arith.index_cast %parallel_loop3A_225 : i32 to index
      %parallel_loop3A_334 = arith.constant 144 : index
      %parallel_loop3A_335 = tpu.vector_load %arg11[%parallel_loop3A_333, %parallel_loop3A_334] {strides = array<i32>} : memref<32x512xf32, #tpu.memory_space<vmem>>, vector<1x16xf32>,
      %parallel_loop3A_336 = vector.shape_cast %parallel_loop3A_335 : vector<1x16xf32> to vector<16xf32>
      %parallel_loop3A_337 = arith.subf %parallel_loop3A_332, %parallel_loop3A_336 : vector<16xf32>
      %parallel_loop3A_338 = arith.mulf %parallel_loop3A_337, %parallel_loop3A_337 : vector<16xf32>
      %parallel_loop3A_339 = arith.addf %parallel_loop3A_295, %parallel_loop3A_338 : vector<16xf32>
      %parallel_loop3A_340 = arith.index_cast %parallel_loop3A_225 : i32 to index
      %parallel_loop3A_341 = arith.constant 160 : index
      %parallel_loop3A_342 = tpu.vector_load %arg8[%parallel_loop3A_340, %parallel_loop3A_341] {strides = array<i32>} : memref<32x512xf32, #tpu.memory_space<vmem>>, vector<1x16xf32>,
      %parallel_loop3A_343 = vector.shape_cast %parallel_loop3A_342 : vector<1x16xf32> to vector<16xf32>
      %parallel_loop3A_344 = arith.index_cast %parallel_loop3A_225 : i32 to index
      %parallel_loop3A_345 = arith.constant 160 : index
      %parallel_loop3A_346 = tpu.vector_load %arg11[%parallel_loop3A_344, %parallel_loop3A_345] {strides = array<i32>} : memref<32x512xf32, #tpu.memory_space<vmem>>, vector<1x16xf32>,
      %parallel_loop3A_347 = vector.shape_cast %parallel_loop3A_346 : vector<1x16xf32> to vector<16xf32>
      %parallel_loop3A_348 = arith.subf %parallel_loop3A_343, %parallel_loop3A_347 : vector<16xf32>
      %parallel_loop3A_349 = arith.mulf %parallel_loop3A_348, %parallel_loop3A_348 : vector<16xf32>
      %parallel_loop3A_350 = arith.addf %parallel_loop3A_306, %parallel_loop3A_349 : vector<16xf32>
      %parallel_loop3A_351 = arith.index_cast %parallel_loop3A_225 : i32 to index
      %parallel_loop3A_352 = arith.constant 176 : index
      %parallel_loop3A_353 = tpu.vector_load %arg8[%parallel_loop3A_351, %parallel_loop3A_352] {strides = array<i32>} : memref<32x512xf32, #tpu.memory_space<vmem>>, vector<1x16xf32>,
      %parallel_loop3A_354 = vector.shape_cast %parallel_loop3A_353 : vector<1x16xf32> to vector<16xf32>
      %parallel_loop3A_355 = arith.index_cast %parallel_loop3A_225 : i32 to index
      %parallel_loop3A_356 = arith.constant 176 : index
      %parallel_loop3A_357 = tpu.vector_load %arg11[%parallel_loop3A_355, %parallel_loop3A_356] {strides = array<i32>} : memref<32x512xf32, #tpu.memory_space<vmem>>, vector<1x16xf32>,
      %parallel_loop3A_358 = vector.shape_cast %parallel_loop3A_357 : vector<1x16xf32> to vector<16xf32>
      %parallel_loop3A_359 = arith.subf %parallel_loop3A_354, %parallel_loop3A_358 : vector<16xf32>
      %parallel_loop3A_360 = arith.mulf %parallel_loop3A_359, %parallel_loop3A_359 : vector<16xf32>
      %parallel_loop3A_361 = arith.addf %parallel_loop3A_317, %parallel_loop3A_360 : vector<16xf32>
      %parallel_loop3A_362 = arith.index_cast %parallel_loop3A_225 : i32 to index
      %parallel_loop3A_363 = arith.constant 192 : index
      %parallel_loop3A_364 = tpu.vector_load %arg8[%parallel_loop3A_362, %parallel_loop3A_363] {strides = array<i32>} : memref<32x512xf32, #tpu.memory_space<vmem>>, vector<1x16xf32>,
      %parallel_loop3A_365 = vector.shape_cast %parallel_loop3A_364 : vector<1x16xf32> to vector<16xf32>
      %parallel_loop3A_366 = arith.index_cast %parallel_loop3A_225 : i32 to index
      %parallel_loop3A_367 = arith.constant 192 : index
      %parallel_loop3A_368 = tpu.vector_load %arg11[%parallel_loop3A_366, %parallel_loop3A_367] {strides = array<i32>} : memref<32x512xf32, #tpu.memory_space<vmem>>, vector<1x16xf32>,
      %parallel_loop3A_369 = vector.shape_cast %parallel_loop3A_368 : vector<1x16xf32> to vector<16xf32>
      %parallel_loop3A_370 = arith.subf %parallel_loop3A_365, %parallel_loop3A_369 : vector<16xf32>
      %parallel_loop3A_371 = arith.mulf %parallel_loop3A_370, %parallel_loop3A_370 : vector<16xf32>
      %parallel_loop3A_372 = arith.addf %parallel_loop3A_328, %parallel_loop3A_371 : vector<16xf32>
      %parallel_loop3A_373 = arith.index_cast %parallel_loop3A_225 : i32 to index
      %parallel_loop3A_374 = arith.constant 208 : index
      %parallel_loop3A_375 = tpu.vector_load %arg8[%parallel_loop3A_373, %parallel_loop3A_374] {strides = array<i32>} : memref<32x512xf32, #tpu.memory_space<vmem>>, vector<1x16xf32>,
      %parallel_loop3A_376 = vector.shape_cast %parallel_loop3A_375 : vector<1x16xf32> to vector<16xf32>
      %parallel_loop3A_377 = arith.index_cast %parallel_loop3A_225 : i32 to index
      %parallel_loop3A_378 = arith.constant 208 : index
      %parallel_loop3A_379 = tpu.vector_load %arg11[%parallel_loop3A_377, %parallel_loop3A_378] {strides = array<i32>} : memref<32x512xf32, #tpu.memory_space<vmem>>, vector<1x16xf32>,
      %parallel_loop3A_380 = vector.shape_cast %parallel_loop3A_379 : vector<1x16xf32> to vector<16xf32>
      %parallel_loop3A_381 = arith.subf %parallel_loop3A_376, %parallel_loop3A_380 : vector<16xf32>
      %parallel_loop3A_382 = arith.mulf %parallel_loop3A_381, %parallel_loop3A_381 : vector<16xf32>
      %parallel_loop3A_383 = arith.addf %parallel_loop3A_339, %parallel_loop3A_382 : vector<16xf32>
      %parallel_loop3A_384 = arith.index_cast %parallel_loop3A_225 : i32 to index
      %parallel_loop3A_385 = arith.constant 224 : index
      %parallel_loop3A_386 = tpu.vector_load %arg8[%parallel_loop3A_384, %parallel_loop3A_385] {strides = array<i32>} : memref<32x512xf32, #tpu.memory_space<vmem>>, vector<1x16xf32>,
      %parallel_loop3A_387 = vector.shape_cast %parallel_loop3A_386 : vector<1x16xf32> to vector<16xf32>
      %parallel_loop3A_388 = arith.index_cast %parallel_loop3A_225 : i32 to index
      %parallel_loop3A_389 = arith.constant 224 : index
      %parallel_loop3A_390 = tpu.vector_load %arg11[%parallel_loop3A_388, %parallel_loop3A_389] {strides = array<i32>} : memref<32x512xf32, #tpu.memory_space<vmem>>, vector<1x16xf32>,
      %parallel_loop3A_391 = vector.shape_cast %parallel_loop3A_390 : vector<1x16xf32> to vector<16xf32>
      %parallel_loop3A_392 = arith.subf %parallel_loop3A_387, %parallel_loop3A_391 : vector<16xf32>
      %parallel_loop3A_393 = arith.mulf %parallel_loop3A_392, %parallel_loop3A_392 : vector<16xf32>
      %parallel_loop3A_394 = arith.addf %parallel_loop3A_350, %parallel_loop3A_393 : vector<16xf32>
      %parallel_loop3A_395 = arith.index_cast %parallel_loop3A_225 : i32 to index
      %parallel_loop3A_396 = arith.constant 240 : index
      %parallel_loop3A_397 = tpu.vector_load %arg8[%parallel_loop3A_395, %parallel_loop3A_396] {strides = array<i32>} : memref<32x512xf32, #tpu.memory_space<vmem>>, vector<1x16xf32>,
      %parallel_loop3A_398 = vector.shape_cast %parallel_loop3A_397 : vector<1x16xf32> to vector<16xf32>
      %parallel_loop3A_399 = arith.index_cast %parallel_loop3A_225 : i32 to index
      %parallel_loop3A_400 = arith.constant 240 : index
      %parallel_loop3A_401 = tpu.vector_load %arg11[%parallel_loop3A_399, %parallel_loop3A_400] {strides = array<i32>} : memref<32x512xf32, #tpu.memory_space<vmem>>, vector<1x16xf32>,
      %parallel_loop3A_402 = vector.shape_cast %parallel_loop3A_401 : vector<1x16xf32> to vector<16xf32>
      %parallel_loop3A_403 = arith.subf %parallel_loop3A_398, %parallel_loop3A_402 : vector<16xf32>
      %parallel_loop3A_404 = arith.mulf %parallel_loop3A_403, %parallel_loop3A_403 : vector<16xf32>
      %parallel_loop3A_405 = arith.addf %parallel_loop3A_361, %parallel_loop3A_404 : vector<16xf32>
      %parallel_loop3A_406 = arith.index_cast %parallel_loop3A_225 : i32 to index
      %parallel_loop3A_407 = arith.constant 256 : index
      %parallel_loop3A_408 = tpu.vector_load %arg8[%parallel_loop3A_406, %parallel_loop3A_407] {strides = array<i32>} : memref<32x512xf32, #tpu.memory_space<vmem>>, vector<1x16xf32>,
      %parallel_loop3A_409 = vector.shape_cast %parallel_loop3A_408 : vector<1x16xf32> to vector<16xf32>
      %parallel_loop3A_410 = arith.index_cast %parallel_loop3A_225 : i32 to index
      %parallel_loop3A_411 = arith.constant 256 : index
      %parallel_loop3A_412 = tpu.vector_load %arg11[%parallel_loop3A_410, %parallel_loop3A_411] {strides = array<i32>} : memref<32x512xf32, #tpu.memory_space<vmem>>, vector<1x16xf32>,
      %parallel_loop3A_413 = vector.shape_cast %parallel_loop3A_412 : vector<1x16xf32> to vector<16xf32>
      %parallel_loop3A_414 = arith.subf %parallel_loop3A_409, %parallel_loop3A_413 : vector<16xf32>
      %parallel_loop3A_415 = arith.mulf %parallel_loop3A_414, %parallel_loop3A_414 : vector<16xf32>
      %parallel_loop3A_416 = arith.addf %parallel_loop3A_372, %parallel_loop3A_415 : vector<16xf32>
      %parallel_loop3A_417 = arith.index_cast %parallel_loop3A_225 : i32 to index
      %parallel_loop3A_418 = arith.constant 272 : index
      %parallel_loop3A_419 = tpu.vector_load %arg8[%parallel_loop3A_417, %parallel_loop3A_418] {strides = array<i32>} : memref<32x512xf32, #tpu.memory_space<vmem>>, vector<1x16xf32>,
      %parallel_loop3A_420 = vector.shape_cast %parallel_loop3A_419 : vector<1x16xf32> to vector<16xf32>
      %parallel_loop3A_421 = arith.index_cast %parallel_loop3A_225 : i32 to index
      %parallel_loop3A_422 = arith.constant 272 : index
      %parallel_loop3A_423 = tpu.vector_load %arg11[%parallel_loop3A_421, %parallel_loop3A_422] {strides = array<i32>} : memref<32x512xf32, #tpu.memory_space<vmem>>, vector<1x16xf32>,
      %parallel_loop3A_424 = vector.shape_cast %parallel_loop3A_423 : vector<1x16xf32> to vector<16xf32>
      %parallel_loop3A_425 = arith.subf %parallel_loop3A_420, %parallel_loop3A_424 : vector<16xf32>
      %parallel_loop3A_426 = arith.mulf %parallel_loop3A_425, %parallel_loop3A_425 : vector<16xf32>
      %parallel_loop3A_427 = arith.addf %parallel_loop3A_383, %parallel_loop3A_426 : vector<16xf32>
      %parallel_loop3A_428 = arith.index_cast %parallel_loop3A_225 : i32 to index
      %parallel_loop3A_429 = arith.constant 288 : index
      %parallel_loop3A_430 = tpu.vector_load %arg8[%parallel_loop3A_428, %parallel_loop3A_429] {strides = array<i32>} : memref<32x512xf32, #tpu.memory_space<vmem>>, vector<1x16xf32>,
      %parallel_loop3A_431 = vector.shape_cast %parallel_loop3A_430 : vector<1x16xf32> to vector<16xf32>
      %parallel_loop3A_432 = arith.index_cast %parallel_loop3A_225 : i32 to index
      %parallel_loop3A_433 = arith.constant 288 : index
      %parallel_loop3A_434 = tpu.vector_load %arg11[%parallel_loop3A_432, %parallel_loop3A_433] {strides = array<i32>} : memref<32x512xf32, #tpu.memory_space<vmem>>, vector<1x16xf32>,
      %parallel_loop3A_435 = vector.shape_cast %parallel_loop3A_434 : vector<1x16xf32> to vector<16xf32>
      %parallel_loop3A_436 = arith.subf %parallel_loop3A_431, %parallel_loop3A_435 : vector<16xf32>
      %parallel_loop3A_437 = arith.mulf %parallel_loop3A_436, %parallel_loop3A_436 : vector<16xf32>
      %parallel_loop3A_438 = arith.addf %parallel_loop3A_394, %parallel_loop3A_437 : vector<16xf32>
      %parallel_loop3A_439 = arith.index_cast %parallel_loop3A_225 : i32 to index
      %parallel_loop3A_440 = arith.constant 304 : index
      %parallel_loop3A_441 = tpu.vector_load %arg8[%parallel_loop3A_439, %parallel_loop3A_440] {strides = array<i32>} : memref<32x512xf32, #tpu.memory_space<vmem>>, vector<1x16xf32>,
      %parallel_loop3A_442 = vector.shape_cast %parallel_loop3A_441 : vector<1x16xf32> to vector<16xf32>
      %parallel_loop3A_443 = arith.index_cast %parallel_loop3A_225 : i32 to index
      %parallel_loop3A_444 = arith.constant 304 : index
      %parallel_loop3A_445 = tpu.vector_load %arg11[%parallel_loop3A_443, %parallel_loop3A_444] {strides = array<i32>} : memref<32x512xf32, #tpu.memory_space<vmem>>, vector<1x16xf32>,
      %parallel_loop3A_446 = vector.shape_cast %parallel_loop3A_445 : vector<1x16xf32> to vector<16xf32>
      %parallel_loop3A_447 = arith.subf %parallel_loop3A_442, %parallel_loop3A_446 : vector<16xf32>
      %parallel_loop3A_448 = arith.mulf %parallel_loop3A_447, %parallel_loop3A_447 : vector<16xf32>
      %parallel_loop3A_449 = arith.addf %parallel_loop3A_405, %parallel_loop3A_448 : vector<16xf32>
      %parallel_loop3A_450 = arith.index_cast %parallel_loop3A_225 : i32 to index
      %parallel_loop3A_451 = arith.constant 320 : index
      %parallel_loop3A_452 = tpu.vector_load %arg8[%parallel_loop3A_450, %parallel_loop3A_451] {strides = array<i32>} : memref<32x512xf32, #tpu.memory_space<vmem>>, vector<1x16xf32>,
      %parallel_loop3A_453 = vector.shape_cast %parallel_loop3A_452 : vector<1x16xf32> to vector<16xf32>
      %parallel_loop3A_454 = arith.index_cast %parallel_loop3A_225 : i32 to index
      %parallel_loop3A_455 = arith.constant 320 : index
      %parallel_loop3A_456 = tpu.vector_load %arg11[%parallel_loop3A_454, %parallel_loop3A_455] {strides = array<i32>} : memref<32x512xf32, #tpu.memory_space<vmem>>, vector<1x16xf32>,
      %parallel_loop3A_457 = vector.shape_cast %parallel_loop3A_456 : vector<1x16xf32> to vector<16xf32>
      %parallel_loop3A_458 = arith.subf %parallel_loop3A_453, %parallel_loop3A_457 : vector<16xf32>
      %parallel_loop3A_459 = arith.mulf %parallel_loop3A_458, %parallel_loop3A_458 : vector<16xf32>
      %parallel_loop3A_460 = arith.addf %parallel_loop3A_416, %parallel_loop3A_459 : vector<16xf32>
      %parallel_loop3A_461 = arith.index_cast %parallel_loop3A_225 : i32 to index
      %parallel_loop3A_462 = arith.constant 336 : index
      %parallel_loop3A_463 = tpu.vector_load %arg8[%parallel_loop3A_461, %parallel_loop3A_462] {strides = array<i32>} : memref<32x512xf32, #tpu.memory_space<vmem>>, vector<1x16xf32>,
      %parallel_loop3A_464 = vector.shape_cast %parallel_loop3A_463 : vector<1x16xf32> to vector<16xf32>
      %parallel_loop3A_465 = arith.index_cast %parallel_loop3A_225 : i32 to index
      %parallel_loop3A_466 = arith.constant 336 : index
      %parallel_loop3A_467 = tpu.vector_load %arg11[%parallel_loop3A_465, %parallel_loop3A_466] {strides = array<i32>} : memref<32x512xf32, #tpu.memory_space<vmem>>, vector<1x16xf32>,
      %parallel_loop3A_468 = vector.shape_cast %parallel_loop3A_467 : vector<1x16xf32> to vector<16xf32>
      %parallel_loop3A_469 = arith.subf %parallel_loop3A_464, %parallel_loop3A_468 : vector<16xf32>
      %parallel_loop3A_470 = arith.mulf %parallel_loop3A_469, %parallel_loop3A_469 : vector<16xf32>
      %parallel_loop3A_471 = arith.addf %parallel_loop3A_427, %parallel_loop3A_470 : vector<16xf32>
      %parallel_loop3A_472 = arith.index_cast %parallel_loop3A_225 : i32 to index
      %parallel_loop3A_473 = arith.constant 352 : index
      %parallel_loop3A_474 = tpu.vector_load %arg8[%parallel_loop3A_472, %parallel_loop3A_473] {strides = array<i32>} : memref<32x512xf32, #tpu.memory_space<vmem>>, vector<1x16xf32>,
      %parallel_loop3A_475 = vector.shape_cast %parallel_loop3A_474 : vector<1x16xf32> to vector<16xf32>
      %parallel_loop3A_476 = arith.index_cast %parallel_loop3A_225 : i32 to index
      %parallel_loop3A_477 = arith.constant 352 : index
      %parallel_loop3A_478 = tpu.vector_load %arg11[%parallel_loop3A_476, %parallel_loop3A_477] {strides = array<i32>} : memref<32x512xf32, #tpu.memory_space<vmem>>, vector<1x16xf32>,
      %parallel_loop3A_479 = vector.shape_cast %parallel_loop3A_478 : vector<1x16xf32> to vector<16xf32>
      %parallel_loop3A_480 = arith.subf %parallel_loop3A_475, %parallel_loop3A_479 : vector<16xf32>
      %parallel_loop3A_481 = arith.mulf %parallel_loop3A_480, %parallel_loop3A_480 : vector<16xf32>
      %parallel_loop3A_482 = arith.addf %parallel_loop3A_438, %parallel_loop3A_481 : vector<16xf32>
      %parallel_loop3A_483 = arith.index_cast %parallel_loop3A_225 : i32 to index
      %parallel_loop3A_484 = arith.constant 368 : index
      %parallel_loop3A_485 = tpu.vector_load %arg8[%parallel_loop3A_483, %parallel_loop3A_484] {strides = array<i32>} : memref<32x512xf32, #tpu.memory_space<vmem>>, vector<1x16xf32>,
      %parallel_loop3A_486 = vector.shape_cast %parallel_loop3A_485 : vector<1x16xf32> to vector<16xf32>
      %parallel_loop3A_487 = arith.index_cast %parallel_loop3A_225 : i32 to index
      %parallel_loop3A_488 = arith.constant 368 : index
      %parallel_loop3A_489 = tpu.vector_load %arg11[%parallel_loop3A_487, %parallel_loop3A_488] {strides = array<i32>} : memref<32x512xf32, #tpu.memory_space<vmem>>, vector<1x16xf32>,
      %parallel_loop3A_490 = vector.shape_cast %parallel_loop3A_489 : vector<1x16xf32> to vector<16xf32>
      %parallel_loop3A_491 = arith.subf %parallel_loop3A_486, %parallel_loop3A_490 : vector<16xf32>
      %parallel_loop3A_492 = arith.mulf %parallel_loop3A_491, %parallel_loop3A_491 : vector<16xf32>
      %parallel_loop3A_493 = arith.addf %parallel_loop3A_449, %parallel_loop3A_492 : vector<16xf32>
      %parallel_loop3A_494 = arith.index_cast %parallel_loop3A_225 : i32 to index
      %parallel_loop3A_495 = arith.constant 384 : index
      %parallel_loop3A_496 = tpu.vector_load %arg8[%parallel_loop3A_494, %parallel_loop3A_495] {strides = array<i32>} : memref<32x512xf32, #tpu.memory_space<vmem>>, vector<1x16xf32>,
      %parallel_loop3A_497 = vector.shape_cast %parallel_loop3A_496 : vector<1x16xf32> to vector<16xf32>
      %parallel_loop3A_498 = arith.index_cast %parallel_loop3A_225 : i32 to index
      %parallel_loop3A_499 = arith.constant 384 : index
      %parallel_loop3A_500 = tpu.vector_load %arg11[%parallel_loop3A_498, %parallel_loop3A_499] {strides = array<i32>} : memref<32x512xf32, #tpu.memory_space<vmem>>, vector<1x16xf32>,
      %parallel_loop3A_501 = vector.shape_cast %parallel_loop3A_500 : vector<1x16xf32> to vector<16xf32>
      %parallel_loop3A_502 = arith.subf %parallel_loop3A_497, %parallel_loop3A_501 : vector<16xf32>
      %parallel_loop3A_503 = arith.mulf %parallel_loop3A_502, %parallel_loop3A_502 : vector<16xf32>
      %parallel_loop3A_504 = arith.addf %parallel_loop3A_460, %parallel_loop3A_503 : vector<16xf32>
      %parallel_loop3A_505 = arith.index_cast %parallel_loop3A_225 : i32 to index
      %parallel_loop3A_506 = arith.constant 400 : index
      %parallel_loop3A_507 = tpu.vector_load %arg8[%parallel_loop3A_505, %parallel_loop3A_506] {strides = array<i32>} : memref<32x512xf32, #tpu.memory_space<vmem>>, vector<1x16xf32>,
      %parallel_loop3A_508 = vector.shape_cast %parallel_loop3A_507 : vector<1x16xf32> to vector<16xf32>
      %parallel_loop3A_509 = arith.index_cast %parallel_loop3A_225 : i32 to index
      %parallel_loop3A_510 = arith.constant 400 : index
      %parallel_loop3A_511 = tpu.vector_load %arg11[%parallel_loop3A_509, %parallel_loop3A_510] {strides = array<i32>} : memref<32x512xf32, #tpu.memory_space<vmem>>, vector<1x16xf32>,
      %parallel_loop3A_512 = vector.shape_cast %parallel_loop3A_511 : vector<1x16xf32> to vector<16xf32>
      %parallel_loop3A_513 = arith.subf %parallel_loop3A_508, %parallel_loop3A_512 : vector<16xf32>
      %parallel_loop3A_514 = arith.mulf %parallel_loop3A_513, %parallel_loop3A_513 : vector<16xf32>
      %parallel_loop3A_515 = arith.addf %parallel_loop3A_471, %parallel_loop3A_514 : vector<16xf32>
      %parallel_loop3A_516 = arith.index_cast %parallel_loop3A_225 : i32 to index
      %parallel_loop3A_517 = arith.constant 416 : index
      %parallel_loop3A_518 = tpu.vector_load %arg8[%parallel_loop3A_516, %parallel_loop3A_517] {strides = array<i32>} : memref<32x512xf32, #tpu.memory_space<vmem>>, vector<1x16xf32>,
      %parallel_loop3A_519 = vector.shape_cast %parallel_loop3A_518 : vector<1x16xf32> to vector<16xf32>
      %parallel_loop3A_520 = arith.index_cast %parallel_loop3A_225 : i32 to index
      %parallel_loop3A_521 = arith.constant 416 : index
      %parallel_loop3A_522 = tpu.vector_load %arg11[%parallel_loop3A_520, %parallel_loop3A_521] {strides = array<i32>} : memref<32x512xf32, #tpu.memory_space<vmem>>, vector<1x16xf32>,
      %parallel_loop3A_523 = vector.shape_cast %parallel_loop3A_522 : vector<1x16xf32> to vector<16xf32>
      %parallel_loop3A_524 = arith.subf %parallel_loop3A_519, %parallel_loop3A_523 : vector<16xf32>
      %parallel_loop3A_525 = arith.mulf %parallel_loop3A_524, %parallel_loop3A_524 : vector<16xf32>
      %parallel_loop3A_526 = arith.addf %parallel_loop3A_482, %parallel_loop3A_525 : vector<16xf32>
      %parallel_loop3A_527 = arith.index_cast %parallel_loop3A_225 : i32 to index
      %parallel_loop3A_528 = arith.constant 432 : index
      %parallel_loop3A_529 = tpu.vector_load %arg8[%parallel_loop3A_527, %parallel_loop3A_528] {strides = array<i32>} : memref<32x512xf32, #tpu.memory_space<vmem>>, vector<1x16xf32>,
      %parallel_loop3A_530 = vector.shape_cast %parallel_loop3A_529 : vector<1x16xf32> to vector<16xf32>
      %parallel_loop3A_531 = arith.index_cast %parallel_loop3A_225 : i32 to index
      %parallel_loop3A_532 = arith.constant 432 : index
      %parallel_loop3A_533 = tpu.vector_load %arg11[%parallel_loop3A_531, %parallel_loop3A_532] {strides = array<i32>} : memref<32x512xf32, #tpu.memory_space<vmem>>, vector<1x16xf32>,
      %parallel_loop3A_534 = vector.shape_cast %parallel_loop3A_533 : vector<1x16xf32> to vector<16xf32>
      %parallel_loop3A_535 = arith.subf %parallel_loop3A_530, %parallel_loop3A_534 : vector<16xf32>
      %parallel_loop3A_536 = arith.mulf %parallel_loop3A_535, %parallel_loop3A_535 : vector<16xf32>
      %parallel_loop3A_537 = arith.addf %parallel_loop3A_493, %parallel_loop3A_536 : vector<16xf32>
      %parallel_loop3A_538 = arith.index_cast %parallel_loop3A_225 : i32 to index
      %parallel_loop3A_539 = arith.constant 448 : index
      %parallel_loop3A_540 = tpu.vector_load %arg8[%parallel_loop3A_538, %parallel_loop3A_539] {strides = array<i32>} : memref<32x512xf32, #tpu.memory_space<vmem>>, vector<1x16xf32>,
      %parallel_loop3A_541 = vector.shape_cast %parallel_loop3A_540 : vector<1x16xf32> to vector<16xf32>
      %parallel_loop3A_542 = arith.index_cast %parallel_loop3A_225 : i32 to index
      %parallel_loop3A_543 = arith.constant 448 : index
      %parallel_loop3A_544 = tpu.vector_load %arg11[%parallel_loop3A_542, %parallel_loop3A_543] {strides = array<i32>} : memref<32x512xf32, #tpu.memory_space<vmem>>, vector<1x16xf32>,
      %parallel_loop3A_545 = vector.shape_cast %parallel_loop3A_544 : vector<1x16xf32> to vector<16xf32>
      %parallel_loop3A_546 = arith.subf %parallel_loop3A_541, %parallel_loop3A_545 : vector<16xf32>
      %parallel_loop3A_547 = arith.mulf %parallel_loop3A_546, %parallel_loop3A_546 : vector<16xf32>
      %parallel_loop3A_548 = arith.addf %parallel_loop3A_504, %parallel_loop3A_547 : vector<16xf32>
      %parallel_loop3A_549 = arith.index_cast %parallel_loop3A_225 : i32 to index
      %parallel_loop3A_550 = arith.constant 464 : index
      %parallel_loop3A_551 = tpu.vector_load %arg8[%parallel_loop3A_549, %parallel_loop3A_550] {strides = array<i32>} : memref<32x512xf32, #tpu.memory_space<vmem>>, vector<1x16xf32>,
      %parallel_loop3A_552 = vector.shape_cast %parallel_loop3A_551 : vector<1x16xf32> to vector<16xf32>
      %parallel_loop3A_553 = arith.index_cast %parallel_loop3A_225 : i32 to index
      %parallel_loop3A_554 = arith.constant 464 : index
      %parallel_loop3A_555 = tpu.vector_load %arg11[%parallel_loop3A_553, %parallel_loop3A_554] {strides = array<i32>} : memref<32x512xf32, #tpu.memory_space<vmem>>, vector<1x16xf32>,
      %parallel_loop3A_556 = vector.shape_cast %parallel_loop3A_555 : vector<1x16xf32> to vector<16xf32>
      %parallel_loop3A_557 = arith.subf %parallel_loop3A_552, %parallel_loop3A_556 : vector<16xf32>
      %parallel_loop3A_558 = arith.mulf %parallel_loop3A_557, %parallel_loop3A_557 : vector<16xf32>
      %parallel_loop3A_559 = arith.addf %parallel_loop3A_515, %parallel_loop3A_558 : vector<16xf32>
      %parallel_loop3A_560 = arith.index_cast %parallel_loop3A_225 : i32 to index
      %parallel_loop3A_561 = arith.constant 480 : index
      %parallel_loop3A_562 = tpu.vector_load %arg8[%parallel_loop3A_560, %parallel_loop3A_561] {strides = array<i32>} : memref<32x512xf32, #tpu.memory_space<vmem>>, vector<1x16xf32>,
      %parallel_loop3A_563 = vector.shape_cast %parallel_loop3A_562 : vector<1x16xf32> to vector<16xf32>
      %parallel_loop3A_564 = arith.index_cast %parallel_loop3A_225 : i32 to index
      %parallel_loop3A_565 = arith.constant 480 : index
      %parallel_loop3A_566 = tpu.vector_load %arg11[%parallel_loop3A_564, %parallel_loop3A_565] {strides = array<i32>} : memref<32x512xf32, #tpu.memory_space<vmem>>, vector<1x16xf32>,
      %parallel_loop3A_567 = vector.shape_cast %parallel_loop3A_566 : vector<1x16xf32> to vector<16xf32>
      %parallel_loop3A_568 = arith.subf %parallel_loop3A_563, %parallel_loop3A_567 : vector<16xf32>
      %parallel_loop3A_569 = arith.mulf %parallel_loop3A_568, %parallel_loop3A_568 : vector<16xf32>
      %parallel_loop3A_570 = arith.addf %parallel_loop3A_526, %parallel_loop3A_569 : vector<16xf32>
      %parallel_loop3A_571 = arith.index_cast %parallel_loop3A_225 : i32 to index
      %parallel_loop3A_572 = arith.constant 496 : index
      %parallel_loop3A_573 = tpu.vector_load %arg8[%parallel_loop3A_571, %parallel_loop3A_572] {strides = array<i32>} : memref<32x512xf32, #tpu.memory_space<vmem>>, vector<1x16xf32>,
      %parallel_loop3A_574 = vector.shape_cast %parallel_loop3A_573 : vector<1x16xf32> to vector<16xf32>
      %parallel_loop3A_575 = arith.index_cast %parallel_loop3A_225 : i32 to index
      %parallel_loop3A_576 = arith.constant 496 : index
      %parallel_loop3A_577 = tpu.vector_load %arg11[%parallel_loop3A_575, %parallel_loop3A_576] {strides = array<i32>} : memref<32x512xf32, #tpu.memory_space<vmem>>, vector<1x16xf32>,
      %parallel_loop3A_578 = vector.shape_cast %parallel_loop3A_577 : vector<1x16xf32> to vector<16xf32>
      %parallel_loop3A_579 = arith.subf %parallel_loop3A_574, %parallel_loop3A_578 : vector<16xf32>
      %parallel_loop3A_580 = arith.mulf %parallel_loop3A_579, %parallel_loop3A_579 : vector<16xf32>
      %parallel_loop3A_581 = arith.addf %parallel_loop3A_537, %parallel_loop3A_580 : vector<16xf32>
      scf.yield %parallel_loop3A_548, %parallel_loop3A_559, %parallel_loop3A_570, %parallel_loop3A_581 : vector<16xf32>, vector<16xf32>, vector<16xf32>, vector<16xf32>
    } {sc.loop_unroll_factor = 2 : i64, sc.parallel_access}
    %add3A_219 = arith.addf %parallel_loop3A_218#0, %parallel_loop3A_218#1 : vector<16xf32>
    %add3A_220 = arith.addf %add3A_219, %parallel_loop3A_218#2 : vector<16xf32>
    %add3A_221 = arith.addf %add3A_220, %parallel_loop3A_218#3 : vector<16xf32>
    %swap3A = arith.constant 0 : index
    %swap3A_222 = tpu.vector_load %arg13[%swap3A] {strides = array<i32>} : memref<16xf32, #tpu.memory_space<vmem>>, vector<16xf32>,
    %swap3A_223 = vector.shape_cast %swap3A_222 : vector<16xf32> to vector<16xf32>
    %swap3A_224 = vector.shape_cast %add3A_221 : vector<16xf32> to vector<16xf32>
    tpu.vector_store %arg13[%swap3A], %swap3A_224 {strides = array<i32>} : memref<16xf32, #tpu.memory_space<vmem>>, vector<16xf32>,
    "tpu.region"() ({
      %run_scoped3A = tpu.sem_alloc : memref<!tpu.dma_semaphore, #tpu.memory_space<semaphore_mem>>
      %dma_start3A_225 = arith.constant 0 : i32
      %dma_start3A_226 = tpu.memref_slice %arg5[%add3A, %dma_start3A_225] : memref<32x16xf32, #tpu.memory_space<hbm>> -> memref<1x16xf32, #tpu.memory_space<hbm>>
      %dma_start3A_227 = tpu.memref_squeeze %dma_start3A_226 : memref<1x16xf32, #tpu.memory_space<hbm>> -> memref<16xf32, #tpu.memory_space<hbm>>
      %dma_start3A_228 = arith.constant 0 : i32
      %dma_start3A_229 = tpu.memref_slice %arg5[%add3A, %dma_start3A_228] : memref<32x16xf32, #tpu.memory_space<hbm>> -> memref<1x16xf32, #tpu.memory_space<hbm>>
      %dma_start3A_230 = tpu.memref_squeeze %dma_start3A_229 : memref<1x16xf32, #tpu.memory_space<hbm>> -> memref<16xf32, #tpu.memory_space<hbm>>
      tpu.enqueue_dma source(%arg13 : memref<16xf32, #tpu.memory_space<vmem>>) target(%dma_start3A_230 : memref<16xf32, #tpu.memory_space<hbm>>) target_semaphore(%run_scoped3A : memref<!tpu.dma_semaphore, #tpu.memory_space<semaphore_mem>>)
      %dma_wait3A_231 = arith.constant 0 : i32
      %dma_wait3A_232 = tpu.memref_slice %arg5[%add3A, %dma_wait3A_231] : memref<32x16xf32, #tpu.memory_space<hbm>> -> memref<1x16xf32, #tpu.memory_space<hbm>>
      %dma_wait3A_233 = tpu.memref_squeeze %dma_wait3A_232 : memref<1x16xf32, #tpu.memory_space<hbm>> -> memref<16xf32, #tpu.memory_space<hbm>>
      %dma_wait3A_234 = arith.constant 0 : i32
      %dma_wait3A_235 = tpu.memref_slice %arg5[%add3A, %dma_wait3A_234] : memref<32x16xf32, #tpu.memory_space<hbm>> -> memref<1x16xf32, #tpu.memory_space<hbm>>
      %dma_wait3A_236 = tpu.memref_squeeze %dma_wait3A_235 : memref<1x16xf32, #tpu.memory_space<hbm>> -> memref<16xf32, #tpu.memory_space<hbm>>
      tpu.wait_dma2 semaphore(%run_scoped3A : memref<!tpu.dma_semaphore, #tpu.memory_space<semaphore_mem>>) src(%arg13 : memref<16xf32, #tpu.memory_space<vmem>>) dst(%dma_wait3A_236 : memref<16xf32, #tpu.memory_space<hbm>>)
      tpu.yield
    }) : () -> ()
    return
  }
}

</mosaic_0001>

<sc_bundles>
// kernel: _center_loss.3.cloned.1.call-start
scs
__scs_entry_jumppad:
0x0: {  	(pc) =	sbr.rel $0x88, $3  }
0x1: {  	(tag) =	ssettag $0x0;
	lr =	simm.s32 $0x1  }
0x2: {  	[smem:$0x3F9E] =	sst lr;
	_ =	strace $0xD0000000  }
0x3: {  	_ = 	snop  }
0x4: {  	_ = 	snop  }
0x5: {  	_ = 	snop  }
0x6: {  	_ = 	snop  }
0x7: {  	_ = 	snop  }
__scs_overlays_trampoline_lowered:
0x8: {  	[smem:$0x3FAD] =	sst s0  }
0x9: {  	[smem:$0x3FAE] =	sst s1  }
0xa: {  	[smem:$0x3FAF] =	sst s2  }
0xb: {  	[smem:$0x3FB0] =	sst s3  }
0xc: {  	[smem:$0x3FB1] =	sst s4  }
0xd: {  	[smem:$0x3FB2] =	sst s5  }
0xe: {  	[smem:$0x3FB3] =	sst s6  }
0xf: {  	[smem:$0x3FB4] =	sst s7  }
0x10: {  	[smem:$0x3FB5] =	sst s8  }
0x11: {  	[smem:$0x3FB6] =	sst s9;
	s0 =	simm.s32 @!p0 $0x0  }
0x12: {  	s1 =	sld [smem:$0x3F9C];
	s0 =	simm.s32 @p0 $0x1  }
0x13: {  	[smem:$0x3FB7] =	sst s0;
	s0 =	simm.s32 @!p1 $0x0  }
0x14: {  	s2 =	sld [smem:$0x3F9B];
	s0 =	simm.s32 @p1 $0x1  }
0x15: {  	[smem:$0x3FB8] =	sst s0;
	s0 =	simm.s32 @!p2 $0x0  }
0x16: {  	s3 =	sld [smem:$0x3FDB];
	s0 =	simm.s32 @p2 $0x1  }
0x17: {  	s4 =	simm.s32 $0x1BF5;
	[smem:$0x3FBA] =	sst s0  }
0x18: {  	s0 =	sld [smem:$0x3F9D];
	_ =	swait.ge [sflag:s4], $0x0  }
0x19: {  	s7 =	sld [smem:$0x3F9E]  }
0x1a: {  	s8 =	sadd.s32 $0xFFFFE003, lr  }
0x1b: {  	s9 =	sadd.s32 $0xFFFFFEF7, lr;
	s5 =	simm.s32 $0xFFFFFFFF;
	p2 =	slt.u32 s8, $0xFFFFF086  }
0x1c: {  	p1 =	slt.u32 s9, $0xF7A;
	s5 =	simm.s32 @!p2 $0x0  }
0x1d: {  	s5 =	simm.s32 @p1 $0x1;
	p0 =	seq.s32 s7, s2  }
0x1e: {  	s7 =	smul.u32 @!p0 $0xF7A, s2;
	p2 =	seq.s32 @!p0 s5, $0x0  }
0x1f: {  	s9 =	smul.u32 $0xF7A, s1;
	s8 =	simm.s32 @!p0 $0x1BF5;
	p2 =	por !p2, p0  }
0x20: {  	[sflag:s8] =	ssyncset.s32 @!p0 $0xFFFFF086;
	s6 =	sadd.s32 @!p0 s3, s7;
	s7 =	simm.s32 @!p0 $0x108  }
0x21: {  	s3 =	sadd.s32 s3, s9;
	s6 =	sadd.s32 @!p0 $0x88, s6;
	s7 =	simm.s32 @p2 $0x1082  }
0x22: {  	[simem:s7], [sflag:s8] =	dma.local @!p0 [hbm:s6], $0xF7A  }
0x23: {  	s9 =	sor.u32 $0xD0000000, s2;
	s6 =	simm.s32 $0x108;
	_ =	swait.ge @!p0 [sflag:s8], $0x0  }
0x24: {  	s3 =	sadd.s32 $0x88, s3;
	s6 =	simm.s32 @!p1 $0x1082;
	[sflag:s4] =	ssyncset.s32 $0xFFFFF086  }
0x25: {  	[simem:s6], [sflag:s4] =	dma.local [hbm:s3], $0xF7A  }
0x26: {  	[smem:$0x3F9E] =	sst s1;
	(tag) =	ssettag s2;
	_ =	strace s9  }
0x27: {  	s1 =	sld [smem:$0x3FAE]  }
0x28: {  	s2 =	sld [smem:$0x3FAF]  }
0x29: {  	s4 =	sld [smem:$0x3FB1]  }
0x2a: {  	p0 =	seq.s32 s5, $0x0;
	s5 =	sld [smem:$0x3FB2]  }
0x2b: {  	s6 =	sld [smem:$0x3FB3]  }
0x2c: {  	s7 =	sld [smem:$0x3FB4]  }
0x2d: {  	s3 =	simm.s32 $0x108;
	s8 =	sld [smem:$0x3FB5]  }
0x2e: {  	s3 =	simm.s32 @!p0 $0x1082;
	s9 =	sld [smem:$0x3FB6]  }
0x2f: {  	lr =	sadd.s32 s0, s3;
	s0 =	sld [smem:$0x3FAD]  }
0x30: {  	s3 =	sld [smem:$0x3FB0]  }
0x31: {  	[smem:$0x3FB9] =	sst s10  }
0x32: {  	s10 =	sld [smem:$0x3FB7];
	_ =	sdelay $0x3  }
0x33: {  	p0 =	seq.s32 s10, $0x1;
	s10 =	sld [smem:$0x3FB9];
	_ =	sdelay $0x3  }
0x34: {  	[smem:$0x3FB9] =	sst s10  }
0x35: {  	s10 =	sld [smem:$0x3FB8];
	_ =	sdelay $0x3  }
0x36: {  	p1 =	seq.s32 s10, $0x1;
	s10 =	sld [smem:$0x3FB9];
	_ =	sdelay $0x3  }
0x37: {  	[smem:$0x3FB9] =	sst s10  }
0x38: {  	s10 =	sld [smem:$0x3FBA]  }
0x39: {  	_ = 	snop;
	(pc) =	sbr.ind lr, $3  }
0x3a: {  	_ = 	snop  }
0x3b: {  	_ = 	snop  }
0x3c: {  	p2 =	seq.s32 s10, $0x1;
	s10 =	sld [smem:$0x3FB9]  }
0x3d: {  	_ =	shalt  }
0x3e: {  	_ =	shalt  }
0x3f: {  	_ =	shalt  }
0x40: {  	_ =	shalt  }
0x41: {  	_ =	shalt  }
0x42: {  	_ =	shalt  }
0x43: {  	_ =	shalt  }
0x44: {  	_ =	shalt  }
0x45: {  	_ =	shalt  }
0x46: {  	_ =	shalt  }
0x47: {  	_ =	shalt  }
0x48: {  	_ =	shalt  }
0x49: {  	_ =	shalt  }
0x4a: {  	_ =	shalt  }
0x4b: {  	_ =	shalt  }
0x4c: {  	_ =	shalt  }
0x4d: {  	_ =	shalt  }
0x4e: {  	_ =	shalt  }
0x4f: {  	_ =	shalt  }
0x50: {  	_ =	shalt  }
0x51: {  	_ =	shalt  }
0x52: {  	_ =	shalt  }
0x53: {  	_ =	shalt  }
0x54: {  	_ =	shalt  }
0x55: {  	_ =	shalt  }
0x56: {  	_ =	shalt  }
0x57: {  	_ =	shalt  }
0x58: {  	_ =	shalt  }
0x59: {  	_ =	shalt  }
0x5a: {  	_ =	shalt  }
0x5b: {  	_ =	shalt  }
0x5c: {  	_ =	shalt  }
0x5d: {  	_ =	shalt  }
0x5e: {  	_ =	shalt  }
0x5f: {  	_ =	shalt  }
0x60: {  	_ =	shalt  }
0x61: {  	_ =	shalt  }
0x62: {  	_ =	shalt  }
0x63: {  	_ =	shalt  }
0x64: {  	_ =	shalt  }
0x65: {  	_ =	shalt  }
0x66: {  	_ =	shalt  }
0x67: {  	_ =	shalt  }
0x68: {  	_ =	shalt  }
0x69: {  	_ =	shalt  }
0x6a: {  	_ =	shalt  }
0x6b: {  	_ =	shalt  }
0x6c: {  	_ =	shalt  }
0x6d: {  	_ =	shalt  }
0x6e: {  	_ =	shalt  }
0x6f: {  	_ =	shalt  }
0x70: {  	_ =	shalt  }
0x71: {  	_ =	shalt  }
0x72: {  	_ =	shalt  }
0x73: {  	_ =	shalt  }
0x74: {  	_ =	shalt  }
0x75: {  	_ =	shalt  }
0x76: {  	_ =	shalt  }
0x77: {  	_ =	shalt  }
0x78: {  	_ =	shalt  }
0x79: {  	_ =	shalt  }
0x7a: {  	_ =	shalt  }
0x7b: {  	_ =	shalt  }
0x7c: {  	_ =	shalt  }
0x7d: {  	_ =	shalt  }
0x7e: {  	_ =	shalt  }
0x7f: {  	_ =	shalt  }
0x80: {  	_ =	shalt  }
0x81: {  	_ =	shalt  }
0x82: {  	_ =	shalt  }
0x83: {  	_ =	shalt  }
0x84: {  	_ =	shalt  }
0x85: {  	_ =	shalt  }
0x86: {  	_ =	shalt  }
0x87: {  	_ =	shalt  }
.Lfunc_end0:
.L_simem_size_0:
called_computation_lowered:
.L_overlay_start_0:
0x88: {  	s2 =	sld [smem:$0x3FD9]  }
0x89: {  	s3 =	sld [smem:$0x3FFE];
	_ =	sdelay $0x1  }
0x8a: {  	s1 =	srdreg.scid  }
0x8b: {  	s0 =	sand.u32 $0x1, s1  }
0x8c: {  	s17 =	sshll.u32 s0, $0xA;
	s2 =	sadd.s32 s3, s2  }
0x8d: {  	s2 =	sadd.s32 s2, s17  }
0x8e: {  	[smem:$0x3FC5] =	sst s2  }
0x8f: {  	_ = 	snop  }
0x90: {  	s2 =	sld [smem:$0x3FC9]  }
0x91: {  	s18 =	sld [smem:$0x3FC8]  }
0x92: {  	s4 =	sld [smem:$0x3FC7];
	(tm) =	ssettm $0x1  }
0x93: {  	s5 =	sld [smem:$0x3FFB];
	_ =	sdelay $0x3  }
0x94: {  	_ =	strace s5  }
0x95: {  	s5 =	sld [smem:$0x3FFC];
	_ =	sdelay $0x3  }
0x96: {  	_ =	strace s5  }
0x97: {  	s5 =	sld [smem:$0x3FFD];
	_ =	sdelay $0x3  }
0x98: {  	_ =	strace s5  }
0x99: {  	_ =	strace $0x8FFFFFFF  }
0x9a: {  	s19 =	sld [smem:$0x3FDB];
	_ =	sdelay $0x1  }
0x9b: {  	s6 =	simm.s32 $_scs_section_size  }
0x9c: {  	s7 =	simm.s32 $_size__tile_overlayer_lowered;
	s8 =	simm.s32 $_tile_overlayer_lowered  }
0x9d: {  	s22 =	simm.s32 $0x1BFF;
	s21 =	sshll.u32 s8, $0x1;
	s5 =	sadd.s32 s6, s19  }
0x9e: {  	s9 =	simm.s32 $0x0;
	s20 =	sshll.u32 s7, $0x1;
	s7 =	sadd.s32 s21, s5  }
0x9f: {  	[timem:s9], [sflag:s22] =	dma.local [hbm:s7], s20  }
0xa0: {  	_ =	swait.ge [sflag:s22], s20  }
0xa1: {  	s6 =	ssub.s32 $0x0, s20;
	[sflag:s22] =	ssyncset.done $0x0  }
0xa2: {  	[sflag:s22] =	ssyncadd.s32 s6;
	_ =	sdelay $0x1  }
0xa3: {  	s23 =	simm.s32 $0x1B8B  }
0xa4: {  	_ =	swait.ge [sflag:s23], $0x1  }
0xa5: {  	[sflag:s23] =	ssyncset.done $0x0  }
0xa6: {  	s25 =	simm.s32 $0x1B8E;
	s24 =	sld [smem:$0x3FFE];
	[sflag:s23] =	ssyncadd.s32 $0xFFFFFFFF  }
0xa7: {  	s26 =	simm.s32 $execute0_lowered;
	[smem:$0x3FD2] =	sst s25  }
0xa8: {  	s7 =	sshll.u32 s26, $0x1;
	_ =	strace $0x80000046;
	[dreg:$0x1] =	wrdreg $0xFFFFFFFF  }
0xa9: {  	s28 =	simm.s32 $_size_execute0_lowered;
	s5 =	sadd.s32 s5, s7;
	[dreg:$0x0] =	wrdreg $0x0  }
0xaa: {  	s7 =	sshll.u32 s28, $0x1;
	[dreg:$0x2] =	wrdreg s5  }
0xab: {  	[dreg:$0x3] =	wrdreg s7  }
0xac: {  	[dreg:$0x4] =	wrdreg $0xC0  }
0xad: {  	_ =	task [dreg:s9], $0x5FFFF  }
0xae: {  	[dreg:$0x1] =	wrdreg $0xFFFFFFFF  }
0xaf: {  	[dreg:$0x0] =	wrdreg $0x60  }
0xb0: {  	[dreg:$0x2] =	wrdreg s2  }
0xb1: {  	[dreg:$0x3] =	wrdreg s18  }
0xb2: {  	[dreg:$0x4] =	wrdreg s4  }
0xb3: {  	[dreg:$0x5] =	wrdreg s24  }
0xb4: {  	[dreg:$0x6] =	wrdreg $0x9  }
0xb5: {  	_ =	task.clear_ibuf [dreg:s9], $0x7FFFF;
	_ =	strace $0x90000046  }
0xb6: {  	s29 =	simm.s32 $0x9;
	_ =	strace $0x80000048  }
0xb7: {  	_ =	swait.ge [sflag:s29], $0x1  }
0xb8: {  	[sflag:s29] =	ssyncadd.s32 $0xFFFFFFFF  }
0xb9: {  	_ =	strace $0x90000048  }
0xba: {  	_ =	sfence  }
0xbb: {  	s30 =	sld [smem:$0x0];
	_ =	sdelay $0x2  }
0xbc: {  	s31 =	sshll.u32 s1, $0xD;
	s1 =	sshrl.u32 s1, $0x2  }
0xbd: {  	s3 =	sand.u32 $0x4000, s31;
	s1 =	sadd.s32 s1, s30  }
0xbe: {  	s0 =	sor.u32 s3, s0;
	s1 =	sshll.u32 s1, $0x11  }
0xbf: {  	s0 =	sor.u32 s1, s0  }
0xc0: {  	s0 =	sadd.s32 $0x8F2B, s0  }
0xc1: {  	[sflag:s0] =	ssyncadd.remote.s32 $0x1  }
0xc2: {  	_ =	sfence.sel $0xFFFF  }
0xc3: {  	[dreg:$0x0] =	wrdreg $0xFFFFFFFF;
	(pc) =	sbr.abs _section_cstart, $3  }
0xc4: {  	[dreg:$0x1] =	wrdreg $0xFFFFFFFF  }
0xc5: {  	_ =	task.clear_ibuf [dreg:s9], $0x2FFFF;
	_ =	strace $0x9FFFFFFF  }
0xc6: {  	(tm) =	ssettm $0x7FFFFFFF  }
0xc7: {  	_ =	shalt  }
tec
execute0_lowered:
.L_overlay_start_1:
0x0: {  	(tag) =	ssettag $0x1  }
0x1: {  	s0 =	rddreg [dreg:$0x0]  }
0x2: {  	s2 =	rddreg [dreg:$0x1]  }
0x3: {  	s1 =	rddreg [dreg:$0x2]  }
0x4: {  	s12 =	rddreg [dreg:$0x3];
	s4 =	srdreg.scid;
	s3 =	simm.s32 $0x0  }
0x5: {  	s6 =	stileid.u32;
	s15 =	simm.s32 $0x7;
	s19 =	simm.s32 $0xD880  }
0x6: {  	s21 =	simm.s32 $0x4080;
	s22 =	simm.s32 $0x10080;
	s23 =	simm.s32 $0x10880  }
0x7: {  	s28 =	simm.s32 $0x1;
	s29 =	simm.s32 $0x4;
	s20 =	simm.s32 $0x2  }
0x8: {  	s30 =	simm.s32 $0x3;
	s31 =	simm.s32 $0x6;
	s4 =	sand.u32 $0x1, s4  }
0x9: {  	[smem:$0x7FF] =	sst s3;
	s6 =	sshll.u32 s6, $0x1;
	s5 =	ssub.s32 $0x2, s4  }
0xa: {  	_ =	strace $0x80000047;
	s6 =	sor.u32 s4, s6;
	s7 =	sshrl.u32 s5, $0x1  }
0xb: {  	s24 =	sshll.u32 s6, $0x7;
	s4 =	sshll.u32 s6, $0xD;
	s14 =	sshll.u32 s6, $0x4  }
0xc: {  	s6 =	sadd.s32 $0x100, s1;
	s13 =	ssub.s32 s5, s7;
	s4 =	sadd.s32 s0, s4  }
0xd: {  	v2 =	vlaneseq.u32;
	s25 =	sor.u32 $0x10, s24;
	s5 =	sadd.s32 s2, s14;
	s12 =	sadd.s32 s12, s14  }
0xe: {  	v0 =	vand.u32 $0x7, v2;
	v1 =	vshrl.u32 v2, $0x3;
	s24 =	simm.s32 $0x11080;
	s26 =	sshrl.u32 s25, $0x3;
	s8 =	sshll.u32 s25, $0x6  }
0xf: {  	v63 =	vor.u32 $0x8, v2;
	[tilespmem:$0x1FFD0] =	vst v0;
	v62 =	vmul.u32 $0x8, v1;
	s9 =	sadd.s32 $0x800, s4;
	s10 =	sadd.s32 $0x1000, s4;
	s11 =	sadd.s32 $0x1800, s4  }
0x10: {  	[tilespmem:$0x1FFF0] =	vst v63;
	s13 =	smax.u32 s13, $0x1;
	s25 =	simm.s32 $0x11880;
	s7 =	sadd.s32 s2, s26  }
0x11: {  	vm0 =	vmmov $0xffff;
	[tilespmem:$0x1FFE0] =	vst v62;
	s8 =	sadd.s32 s0, s8;
	s26 =	simm.s32 $0x5;
	s2 =	simm.s32 $0x0  }
.LBB2_1:
0x12: {  	s0 =	simm.s32 $0x80  }
0x13: {  	[tilespmem:s0], [sflag:$0x1] =	stream.linear.gather [hbm4b:s4+s3], $0x2000, $0x38;
	[tilespmem:$0x18100] =	vst v63  }
0x14: {  	_ = 	snop  }
0x15: {  	[tilespmem:s3], [sflag:$0x7] =	stream.linear.gather [hbm4b:s5+s3], $0x10, $0x38;
	[tilespmem:$0x18100] =	vst v63  }
0x16: {  	_ =	swait.ge [sflag:s15], $0x10  }
0x17: {  	[sflag:s15] =	ssyncset.done $0x0  }
0x18: {  	[sflag:s15] =	ssyncadd.s32 $0xFFFFFFF0  }
0x19: {  	v3 =	vld [tilespmem:$0x0];
	_ =	sdelay $0x2  }
0x1a: {  	v0 =	vld [tilespmem:$0x1FFD0];
	_ =	sdelay $0x1  }
0x1b: {  	v1 =	vld [tilespmem:$0x1FFE0];
	v4 =	vshll.u32 v3, $0x2  }
0x1c: {  	v3 =	vand.u32 $0x7, v3;
	v4 =	vand.u32 $0xFFFFFFE0, v4  }
0x1d: {  	v2 =	vld [tilespmem:$0x1FFF0];
	v3 =	vor.u32 v3, v4  }
0x1e: {  	v4 =	vperm.xlane v3, v0;
	_ =	sdelay $0x1  }
0x1f: {  	v4 =	vadd.s32 v1, v4;
	_ =	sdelay $0x1  }
0x20: {  	v3 =	vperm.xlane v3, v2;
	_ =	sdelay $0x1  }
0x21: {  	s17 =	simm.s32 $0xC080;
	v3 =	vadd.s32 v1, v3  }
0x22: {  	[tilespmem:s17], [sflag:$0x4] =	stream.indirect_vreg.gather [hbm4b:s1+s3], $0x80, v4, vm0, $0xb8;
	[tilespmem:$0x18100] =	vst v63  }
0x23: {  	s18 =	simm.s32 $0xC880  }
0x24: {  	[tilespmem:s18], [sflag:$0x4] =	stream.indirect_vreg.gather [hbm4b:s6+s3], $0x80, v4, vm0, $0xb8;
	[tilespmem:$0x18100] =	vst v63  }
0x25: {  	s14 =	simm.s32 $0xD080  }
0x26: {  	[tilespmem:s14], [sflag:$0x4] =	stream.indirect_vreg.gather [hbm4b:s1+s3], $0x80, v3, vm0, $0xb8;
	[tilespmem:$0x18100] =	vst v63  }
0x27: {  	_ = 	snop  }
0x28: {  	[tilespmem:s19], [sflag:$0x4] =	stream.indirect_vreg.gather [hbm4b:s6+s3], $0x80, v3, vm0, $0xb8;
	[tilespmem:$0x18100] =	vst v63  }
0x29: {  	s16 =	simm.s32 $0x10  }
0x2a: {  	[tilespmem:s16], [sflag:$0x7] =	stream.linear.gather [hbm4b:s7+s3], $0x70, $0x38;
	[tilespmem:$0x18100] =	vst v63  }
0x2b: {  	_ =	swait.ge [sflag:s15], $0x70  }
0x2c: {  	[sflag:s15] =	ssyncset.done $0x0  }
0x2d: {  	[sflag:s15] =	ssyncadd.s32 $0xFFFFFF90  }
0x2e: {  	[tilespmem:s21], [sflag:$0x2] =	stream.linear.gather [hbm4b:s8+s3], $0x2000, $0x38;
	[tilespmem:$0x18100] =	vst v63  }
0x2f: {  	v3 =	vld [tilespmem:$0x10];
	_ =	sdelay $0x4  }
0x30: {  	v4 =	vshll.u32 v3, $0x2  }
0x31: {  	v3 =	vand.u32 $0x7, v3;
	v4 =	vand.u32 $0xFFFFFFE0, v4  }
0x32: {  	v3 =	vor.u32 v3, v4  }
0x33: {  	v4 =	vperm.xlane v3, v0;
	_ =	sdelay $0x1  }
0x34: {  	v4 =	vadd.s32 v1, v4;
	_ =	sdelay $0x1  }
0x35: {  	v3 =	vperm.xlane v3, v2;
	_ =	sdelay $0x1  }
0x36: {  	v3 =	vadd.s32 v1, v3  }
0x37: {  	[tilespmem:s22], [sflag:$0x5] =	stream.indirect_vreg.gather [hbm4b:s1+s3], $0x80, v4, vm0, $0xb8;
	[tilespmem:$0x18100] =	vst v63  }
0x38: {  	_ = 	snop  }
0x39: {  	[tilespmem:s23], [sflag:$0x5] =	stream.indirect_vreg.gather [hbm4b:s6+s3], $0x80, v4, vm0, $0xb8;
	[tilespmem:$0x18100] =	vst v63  }
0x3a: {  	_ = 	snop  }
0x3b: {  	[tilespmem:s24], [sflag:$0x5] =	stream.indirect_vreg.gather [hbm4b:s1+s3], $0x80, v3, vm0, $0xb8;
	[tilespmem:$0x18100] =	vst v63  }
0x3c: {  	_ = 	snop  }
0x3d: {  	[tilespmem:s25], [sflag:$0x5] =	stream.indirect_vreg.gather [hbm4b:s6+s3], $0x80, v3, vm0, $0xb8;
	[tilespmem:$0x18100] =	vst v63  }
0x3e: {  	s17 =	simm.s32 $0x8080  }
0x3f: {  	[tilespmem:s17], [sflag:$0x3] =	stream.linear.gather [hbm4b:s9+s3], $0x4000, $0x38;
	[tilespmem:$0x18100] =	vst v63  }
0x40: {  	v3 =	vld [tilespmem:$0x20];
	_ =	sdelay $0x4  }
0x41: {  	v4 =	vshll.u32 v3, $0x2  }
0x42: {  	v3 =	vand.u32 $0x7, v3;
	v4 =	vand.u32 $0xFFFFFFE0, v4  }
0x43: {  	v3 =	vor.u32 v3, v4  }
0x44: {  	v4 =	vperm.xlane v3, v0;
	_ =	sdelay $0x1  }
0x45: {  	v4 =	vadd.s32 v1, v4;
	_ =	sdelay $0x1  }
0x46: {  	v3 =	vperm.xlane v3, v2;
	_ =	sdelay $0x1  }
0x47: {  	s18 =	simm.s32 $0x14080;
	v3 =	vadd.s32 v1, v3  }
0x48: {  	[tilespmem:s18], [sflag:$0x6] =	stream.indirect_vreg.gather [hbm4b:s1+s3], $0x80, v4, vm0, $0xb8;
	[tilespmem:$0x18100] =	vst v63  }
0x49: {  	s14 =	simm.s32 $0x14880  }
0x4a: {  	[tilespmem:s14], [sflag:$0x6] =	stream.indirect_vreg.gather [hbm4b:s6+s3], $0x80, v4, vm0, $0xb8;
	[tilespmem:$0x18100] =	vst v63  }
0x4b: {  	s16 =	simm.s32 $0x15080  }
0x4c: {  	[tilespmem:s16], [sflag:$0x6] =	stream.indirect_vreg.gather [hbm4b:s1+s3], $0x80, v3, vm0, $0xb8;
	[tilespmem:$0x18100] =	vst v63  }
0x4d: {  	s17 =	simm.s32 $0x15880  }
0x4e: {  	[tilespmem:s17], [sflag:$0x6] =	stream.indirect_vreg.gather [hbm4b:s6+s3], $0x80, v3, vm0, $0xb8;
	[tilespmem:$0x18100] =	vst v63  }
0x4f: {  	v3 =	vld [tilespmem:$0x30];
	_ =	sdelay $0x4  }
0x50: {  	v4 =	vshll.u32 v3, $0x2  }
0x51: {  	v3 =	vand.u32 $0x7, v3;
	v4 =	vand.u32 $0xFFFFFFE0, v4  }
0x52: {  	v3 =	vor.u32 v3, v4  }
0x53: {  	v4 =	vperm.xlane v3, v0;
	_ =	sdelay $0x1  }
0x54: {  	v4 =	vadd.s32 v1, v4;
	_ =	sdelay $0x1  }
0x55: {  	v3 =	vperm.xlane v3, v2;
	_ =	sdelay $0x1  }
0x56: {  	s18 =	simm.s32 $0x16080;
	v3 =	vadd.s32 v1, v3  }
0x57: {  	[tilespmem:s18], [sflag:$0x6] =	stream.indirect_vreg.gather [hbm4b:s1+s3], $0x80, v4, vm0, $0xb8;
	[tilespmem:$0x18100] =	vst v63  }
0x58: {  	s14 =	simm.s32 $0x16880  }
0x59: {  	[tilespmem:s14], [sflag:$0x6] =	stream.indirect_vreg.gather [hbm4b:s6+s3], $0x80, v4, vm0, $0xb8;
	[tilespmem:$0x18100] =	vst v63  }
0x5a: {  	s16 =	simm.s32 $0x17080  }
0x5b: {  	[tilespmem:s16], [sflag:$0x6] =	stream.indirect_vreg.gather [hbm4b:s1+s3], $0x80, v3, vm0, $0xb8;
	[tilespmem:$0x18100] =	vst v63  }
0x5c: {  	s17 =	simm.s32 $0x17880  }
0x5d: {  	[tilespmem:s17], [sflag:$0x6] =	stream.indirect_vreg.gather [hbm4b:s6+s3], $0x80, v3, vm0, $0xb8;
	[tilespmem:$0x18100] =	vst v63  }
0x5e: {  	_ =	swait.ge [sflag:s28], $0x2000  }
0x5f: {  	[sflag:s28] =	ssyncset.done $0x0  }
0x60: {  	[sflag:s28] =	ssyncadd.s32 $0xFFFFE000  }
0x61: {  	_ =	swait.ge [sflag:s29], $0x2000  }
0x62: {  	s18 =	sand.u32 $0x1000, s3;
	s14 =	sand.u32 $0x380, s3;
	[sflag:s29] =	ssyncset.done $0x0  }
0x63: {  	s0 =	sor.u32 s14, s18;
	[sflag:s29] =	ssyncadd.s32 $0xFFFFE000  }
0x64: {  	v3 =	vld [tilespmem:s0+$0xCC0]  }
0x65: {  	v4 =	vld [tilespmem:s0+$0xCCC0]  }
0x66: {  	v5 =	vld [tilespmem:s0+$0xCD0]  }
0x67: {  	v6 =	vld [tilespmem:s0+$0xCCD0]  }
0x68: {  	v7 =	vld [tilespmem:s0+$0xCE0]  }
0x69: {  	v8 =	vld [tilespmem:s0+$0xCCE0]  }
0x6a: {  	v9 =	vld [tilespmem:s0+$0xCF0]  }
0x6b: {  	v10 =	vld [tilespmem:s0+$0xCCF0]  }
0x6c: {  	v11 =	vld [tilespmem:s0+$0xC80]  }
0x6d: {  	v12 =	vld [tilespmem:s0+$0xCC80]  }
0x6e: {  	v13 =	vld [tilespmem:s0+$0xC90]  }
0x6f: {  	v14 =	vld [tilespmem:s0+$0xCC90]  }
0x70: {  	v19 =	vld [tilespmem:s0+$0xCA0]  }
0x71: {  	v20 =	vld [tilespmem:s0+$0xCCA0]  }
0x72: {  	v22 =	vld [tilespmem:s0+$0xCB0]  }
0x73: {  	v23 =	vld [tilespmem:s0+$0xCCB0]  }
0x74: {  	v21 =	vld [tilespmem:s0+$0x8C0]  }
0x75: {  	v24 =	vld [tilespmem:s0+$0xC8C0]  }
0x76: {  	v26 =	vld [tilespmem:s0+$0x8D0]  }
0x77: {  	v27 =	vld [tilespmem:s0+$0xC8D0]  }
0x78: {  	v28 =	vld [tilespmem:s0+$0x8E0]  }
0x79: {  	v30 =	vld [tilespmem:s0+$0xC8E0]  }
0x7a: {  	v36 =	vld [tilespmem:s0+$0x8F0]  }
0x7b: {  	v37 =	vld [tilespmem:s0+$0xC8F0]  }
0x7c: {  	v38 =	vld [tilespmem:s0+$0x880]  }
0x7d: {  	v39 =	vld [tilespmem:s0+$0xC880]  }
0x7e: {  	v40 =	vld [tilespmem:s0+$0x890]  }
0x7f: {  	v41 =	vld [tilespmem:s0+$0xC890]  }
0x80: {  	v42 =	vld [tilespmem:s0+$0x8A0]  }
0x81: {  	v43 =	vld [tilespmem:s0+$0xC8A0]  }
0x82: {  	v44 =	vld [tilespmem:s0+$0x8B0]  }
0x83: {  	v45 =	vld [tilespmem:s0+$0xC8B0]  }
0x84: {  	v46 =	vld [tilespmem:s0+$0x4C0]  }
0x85: {  	v47 =	vld [tilespmem:s0+$0xC4C0]  }
0x86: {  	v48 =	vld [tilespmem:s0+$0x4D0]  }
0x87: {  	v49 =	vld [tilespmem:s0+$0xC4D0]  }
0x88: {  	v50 =	vld [tilespmem:s0+$0x4E0]  }
0x89: {  	v51 =	vld [tilespmem:s0+$0xC4E0]  }
0x8a: {  	v52 =	vld [tilespmem:s0+$0x4F0]  }
0x8b: {  	v53 =	vld [tilespmem:s0+$0xC4F0]  }
0x8c: {  	v54 =	vld [tilespmem:s0+$0x480]  }
0x8d: {  	v55 =	vld [tilespmem:s0+$0xC480]  }
0x8e: {  	v56 =	vld [tilespmem:s0+$0x490]  }
0x8f: {  	v57 =	vld [tilespmem:s0+$0xC490]  }
0x90: {  	v58 =	vld [tilespmem:s0+$0x4A0]  }
0x91: {  	v59 =	vld [tilespmem:s0+$0xC4A0]  }
0x92: {  	v31 =	vld [tilespmem:s0+$0x4B0]  }
0x93: {  	v33 =	vld [tilespmem:s0+$0xC4B0];
	v15 =	vsub.f32 v3, v4  }
0x94: {  	v29 =	vld [tilespmem:s0+$0xC0];
	v16 =	vsub.f32 v5, v6;
	v4 =	vsub.f32 v7, v8  }
0x95: {  	v34 =	vld [tilespmem:s0+$0xC0C0];
	v17 =	vsub.f32 v11, v12;
	v3 =	vsub.f32 v9, v10  }
0x96: {  	v32 =	vld [tilespmem:s0+$0xD0];
	v18 =	vsub.f32 v13, v14;
	v6 =	vsub.f32 v19, v20  }
0x97: {  	v35 =	vld [tilespmem:s0+$0xC0D0];
	v21 =	vsub.f32 v21, v24;
	v5 =	vsub.f32 v22, v23  }
0x98: {  	v25 =	vld [tilespmem:s0+$0xE0];
	v22 =	vsub.f32 v26, v27;
	v8 =	vsub.f32 v28, v30  }
0x99: {  	v26 =	vld [tilespmem:s0+$0xC0E0];
	v23 =	vsub.f32 v38, v39;
	v7 =	vsub.f32 v36, v37  }
0x9a: {  	v38 =	vld [tilespmem:s0+$0x80];
	v24 =	vsub.f32 v40, v41;
	v14 =	vsub.f32 v42, v43  }
0x9b: {  	v40 =	vld [tilespmem:s0+$0xC080];
	v28 =	vsub.f32 v46, v47;
	v13 =	vsub.f32 v44, v45  }
0x9c: {  	v39 =	vld [tilespmem:s0+$0x90];
	v30 =	vsub.f32 v48, v49;
	v20 =	vsub.f32 v50, v51  }
0x9d: {  	v41 =	vld [tilespmem:s0+$0xC090];
	v36 =	vsub.f32 v54, v55;
	v19 =	vsub.f32 v52, v53  }
0x9e: {  	v11 =	vimm.f32 $0.0e+00;
	v42 =	vld [tilespmem:s0+$0xA0];
	v37 =	vsub.f32 v56, v57;
	v27 =	vsub.f32 v58, v59  }
0x9f: {  	s14 =	simm.s32 $0x200;
	s16 =	simm.s32 $0x0;
	v43 =	vld [tilespmem:s0+$0xC0A0];
	v12 =	vimm.f32 $0.0e+00;
	v10 =	vimm.f32 $0.0e+00;
	v9 =	vimm.f32 $0.0e+00  }
.LBB2_2:
0xa0: {  	p0 =	sne.s32 s14, $0x1E00;
	v44 =	vld [tilespmem:s0+$0xB0];
	v31 =	vsub.f32 v31, v33;
	v33 =	vmul.f32 v15, v15;
	v45 =	vmul.f32 v16, v16  }
0xa1: {  	v29 =	vsub.f32 v29, v34;
	v34 =	vmul.f32 v17, v17;
	v47 =	vmul.f32 v18, v18;
	s16 =	sadd.s32 $0x80, s16;
	v46 =	vld [tilespmem:s0+$0xC0B0]  }
0xa2: {  	s17 =	sand.u32 $0x1000, s14;
	v18 =	vsub.f32 v32, v35;
	v35 =	vmul.f32 v21, v21;
	v48 =	vmul.f32 v22, v22;
	s18 =	sand.u32 $0x380, s16;
	v32 =	vld [tilespmem:s0+$0xF0]  }
0xa3: {  	v21 =	vsub.f32 v38, v40;
	v38 =	vmul.f32 v23, v23;
	v40 =	vmul.f32 v24, v24;
	v22 =	vld [tilespmem:s0+$0xC0F0];
	s0 =	sor.u32 s18, s17  }
0xa4: {  	v28 =	vmul.f32 v28, v28;
	v30 =	vmul.f32 v30, v30;
	v23 =	vsub.f32 v39, v41;
	v15 =	vld [tilespmem:s0+$0xCC0]  }
0xa5: {  	v36 =	vmul.f32 v36, v36;
	v37 =	vmul.f32 v37, v37;
	v24 =	vsub.f32 v42, v43;
	v16 =	vld [tilespmem:s0+$0xCCC0]  }
0xa6: {  	v29 =	vmul.f32 v29, v29;
	v41 =	vmul.f32 v18, v18;
	v17 =	vld [tilespmem:s0+$0xCD0];
	v39 =	vsub.f32 v44, v46  }
0xa7: {  	v25 =	vsub.f32 v25, v26;
	v42 =	vmul.f32 v21, v21;
	v23 =	vmul.f32 v23, v23;
	v18 =	vld [tilespmem:s0+$0xCCD0]  }
0xa8: {  	v24 =	vmul.f32 v24, v24;
	v21 =	vld [tilespmem:s0+$0xCE0];
	v26 =	vmul.f32 v39, v39;
	v32 =	vsub.f32 v32, v22  }
0xa9: {  	v25 =	vmul.f32 v25, v25;
	v11 =	vadd.f32 v42, v11;
	v12 =	vadd.f32 v23, v12;
	v22 =	vld [tilespmem:s0+$0xCCE0]  }
0xaa: {  	v10 =	vadd.f32 v24, v10;
	v23 =	vld [tilespmem:s0+$0xCF0];
	v9 =	vadd.f32 v26, v9;
	v26 =	vmul.f32 v32, v32  }
0xab: {  	v27 =	vmul.f32 v27, v27;
	v11 =	vadd.f32 v29, v11;
	v12 =	vadd.f32 v41, v12;
	v24 =	vld [tilespmem:s0+$0xCCF0]  }
0xac: {  	v10 =	vadd.f32 v25, v10;
	v25 =	vmul.f32 v31, v31;
	v39 =	vld [tilespmem:s0+$0xC80];
	v9 =	vadd.f32 v26, v9  }
0xad: {  	v20 =	vmul.f32 v20, v20;
	v11 =	vadd.f32 v36, v11;
	v12 =	vadd.f32 v37, v12;
	v26 =	vld [tilespmem:s0+$0xCC80]  }
0xae: {  	v19 =	vmul.f32 v19, v19;
	v10 =	vadd.f32 v27, v10;
	v36 =	vld [tilespmem:s0+$0xC90];
	v9 =	vadd.f32 v25, v9  }
0xaf: {  	v14 =	vmul.f32 v14, v14;
	v11 =	vadd.f32 v28, v11;
	v12 =	vadd.f32 v30, v12;
	v25 =	vld [tilespmem:s0+$0xCC90]  }
0xb0: {  	v13 =	vmul.f32 v13, v13;
	v10 =	vadd.f32 v20, v10;
	v27 =	vld [tilespmem:s0+$0xCA0];
	v9 =	vadd.f32 v19, v9  }
0xb1: {  	v8 =	vmul.f32 v8, v8;
	v11 =	vadd.f32 v38, v11;
	v12 =	vadd.f32 v40, v12;
	v19 =	vld [tilespmem:s0+$0xCCA0]  }
0xb2: {  	v7 =	vmul.f32 v7, v7;
	v10 =	vadd.f32 v14, v10;
	v20 =	vld [tilespmem:s0+$0xCB0];
	v9 =	vadd.f32 v13, v9  }
0xb3: {  	v6 =	vmul.f32 v6, v6;
	v11 =	vadd.f32 v35, v11;
	v12 =	vadd.f32 v48, v12;
	v13 =	vld [tilespmem:s0+$0xCCB0]  }
0xb4: {  	v5 =	vmul.f32 v5, v5;
	v8 =	vadd.f32 v8, v10;
	v14 =	vld [tilespmem:s0+$0x8C0];
	v7 =	vadd.f32 v7, v9  }
0xb5: {  	v4 =	vmul.f32 v4, v4;
	v10 =	vadd.f32 v47, v12;
	v9 =	vadd.f32 v34, v11;
	v28 =	vld [tilespmem:s0+$0xC8C0]  }
0xb6: {  	v3 =	vmul.f32 v3, v3;
	v6 =	vadd.f32 v6, v8;
	v30 =	vld [tilespmem:s0+$0x8D0];
	v5 =	vadd.f32 v5, v7  }
0xb7: {  	v12 =	vadd.f32 v45, v10;
	v11 =	vadd.f32 v33, v9;
	v7 =	vld [tilespmem:s0+$0xC8D0]  }
0xb8: {  	v10 =	vadd.f32 v4, v6;
	v8 =	vld [tilespmem:s0+$0x8E0];
	v9 =	vadd.f32 v3, v5  }
0xb9: {  	v37 =	vld [tilespmem:s0+$0xC8E0]  }
0xba: {  	v40 =	vld [tilespmem:s0+$0x8F0]  }
0xbb: {  	v41 =	vld [tilespmem:s0+$0xC8F0]  }
0xbc: {  	v42 =	vld [tilespmem:s0+$0x880]  }
0xbd: {  	v43 =	vld [tilespmem:s0+$0xC880]  }
0xbe: {  	v44 =	vld [tilespmem:s0+$0x890]  }
0xbf: {  	v45 =	vld [tilespmem:s0+$0xC890]  }
0xc0: {  	v46 =	vld [tilespmem:s0+$0x8A0]  }
0xc1: {  	v47 =	vld [tilespmem:s0+$0xC8A0]  }
0xc2: {  	v48 =	vld [tilespmem:s0+$0x8B0]  }
0xc3: {  	v49 =	vld [tilespmem:s0+$0xC8B0]  }
0xc4: {  	v50 =	vld [tilespmem:s0+$0x4C0]  }
0xc5: {  	v51 =	vld [tilespmem:s0+$0xC4C0]  }
0xc6: {  	v52 =	vld [tilespmem:s0+$0x4D0]  }
0xc7: {  	v53 =	vld [tilespmem:s0+$0xC4D0]  }
0xc8: {  	v54 =	vld [tilespmem:s0+$0x4E0]  }
0xc9: {  	v55 =	vld [tilespmem:s0+$0xC4E0]  }
0xca: {  	v56 =	vld [tilespmem:s0+$0x4F0]  }
0xcb: {  	v57 =	vld [tilespmem:s0+$0xC4F0]  }
0xcc: {  	v58 =	vld [tilespmem:s0+$0x480]  }
0xcd: {  	v59 =	vld [tilespmem:s0+$0xC480]  }
0xce: {  	v60 =	vld [tilespmem:s0+$0x490]  }
0xcf: {  	v61 =	vld [tilespmem:s0+$0xC490]  }
0xd0: {  	v62 =	vld [tilespmem:s0+$0x4A0]  }
0xd1: {  	v63 =	vld [tilespmem:s0+$0xC4A0]  }
0xd2: {  	v31 =	vld [tilespmem:s0+$0x4B0]  }
0xd3: {  	v33 =	vld [tilespmem:s0+$0xC4B0]  }
0xd4: {  	v15 =	vsub.f32 v15, v16;
	v29 =	vld [tilespmem:s0+$0xC0]  }
0xd5: {  	v16 =	vsub.f32 v17, v18;
	v4 =	vsub.f32 v21, v22;
	v34 =	vld [tilespmem:s0+$0xC0C0]  }
0xd6: {  	v17 =	vsub.f32 v39, v26;
	v3 =	vsub.f32 v23, v24;
	v32 =	vld [tilespmem:s0+$0xD0]  }
0xd7: {  	v18 =	vsub.f32 v36, v25;
	v6 =	vsub.f32 v27, v19;
	v35 =	vld [tilespmem:s0+$0xC0D0]  }
0xd8: {  	v5 =	vsub.f32 v20, v13;
	v21 =	vsub.f32 v14, v28;
	v25 =	vld [tilespmem:s0+$0xE0]  }
0xd9: {  	v22 =	vsub.f32 v30, v7;
	v8 =	vsub.f32 v8, v37;
	v26 =	vld [tilespmem:s0+$0xC0E0]  }
0xda: {  	v7 =	vsub.f32 v40, v41;
	v23 =	vsub.f32 v42, v43;
	v38 =	vld [tilespmem:s0+$0x80]  }
.Ltmp0:
0xdb: {  	v24 =	vsub.f32 v44, v45;
	v14 =	vsub.f32 v46, v47;
	v40 =	vld [tilespmem:s0+$0xC080];
	(pc) =	sbr.rel @p0 .LBB2_2-.Ltmp0, $4  }
0xdc: {  	v13 =	vsub.f32 v48, v49;
	v28 =	vsub.f32 v50, v51;
	v39 =	vld [tilespmem:s0+$0x90]  }
0xdd: {  	v30 =	vsub.f32 v52, v53;
	v20 =	vsub.f32 v54, v55;
	v41 =	vld [tilespmem:s0+$0xC090]  }
0xde: {  	v19 =	vsub.f32 v56, v57;
	v36 =	vsub.f32 v58, v59;
	v42 =	vld [tilespmem:s0+$0xA0]  }
0xdf: {  	s14 =	sadd.s32 $0x200, s14;
	v37 =	vsub.f32 v60, v61;
	v27 =	vsub.f32 v62, v63;
	v43 =	vld [tilespmem:s0+$0xC0A0]  }
0xe0: {  	v44 =	vld [tilespmem:s0+$0xB0]  }
0xe1: {  	v45 =	vld [tilespmem:s0+$0xC0B0]  }
0xe2: {  	v46 =	vld [tilespmem:s0+$0xF0]  }
0xe3: {  	v47 =	vld [tilespmem:s0+$0xC0F0];
	s0 =	simm.s32 $0x0;
	s14 =	simm.s32 $0x80  }
0xe4: {  	[tilespmem:s14], [sflag:$0x1] =	stream.linear.gather [hbm4b:s10+s0], $0x4000, $0x38;
	[tilespmem:$0x18100] =	vst v63  }
0xe5: {  	v48 =	vld [tilespmem:$0x40];
	_ =	sdelay $0x2  }
0xe6: {  	v0 =	vld [tilespmem:$0x1FFD0];
	_ =	sdelay $0x1  }
0xe7: {  	v1 =	vld [tilespmem:$0x1FFE0];
	v49 =	vshll.u32 v48, $0x2  }
0xe8: {  	v48 =	vand.u32 $0x7, v48;
	v49 =	vand.u32 $0xFFFFFFE0, v49  }
0xe9: {  	v2 =	vld [tilespmem:$0x1FFF0];
	v48 =	vor.u32 v48, v49  }
0xea: {  	v49 =	vperm.xlane v48, v0;
	_ =	sdelay $0x1  }
0xeb: {  	v49 =	vadd.s32 v1, v49;
	_ =	sdelay $0x1  }
0xec: {  	v48 =	vperm.xlane v48, v2;
	_ =	sdelay $0x1  }
0xed: {  	s17 =	simm.s32 $0xC080;
	v48 =	vadd.s32 v1, v48  }
0xee: {  	[tilespmem:s17], [sflag:$0x4] =	stream.indirect_vreg.gather [hbm4b:s1+s0], $0x80, v49, vm0, $0xb8;
	[tilespmem:$0x18100] =	vst v63  }
0xef: {  	s18 =	simm.s32 $0xC880  }
0xf0: {  	[tilespmem:s18], [sflag:$0x4] =	stream.indirect_vreg.gather [hbm4b:s6+s0], $0x80, v49, vm0, $0xb8;
	[tilespmem:$0x18100] =	vst v63  }
0xf1: {  	s16 =	simm.s32 $0xD080  }
0xf2: {  	[tilespmem:s16], [sflag:$0x4] =	stream.indirect_vreg.gather [hbm4b:s1+s0], $0x80, v48, vm0, $0xb8;
	[tilespmem:$0x18100] =	vst v63  }
0xf3: {  	_ = 	snop  }
0xf4: {  	[tilespmem:s19], [sflag:$0x4] =	stream.indirect_vreg.gather [hbm4b:s6+s0], $0x80, v48, vm0, $0xb8;
	[tilespmem:$0x18100] =	vst v63  }
0xf5: {  	v48 =	vld [tilespmem:$0x50];
	_ =	sdelay $0x4  }
0xf6: {  	v63 =	vshll.u32 v48, $0x2  }
0xf7: {  	v48 =	vand.u32 $0x7, v48;
	v49 =	vand.u32 $0xFFFFFFE0, v63  }
0xf8: {  	v48 =	vor.u32 v48, v49  }
0xf9: {  	v49 =	vperm.xlane v48, v0;
	_ =	sdelay $0x1  }
0xfa: {  	v49 =	vadd.s32 v1, v49;
	_ =	sdelay $0x1  }
0xfb: {  	v48 =	vperm.xlane v48, v2;
	_ =	sdelay $0x1  }
0xfc: {  	s17 =	simm.s32 $0xE080;
	v48 =	vadd.s32 v1, v48  }
0xfd: {  	[tilespmem:s17], [sflag:$0x4] =	stream.indirect_vreg.gather [hbm4b:s1+s0], $0x80, v49, vm0, $0xb8;
	[tilespmem:$0x18100] =	vst v63  }
0xfe: {  	s18 =	simm.s32 $0xE880  }
0xff: {  	[tilespmem:s18], [sflag:$0x4] =	stream.indirect_vreg.gather [hbm4b:s6+s0], $0x80, v49, vm0, $0xb8;
	[tilespmem:$0x18100] =	vst v63  }
0x100: {  	s16 =	simm.s32 $0xF080  }
0x101: {  	[tilespmem:s16], [sflag:$0x4] =	stream.indirect_vreg.gather [hbm4b:s1+s0], $0x80, v48, vm0, $0xb8;
	[tilespmem:$0x18100] =	vst v63  }
0x102: {  	s17 =	simm.s32 $0xF880  }
0x103: {  	[tilespmem:s17], [sflag:$0x4] =	stream.indirect_vreg.gather [hbm4b:s6+s0], $0x80, v48, vm0, $0xb8;
	[tilespmem:$0x18100] =	vst v63  }
0x104: {  	_ =	swait.ge [sflag:s20], $0x2000  }
0x105: {  	[sflag:s20] =	ssyncset.done $0x0  }
0x106: {  	[sflag:s20] =	ssyncadd.s32 $0xFFFFE000  }
0x107: {  	_ =	swait.ge [sflag:s26], $0x2000  }
0x108: {  	s18 =	sand.u32 $0x1000, s0;
	s16 =	sand.u32 $0x380, s0;
	[sflag:s26] =	ssyncset.done $0x0  }
0x109: {  	s14 =	sor.u32 s16, s18;
	[sflag:s26] =	ssyncadd.s32 $0xFFFFE000  }
0x10a: {  	v0 =	vld [tilespmem:s14+$0x4CC0]  }
0x10b: {  	v62 =	vld [tilespmem:s14+$0x4C80]  }
0x10c: {  	v60 =	vld [tilespmem:s14+$0x10C80]  }
0x10d: {  	v61 =	vld [tilespmem:s14+$0x10CA0]  }
0x10e: {  	v63 =	vld [tilespmem:s14+$0x10CB0]  }
0x10f: {  	v55 =	vld [tilespmem:s14+$0x48C0]  }
0x110: {  	v53 =	vld [tilespmem:s14+$0x108C0]  }
0x111: {  	v59 =	vld [tilespmem:s14+$0x48D0]  }
0x112: {  	v56 =	vld [tilespmem:s14+$0x108D0]  }
0x113: {  	v57 =	vld [tilespmem:s14+$0x48E0]  }
0x114: {  	[tilespmem:$0x1FF10] =	vst v0;
	v0 =	vld [tilespmem:s14+$0x10CC0]  }
0x115: {  	v45 =	vsub.f32 v44, v45;
	v54 =	vld [tilespmem:s14+$0x108E0]  }
0x116: {  	v32 =	vsub.f32 v32, v35;
	v35 =	vsub.f32 v42, v43;
	v58 =	vld [tilespmem:s14+$0x48F0]  }
0x117: {  	v25 =	vsub.f32 v25, v26;
	v26 =	vsub.f32 v46, v47;
	v47 =	vmul.f32 v45, v45;
	v52 =	vld [tilespmem:s14+$0x108F0]  }
0x118: {  	v40 =	vsub.f32 v38, v40;
	v35 =	vmul.f32 v35, v35;
	v51 =	vld [tilespmem:s14+$0x4880]  }
0x119: {  	v31 =	vsub.f32 v31, v33;
	v26 =	vmul.f32 v26, v26;
	v9 =	vadd.f32 v47, v9;
	[tilespmem:$0x1FF20] =	vst v0;
	v0 =	vld [tilespmem:s14+$0x4CD0]  }
0x11a: {  	v33 =	vmul.f32 v40, v40;
	v25 =	vmul.f32 v25, v25;
	v10 =	vadd.f32 v35, v10;
	v40 =	vld [tilespmem:s14+$0x10880]  }
0x11b: {  	v9 =	vadd.f32 v26, v9;
	v26 =	vmul.f32 v28, v28;
	v28 =	vmul.f32 v31, v31;
	v50 =	vld [tilespmem:s14+$0x4890]  }
0x11c: {  	v19 =	vmul.f32 v19, v19;
	v49 =	vld [tilespmem:s14+$0x10890]  }
0x11d: {  	v27 =	vmul.f32 v27, v27;
	v10 =	vadd.f32 v25, v10;
	v9 =	vadd.f32 v28, v9;
	v48 =	vld [tilespmem:s14+$0x48A0]  }
0x11e: {  	v29 =	vsub.f32 v29, v34;
	v20 =	vmul.f32 v20, v20;
	v34 =	vsub.f32 v39, v41;
	[tilespmem:$0x1FF30] =	vst v0;
	v0 =	vld [tilespmem:s14+$0x10CD0]  }
0x11f: {  	v13 =	vmul.f32 v13, v13;
	v10 =	vadd.f32 v27, v10;
	v9 =	vadd.f32 v19, v9;
	v39 =	vld [tilespmem:s14+$0x108A0]  }
0x120: {  	v14 =	vmul.f32 v14, v14;
	v34 =	vmul.f32 v34, v34;
	v46 =	vld [tilespmem:s14+$0x48B0]  }
0x121: {  	v7 =	vmul.f32 v7, v7;
	v10 =	vadd.f32 v20, v10;
	v9 =	vadd.f32 v13, v9;
	v45 =	vld [tilespmem:s14+$0x108B0]  }
0x122: {  	v8 =	vmul.f32 v8, v8;
	v32 =	vmul.f32 v32, v32;
	v12 =	vadd.f32 v34, v12;
	v44 =	vld [tilespmem:s14+$0x44C0]  }
0x123: {  	v5 =	vmul.f32 v5, v5;
	v10 =	vadd.f32 v14, v10;
	v7 =	vadd.f32 v7, v9;
	[tilespmem:$0x1FF40] =	vst v0;
	v0 =	vld [tilespmem:s14+$0x4CE0]  }
0x124: {  	v6 =	vmul.f32 v6, v6;
	v12 =	vadd.f32 v32, v12;
	v42 =	vld [tilespmem:s14+$0x104C0]  }
0x125: {  	v3 =	vmul.f32 v3, v3;
	v8 =	vadd.f32 v8, v10;
	v5 =	vadd.f32 v5, v7;
	v32 =	vld [tilespmem:s14+$0x44D0]  }
0x126: {  	v4 =	vmul.f32 v4, v4;
	v11 =	vadd.f32 v33, v11;
	v47 =	vld [tilespmem:s14+$0x104D0]  }
0x127: {  	v29 =	vmul.f32 v29, v29;
	v6 =	vadd.f32 v6, v8;
	v8 =	vadd.f32 v3, v5;
	v3 =	vld [tilespmem:$0x1FF10]  }
0x128: {  	[tilespmem:$0x1FF50] =	vst v0;
	v0 =	vld [tilespmem:s14+$0x10CE0]  }
0x129: {  	v11 =	vadd.f32 v29, v11;
	v29 =	vmul.f32 v36, v36;
	v7 =	vadd.f32 v4, v6;
	v4 =	vld [tilespmem:$0x1FF20]  }
0x12a: {  	v25 =	vmul.f32 v37, v37;
	v41 =	vld [tilespmem:s14+$0x44E0]  }
0x12b: {  	v11 =	vadd.f32 v29, v11;
	v20 =	vld [tilespmem:s14+$0x104E0]  }
0x12c: {  	v12 =	vadd.f32 v25, v12;
	v25 =	vmul.f32 v30, v30;
	v43 =	vld [tilespmem:s14+$0x44F0]  }
0x12d: {  	v23 =	vmul.f32 v23, v23;
	v24 =	vmul.f32 v24, v24;
	v11 =	vadd.f32 v26, v11;
	[tilespmem:$0x1FF60] =	vst v0;
	v0 =	vld [tilespmem:s14+$0x4CF0]  }
0x12e: {  	v12 =	vadd.f32 v25, v12;
	v10 =	vmul.f32 v15, v15;
	v15 =	vsub.f32 v3, v4;
	v3 =	vld [tilespmem:$0x1FF30]  }
0x12f: {  	v21 =	vmul.f32 v21, v21;
	v11 =	vadd.f32 v23, v11;
	v4 =	vld [tilespmem:$0x1FF40]  }
0x130: {  	v12 =	vadd.f32 v24, v12;
	v14 =	vmul.f32 v22, v22;
	v37 =	vld [tilespmem:s14+$0x104F0]  }
0x131: {  	v13 =	vmul.f32 v17, v17;
	v11 =	vadd.f32 v21, v11;
	v36 =	vld [tilespmem:s14+$0x4480]  }
0x132: {  	v12 =	vadd.f32 v14, v12;
	v14 =	vmul.f32 v18, v18;
	[tilespmem:$0x1FF70] =	vst v0;
	v0 =	vld [tilespmem:s14+$0x10CF0]  }
0x133: {  	v9 =	vadd.f32 v13, v11;
	v19 =	vld [tilespmem:s14+$0x10480]  }
0x134: {  	v11 =	vadd.f32 v14, v12;
	v12 =	vmul.f32 v16, v16;
	v16 =	vsub.f32 v3, v4;
	v3 =	vld [tilespmem:$0x1FF50]  }
0x135: {  	v4 =	vld [tilespmem:$0x1FF60]  }
0x136: {  	v27 =	vld [tilespmem:s14+$0x4490]  }
0x137: {  	[tilespmem:$0x1FF80] =	vst v0;
	v0 =	vld [tilespmem:s14+$0x4C90]  }
0x138: {  	v2 =	vld [tilespmem:s14+$0x10490]  }
0x139: {  	v1 =	vld [tilespmem:s14+$0x44A0]  }
0x13a: {  	v4 =	vsub.f32 v3, v4;
	v3 =	vld [tilespmem:$0x1FF70]  }
0x13b: {  	v5 =	vld [tilespmem:$0x1FF80]  }
0x13c: {  	[tilespmem:$0x1FF90] =	vst v0;
	v0 =	vld [tilespmem:s14+$0x10C90]  }
0x13d: {  	v28 =	vld [tilespmem:s14+$0x44B0]  }
0x13e: {  	v33 =	vld [tilespmem:s14+$0x104B0]  }
0x13f: {  	v29 =	vld [tilespmem:s14+$0x40C0]  }
0x140: {  	v3 =	vsub.f32 v3, v5;
	v5 =	vld [tilespmem:$0x1FF90]  }
0x141: {  	[tilespmem:$0x1FFA0] =	vst v0;
	v0 =	vld [tilespmem:s14+$0x4CA0]  }
0x142: {  	v6 =	vld [tilespmem:$0x1FFA0]  }
0x143: {  	v34 =	vld [tilespmem:s14+$0x100C0]  }
0x144: {  	v31 =	vld [tilespmem:s14+$0x40D0]  }
0x145: {  	v35 =	vld [tilespmem:s14+$0x100D0]  }
0x146: {  	[tilespmem:$0x1FFB0] =	vst v0;
	v0 =	vld [tilespmem:s14+$0x4CB0]  }
0x147: {  	v18 =	vsub.f32 v5, v6;
	v5 =	vld [tilespmem:$0x1FFB0]  }
0x148: {  	v10 =	vadd.f32 v10, v9;
	v9 =	vadd.f32 v12, v11;
	v24 =	vld [tilespmem:s14+$0x40E0]  }
0x149: {  	v26 =	vld [tilespmem:s14+$0x100E0];
	v17 =	vsub.f32 v62, v60;
	v21 =	vsub.f32 v55, v53  }
0x14a: {  	v38 =	vld [tilespmem:s14+$0x4080];
	v22 =	vsub.f32 v59, v56;
	v12 =	vsub.f32 v57, v54  }
0x14b: {  	v23 =	vsub.f32 v51, v40;
	v11 =	vsub.f32 v58, v52;
	[tilespmem:$0x1FFC0] =	vst v0;
	v0 =	vld [tilespmem:s14+$0x104A0]  }
0x14c: {  	v25 =	vsub.f32 v50, v49;
	v6 =	vsub.f32 v5, v61;
	v5 =	vld [tilespmem:$0x1FFC0]  }
0x14d: {  	v40 =	vld [tilespmem:s14+$0x10080];
	v14 =	vsub.f32 v48, v39;
	v30 =	vsub.f32 v44, v42  }
0x14e: {  	v39 =	vld [tilespmem:s14+$0x4090];
	v13 =	vsub.f32 v46, v45;
	v32 =	vsub.f32 v32, v47  }
0x14f: {  	v42 =	vld [tilespmem:s14+$0x10090];
	v20 =	vsub.f32 v41, v20;
	v36 =	vsub.f32 v36, v19  }
0x150: {  	v41 =	vld [tilespmem:s14+$0x40A0];
	v19 =	vsub.f32 v43, v37;
	v37 =	vsub.f32 v27, v2  }
0x151: {  	s16 =	simm.s32 $0x200;
	v43 =	vld [tilespmem:s14+$0x100A0];
	v27 =	vsub.f32 v1, v0;
	v5 =	vsub.f32 v5, v63  }
.LBB2_4:
0x152: {  	p0 =	sne.s32 s16, $0x1E00;
	v0 =	vld [tilespmem:s14+$0x40B0];
	v1 =	vsub.f32 v28, v33;
	v2 =	vmul.f32 v15, v15;
	v28 =	vmul.f32 v16, v16  }
0x153: {  	v29 =	vsub.f32 v29, v34;
	v34 =	vmul.f32 v17, v17;
	v44 =	vmul.f32 v18, v18;
	s0 =	sadd.s32 $0x80, s0;
	v33 =	vld [tilespmem:s14+$0x100B0]  }
0x154: {  	s17 =	sand.u32 $0x1000, s16;
	v18 =	vsub.f32 v31, v35;
	v35 =	vmul.f32 v21, v21;
	v45 =	vmul.f32 v22, v22;
	s18 =	sand.u32 $0x380, s0;
	v31 =	vld [tilespmem:s14+$0x40F0]  }
0x155: {  	v21 =	vsub.f32 v38, v40;
	v38 =	vmul.f32 v23, v23;
	v25 =	vmul.f32 v25, v25;
	v22 =	vld [tilespmem:s14+$0x100F0];
	s14 =	sor.u32 s18, s17  }
0x156: {  	v30 =	vmul.f32 v30, v30;
	v32 =	vmul.f32 v32, v32;
	v23 =	vsub.f32 v39, v42;
	v15 =	vld [tilespmem:s14+$0x4CC0]  }
0x157: {  	v36 =	vmul.f32 v36, v36;
	v37 =	vmul.f32 v37, v37;
	v39 =	vsub.f32 v41, v43;
	v16 =	vld [tilespmem:s14+$0x10CC0]  }
0x158: {  	v29 =	vmul.f32 v29, v29;
	v17 =	vld [tilespmem:s14+$0x4CD0];
	v0 =	vsub.f32 v0, v33;
	v33 =	vmul.f32 v18, v18  }
0x159: {  	v24 =	vsub.f32 v24, v26;
	v40 =	vmul.f32 v21, v21;
	v23 =	vmul.f32 v23, v23;
	v18 =	vld [tilespmem:s14+$0x10CD0]  }
0x15a: {  	v26 =	vmul.f32 v39, v39;
	v21 =	vld [tilespmem:s14+$0x4CE0];
	v0 =	vmul.f32 v0, v0;
	v31 =	vsub.f32 v31, v22  }
0x15b: {  	v10 =	vadd.f32 v40, v10;
	v9 =	vadd.f32 v23, v9;
	v39 =	vmul.f32 v24, v24;
	v22 =	vld [tilespmem:s14+$0x10CE0]  }
0x15c: {  	v7 =	vadd.f32 v26, v7;
	v23 =	vld [tilespmem:s14+$0x4CF0];
	v0 =	vadd.f32 v0, v8;
	v8 =	vmul.f32 v31, v31  }
0x15d: {  	v10 =	vadd.f32 v29, v10;
	v9 =	vadd.f32 v33, v9;
	v26 =	vmul.f32 v27, v27;
	v24 =	vld [tilespmem:s14+$0x10CF0]  }
0x15e: {  	v1 =	vmul.f32 v1, v1;
	v7 =	vadd.f32 v39, v7;
	v27 =	vld [tilespmem:s14+$0x4C80];
	v0 =	vadd.f32 v8, v0  }
0x15f: {  	v9 =	vadd.f32 v37, v9;
	v8 =	vadd.f32 v36, v10;
	v10 =	vmul.f32 v20, v20;
	v39 =	vld [tilespmem:s14+$0x10C80]  }
0x160: {  	v7 =	vadd.f32 v26, v7;
	v20 =	vld [tilespmem:s14+$0x4C90];
	v0 =	vadd.f32 v1, v0;
	v1 =	vmul.f32 v19, v19  }
0x161: {  	v14 =	vmul.f32 v14, v14;
	v9 =	vadd.f32 v32, v9;
	v8 =	vadd.f32 v30, v8;
	v19 =	vld [tilespmem:s14+$0x10C90]  }
0x162: {  	v7 =	vadd.f32 v10, v7;
	v26 =	vld [tilespmem:s14+$0x4CA0];
	v0 =	vadd.f32 v1, v0;
	v1 =	vmul.f32 v13, v13  }
0x163: {  	v9 =	vadd.f32 v25, v9;
	v10 =	vmul.f32 v12, v12;
	v8 =	vadd.f32 v38, v8;
	v13 =	vld [tilespmem:s14+$0x10CA0]  }
0x164: {  	v7 =	vadd.f32 v14, v7;
	v12 =	vld [tilespmem:s14+$0x4CB0];
	v0 =	vadd.f32 v1, v0;
	v1 =	vmul.f32 v11, v11  }
0x165: {  	v6 =	vmul.f32 v6, v6;
	v9 =	vadd.f32 v45, v9;
	v8 =	vadd.f32 v35, v8;
	v11 =	vld [tilespmem:s14+$0x10CB0]  }
0x166: {  	v7 =	vadd.f32 v10, v7;
	v14 =	vld [tilespmem:s14+$0x48C0];
	v0 =	vadd.f32 v1, v0;
	v1 =	vmul.f32 v5, v5  }
0x167: {  	v4 =	vmul.f32 v4, v4;
	v9 =	vadd.f32 v44, v9;
	v8 =	vadd.f32 v34, v8;
	v5 =	vld [tilespmem:s14+$0x108C0]  }
0x168: {  	v6 =	vadd.f32 v6, v7;
	v25 =	vld [tilespmem:s14+$0x48D0];
	v0 =	vadd.f32 v1, v0;
	v1 =	vmul.f32 v3, v3  }
0x169: {  	v9 =	vadd.f32 v28, v9;
	v10 =	vadd.f32 v2, v8;
	v30 =	vld [tilespmem:s14+$0x108D0]  }
0x16a: {  	v7 =	vadd.f32 v4, v6;
	v2 =	vld [tilespmem:s14+$0x48E0];
	v8 =	vadd.f32 v1, v0  }
0x16b: {  	v0 =	vld [tilespmem:s14+$0x108E0]  }
0x16c: {  	v1 =	vld [tilespmem:s14+$0x48F0]  }
0x16d: {  	v32 =	vld [tilespmem:s14+$0x108F0]  }
0x16e: {  	v36 =	vld [tilespmem:s14+$0x4880]  }
0x16f: {  	v37 =	vld [tilespmem:s14+$0x10880]  }
0x170: {  	v41 =	vld [tilespmem:s14+$0x4890]  }
0x171: {  	v42 =	vld [tilespmem:s14+$0x10890]  }
0x172: {  	v43 =	vld [tilespmem:s14+$0x48A0]  }
0x173: {  	v44 =	vld [tilespmem:s14+$0x108A0]  }
0x174: {  	v45 =	vld [tilespmem:s14+$0x48B0]  }
0x175: {  	v46 =	vld [tilespmem:s14+$0x108B0]  }
0x176: {  	v47 =	vld [tilespmem:s14+$0x44C0]  }
0x177: {  	v48 =	vld [tilespmem:s14+$0x104C0]  }
0x178: {  	v49 =	vld [tilespmem:s14+$0x44D0]  }
0x179: {  	v50 =	vld [tilespmem:s14+$0x104D0]  }
0x17a: {  	v51 =	vld [tilespmem:s14+$0x44E0]  }
0x17b: {  	v52 =	vld [tilespmem:s14+$0x104E0]  }
0x17c: {  	v53 =	vld [tilespmem:s14+$0x44F0]  }
0x17d: {  	v54 =	vld [tilespmem:s14+$0x104F0]  }
0x17e: {  	v55 =	vld [tilespmem:s14+$0x4480]  }
0x17f: {  	v56 =	vld [tilespmem:s14+$0x10480]  }
0x180: {  	v57 =	vld [tilespmem:s14+$0x4490]  }
0x181: {  	v58 =	vld [tilespmem:s14+$0x10490]  }
0x182: {  	v59 =	vld [tilespmem:s14+$0x44A0]  }
0x183: {  	v60 =	vld [tilespmem:s14+$0x104A0]  }
0x184: {  	v28 =	vld [tilespmem:s14+$0x44B0]  }
0x185: {  	v33 =	vld [tilespmem:s14+$0x104B0]  }
0x186: {  	v15 =	vsub.f32 v15, v16;
	v29 =	vld [tilespmem:s14+$0x40C0]  }
0x187: {  	v16 =	vsub.f32 v17, v18;
	v4 =	vsub.f32 v21, v22;
	v34 =	vld [tilespmem:s14+$0x100C0]  }
0x188: {  	v17 =	vsub.f32 v27, v39;
	v3 =	vsub.f32 v23, v24;
	v31 =	vld [tilespmem:s14+$0x40D0]  }
0x189: {  	v18 =	vsub.f32 v20, v19;
	v6 =	vsub.f32 v26, v13;
	v35 =	vld [tilespmem:s14+$0x100D0]  }
0x18a: {  	v21 =	vsub.f32 v14, v5;
	v5 =	vsub.f32 v12, v11;
	v24 =	vld [tilespmem:s14+$0x40E0]  }
0x18b: {  	v22 =	vsub.f32 v25, v30;
	v12 =	vsub.f32 v2, v0;
	v26 =	vld [tilespmem:s14+$0x100E0]  }
0x18c: {  	v11 =	vsub.f32 v1, v32;
	v23 =	vsub.f32 v36, v37;
	v38 =	vld [tilespmem:s14+$0x4080]  }
.Ltmp1:
0x18d: {  	v25 =	vsub.f32 v41, v42;
	v14 =	vsub.f32 v43, v44;
	v40 =	vld [tilespmem:s14+$0x10080];
	(pc) =	sbr.rel @p0 .LBB2_4-.Ltmp1, $4  }
0x18e: {  	v13 =	vsub.f32 v45, v46;
	v30 =	vsub.f32 v47, v48;
	v39 =	vld [tilespmem:s14+$0x4090]  }
0x18f: {  	v32 =	vsub.f32 v49, v50;
	v20 =	vsub.f32 v51, v52;
	v42 =	vld [tilespmem:s14+$0x10090]  }
0x190: {  	v19 =	vsub.f32 v53, v54;
	v36 =	vsub.f32 v55, v56;
	v41 =	vld [tilespmem:s14+$0x40A0]  }
0x191: {  	s16 =	sadd.s32 $0x200, s16;
	v37 =	vsub.f32 v57, v58;
	v27 =	vsub.f32 v59, v60;
	v43 =	vld [tilespmem:s14+$0x100A0]  }
0x192: {  	v0 =	vld [tilespmem:s14+$0x40B0]  }
0x193: {  	v1 =	vld [tilespmem:s14+$0x100B0]  }
0x194: {  	v2 =	vld [tilespmem:s14+$0x40F0];
	s0 =	simm.s32 $0x0  }
0x195: {  	v44 =	vld [tilespmem:s14+$0x100F0];
	[tilespmem:s21], [sflag:$0x2] =	stream.linear.gather [hbm4b:s11+s0], $0x4000, $0x38  }
0x196: {  	v45 =	vld [tilespmem:$0x60];
	_ =	sdelay $0x2  }
0x197: {  	v47 =	vld [tilespmem:$0x1FFD0];
	_ =	sdelay $0x1  }
0x198: {  	v48 =	vld [tilespmem:$0x1FFE0];
	v46 =	vshll.u32 v45, $0x2  }
0x199: {  	v45 =	vand.u32 $0x7, v45;
	v46 =	vand.u32 $0xFFFFFFE0, v46  }
0x19a: {  	v49 =	vld [tilespmem:$0x1FFF0];
	v45 =	vor.u32 v45, v46  }
0x19b: {  	v46 =	vperm.xlane v45, v47;
	_ =	sdelay $0x1  }
0x19c: {  	v46 =	vadd.s32 v48, v46;
	_ =	sdelay $0x1  }
0x19d: {  	v45 =	vperm.xlane v45, v49;
	_ =	sdelay $0x1  }
0x19e: {  	v45 =	vadd.s32 v48, v45  }
0x19f: {  	[tilespmem:s22], [sflag:$0x5] =	stream.indirect_vreg.gather [hbm4b:s1+s0], $0x80, v46, vm0, $0xb8;
	[tilespmem:$0x18100] =	vst v63  }
0x1a0: {  	_ = 	snop  }
0x1a1: {  	[tilespmem:s23], [sflag:$0x5] =	stream.indirect_vreg.gather [hbm4b:s6+s0], $0x80, v46, vm0, $0xb8;
	[tilespmem:$0x18100] =	vst v63  }
0x1a2: {  	_ = 	snop  }
0x1a3: {  	[tilespmem:s24], [sflag:$0x5] =	stream.indirect_vreg.gather [hbm4b:s1+s0], $0x80, v45, vm0, $0xb8;
	[tilespmem:$0x18100] =	vst v63  }
0x1a4: {  	_ = 	snop  }
0x1a5: {  	[tilespmem:s25], [sflag:$0x5] =	stream.indirect_vreg.gather [hbm4b:s6+s0], $0x80, v45, vm0, $0xb8;
	[tilespmem:$0x18100] =	vst v63  }
0x1a6: {  	v45 =	vld [tilespmem:$0x70];
	_ =	sdelay $0x4  }
0x1a7: {  	v50 =	vshll.u32 v45, $0x2  }
0x1a8: {  	v45 =	vand.u32 $0x7, v45;
	v46 =	vand.u32 $0xFFFFFFE0, v50  }
0x1a9: {  	v45 =	vor.u32 v45, v46  }
0x1aa: {  	v46 =	vperm.xlane v45, v47;
	_ =	sdelay $0x1  }
0x1ab: {  	v46 =	vadd.s32 v48, v46;
	_ =	sdelay $0x1  }
0x1ac: {  	v45 =	vperm.xlane v45, v49;
	_ =	sdelay $0x1  }
0x1ad: {  	s17 =	simm.s32 $0x12080;
	v45 =	vadd.s32 v48, v45  }
0x1ae: {  	[tilespmem:s17], [sflag:$0x5] =	stream.indirect_vreg.gather [hbm4b:s1+s0], $0x80, v46, vm0, $0xb8;
	[tilespmem:$0x18100] =	vst v63  }
0x1af: {  	s18 =	simm.s32 $0x12880  }
0x1b0: {  	[tilespmem:s18], [sflag:$0x5] =	stream.indirect_vreg.gather [hbm4b:s6+s0], $0x80, v46, vm0, $0xb8;
	[tilespmem:$0x18100] =	vst v63  }
0x1b1: {  	s16 =	simm.s32 $0x13080  }
0x1b2: {  	[tilespmem:s16], [sflag:$0x5] =	stream.indirect_vreg.gather [hbm4b:s1+s0], $0x80, v45, vm0, $0xb8;
	[tilespmem:$0x18100] =	vst v63  }
0x1b3: {  	s17 =	simm.s32 $0x13880  }
0x1b4: {  	[tilespmem:s17], [sflag:$0x5] =	stream.indirect_vreg.gather [hbm4b:s6+s0], $0x80, v45, vm0, $0xb8;
	[tilespmem:$0x18100] =	vst v63  }
0x1b5: {  	_ =	swait.ge [sflag:s30], $0x4000  }
0x1b6: {  	[sflag:s30] =	ssyncset.done $0x0  }
0x1b7: {  	[sflag:s30] =	ssyncadd.s32 $0xFFFFC000  }
0x1b8: {  	_ =	swait.ge [sflag:s31], $0x4000  }
0x1b9: {  	s18 =	sand.u32 $0x3000, s0;
	s16 =	sand.u32 $0x380, s0;
	[sflag:s31] =	ssyncset.done $0x0  }
0x1ba: {  	s14 =	sor.u32 s16, s18;
	[sflag:s31] =	ssyncadd.s32 $0xFFFFC000  }
0x1bb: {  	v51 =	vld [tilespmem:s14+$0x8CC0]  }
0x1bc: {  	v52 =	vld [tilespmem:s14+$0x14CC0]  }
0x1bd: {  	v53 =	vld [tilespmem:s14+$0x8CD0]  }
0x1be: {  	v54 =	vld [tilespmem:s14+$0x14CD0]  }
0x1bf: {  	v55 =	vld [tilespmem:s14+$0x8CE0]  }
0x1c0: {  	v28 =	vsub.f32 v28, v33;
	v56 =	vld [tilespmem:s14+$0x14CE0]  }
0x1c1: {  	v29 =	vsub.f32 v29, v34;
	v0 =	vsub.f32 v0, v1;
	v57 =	vld [tilespmem:s14+$0x8CF0]  }
0x1c2: {  	v31 =	vsub.f32 v31, v35;
	v47 =	vsub.f32 v41, v43;
	v58 =	vld [tilespmem:s14+$0x14CF0]  }
0x1c3: {  	v2 =	vsub.f32 v2, v44;
	v0 =	vmul.f32 v0, v0;
	v46 =	vsub.f32 v39, v42;
	v59 =	vld [tilespmem:s14+$0x8C80]  }
0x1c4: {  	v24 =	vsub.f32 v24, v26;
	v26 =	vmul.f32 v47, v47;
	v45 =	vsub.f32 v38, v40;
	v60 =	vld [tilespmem:s14+$0x8C90]  }
0x1c5: {  	v2 =	vmul.f32 v2, v2;
	v0 =	vadd.f32 v0, v8;
	v1 =	vmul.f32 v46, v46;
	v61 =	vld [tilespmem:s14+$0x14C90]  }
0x1c6: {  	v24 =	vmul.f32 v24, v24;
	v7 =	vadd.f32 v26, v7;
	v33 =	vmul.f32 v45, v45;
	v62 =	vld [tilespmem:s14+$0x8CA0]  }
0x1c7: {  	v0 =	vadd.f32 v2, v0;
	v1 =	vadd.f32 v1, v9;
	v9 =	vmul.f32 v31, v31;
	v63 =	vld [tilespmem:s14+$0x8CB0]  }
0x1c8: {  	v29 =	vmul.f32 v29, v29;
	v7 =	vadd.f32 v24, v7;
	v10 =	vadd.f32 v33, v10;
	v40 =	vld [tilespmem:s14+$0x14880]  }
0x1c9: {  	v24 =	vmul.f32 v27, v27;
	v27 =	vmul.f32 v28, v28;
	v1 =	vadd.f32 v9, v1;
	v50 =	vld [tilespmem:s14+$0x14890]  }
0x1ca: {  	v9 =	vmul.f32 v36, v36;
	v8 =	vadd.f32 v29, v10;
	v10 =	vmul.f32 v37, v37;
	v49 =	vld [tilespmem:s14+$0x88A0]  }
0x1cb: {  	v19 =	vmul.f32 v19, v19;
	v26 =	vmul.f32 v30, v30;
	v0 =	vadd.f32 v27, v0;
	v39 =	vld [tilespmem:s14+$0x148A0]  }
0x1cc: {  	v48 =	vld [tilespmem:s14+$0x88B0];
	v8 =	vadd.f32 v9, v8;
	v1 =	vadd.f32 v10, v1;
	v9 =	vmul.f32 v32, v32  }
0x1cd: {  	v7 =	vadd.f32 v24, v7;
	v0 =	vadd.f32 v19, v0;
	v47 =	vld [tilespmem:s14+$0x148B0];
	v10 =	vmul.f32 v20, v20  }
0x1ce: {  	v23 =	vmul.f32 v23, v23;
	v42 =	vld [tilespmem:s14+$0x84C0];
	v8 =	vadd.f32 v26, v8;
	v1 =	vadd.f32 v9, v1  }
0x1cf: {  	v30 =	vld [tilespmem:s14+$0x144C0];
	v9 =	vmul.f32 v25, v25;
	v7 =	vadd.f32 v10, v7;
	v10 =	vmul.f32 v13, v13  }
0x1d0: {  	v11 =	vmul.f32 v11, v11;
	v46 =	vld [tilespmem:s14+$0x84D0];
	v8 =	vadd.f32 v23, v8  }
0x1d1: {  	v41 =	vld [tilespmem:s14+$0x84E0];
	v1 =	vadd.f32 v9, v1;
	v9 =	vmul.f32 v21, v21;
	v0 =	vadd.f32 v10, v0  }
0x1d2: {  	v5 =	vmul.f32 v5, v5;
	v45 =	vld [tilespmem:s14+$0x84F0];
	v13 =	vmul.f32 v22, v22  }
0x1d3: {  	v43 =	vld [tilespmem:s14+$0x144F0];
	v10 =	vmul.f32 v17, v17;
	v8 =	vadd.f32 v9, v8;
	v0 =	vadd.f32 v11, v0  }
0x1d4: {  	v3 =	vmul.f32 v3, v3;
	v36 =	vld [tilespmem:s14+$0x8480];
	v1 =	vadd.f32 v13, v1;
	v9 =	vmul.f32 v18, v18  }
0x1d5: {  	v19 =	vld [tilespmem:s14+$0x14480];
	v8 =	vadd.f32 v10, v8;
	v10 =	vmul.f32 v15, v15;
	v0 =	vadd.f32 v5, v0  }
0x1d6: {  	v44 =	vld [tilespmem:s14+$0x8490];
	[tilespmem:$0x1FE40] =	vst v51;
	v1 =	vadd.f32 v9, v1;
	v9 =	vmul.f32 v16, v16  }
0x1d7: {  	[tilespmem:$0x1FE50] =	vst v52;
	v10 =	vadd.f32 v10, v8;
	v8 =	vadd.f32 v3, v0;
	v0 =	vld [tilespmem:$0x1FE40]  }
0x1d8: {  	v9 =	vadd.f32 v9, v1;
	v1 =	vld [tilespmem:$0x1FE50]  }
0x1d9: {  	v37 =	vld [tilespmem:s14+$0x14490]  }
0x1da: {  	v27 =	vld [tilespmem:s14+$0x84A0]  }
0x1db: {  	v2 =	vld [tilespmem:s14+$0x144A0]  }
0x1dc: {  	v28 =	vld [tilespmem:s14+$0x84B0];
	[tilespmem:$0x1FE60] =	vst v53  }
0x1dd: {  	[tilespmem:$0x1FE70] =	vst v54;
	v15 =	vsub.f32 v0, v1;
	v0 =	vld [tilespmem:$0x1FE60]  }
0x1de: {  	v1 =	vld [tilespmem:$0x1FE70]  }
0x1df: {  	v33 =	vld [tilespmem:s14+$0x144B0]  }
0x1e0: {  	v29 =	vld [tilespmem:s14+$0x80C0]  }
0x1e1: {  	v14 =	vmul.f32 v14, v14;
	v34 =	vld [tilespmem:s14+$0x140C0]  }
0x1e2: {  	v31 =	vld [tilespmem:s14+$0x80D0];
	[tilespmem:$0x1FE80] =	vst v55  }
0x1e3: {  	v12 =	vmul.f32 v12, v12;
	[tilespmem:$0x1FE90] =	vst v56;
	v7 =	vadd.f32 v14, v7;
	v16 =	vsub.f32 v0, v1;
	v0 =	vld [tilespmem:$0x1FE80]  }
0x1e4: {  	v1 =	vld [tilespmem:$0x1FE90]  }
0x1e5: {  	v6 =	vmul.f32 v6, v6;
	v35 =	vld [tilespmem:s14+$0x140D0];
	v7 =	vadd.f32 v12, v7  }
0x1e6: {  	v24 =	vld [tilespmem:s14+$0x80E0]  }
0x1e7: {  	v4 =	vmul.f32 v4, v4;
	v38 =	vld [tilespmem:s14+$0x8080];
	v6 =	vadd.f32 v6, v7  }
0x1e8: {  	[tilespmem:$0x1FEA0] =	vst v59;
	v59 =	vld [tilespmem:s14+$0x14C80]  }
0x1e9: {  	v7 =	vadd.f32 v4, v6;
	v4 =	vsub.f32 v0, v1;
	v0 =	vld [tilespmem:$0x1FEA0]  }
0x1ea: {  	v32 =	vld [tilespmem:s14+$0x144D0]  }
0x1eb: {  	v20 =	vld [tilespmem:s14+$0x144E0]  }
0x1ec: {  	v26 =	vld [tilespmem:s14+$0x140E0];
	[tilespmem:$0x1FEC0] =	vst v58  }
0x1ed: {  	[tilespmem:$0x1FEB0] =	vst v57;
	v1 =	vld [tilespmem:$0x1FEC0]  }
0x1ee: {  	v17 =	vsub.f32 v0, v59;
	v0 =	vld [tilespmem:$0x1FEB0]  }
0x1ef: {  	v58 =	vld [tilespmem:s14+$0x14CA0]  }
0x1f0: {  	[tilespmem:$0x1FED0] =	vst v60;
	v60 =	vld [tilespmem:s14+$0x14CB0]  }
0x1f1: {  	[tilespmem:$0x1FEE0] =	vst v61;
	v61 =	vld [tilespmem:s14+$0x88C0]  }
0x1f2: {  	[tilespmem:$0x1FEF0] =	vst v62;
	v62 =	vld [tilespmem:s14+$0x148C0]  }
0x1f3: {  	v3 =	vsub.f32 v0, v1;
	v0 =	vld [tilespmem:$0x1FED0]  }
0x1f4: {  	v1 =	vld [tilespmem:$0x1FEE0]  }
0x1f5: {  	[tilespmem:$0x1FF00] =	vst v63;
	v63 =	vld [tilespmem:s14+$0x88D0]  }
0x1f6: {  	v55 =	vld [tilespmem:s14+$0x148D0]  }
0x1f7: {  	v56 =	vld [tilespmem:s14+$0x88E0]  }
0x1f8: {  	v54 =	vld [tilespmem:s14+$0x148E0]  }
0x1f9: {  	v18 =	vsub.f32 v0, v1;
	v0 =	vld [tilespmem:$0x1FEF0]  }
0x1fa: {  	v57 =	vld [tilespmem:s14+$0x88F0]  }
0x1fb: {  	v53 =	vld [tilespmem:s14+$0x148F0];
	v14 =	vsub.f32 v49, v39  }
0x1fc: {  	v52 =	vld [tilespmem:s14+$0x8880];
	v30 =	vsub.f32 v42, v30;
	v36 =	vsub.f32 v36, v19  }
0x1fd: {  	v51 =	vld [tilespmem:s14+$0x8890];
	v19 =	vsub.f32 v45, v43;
	v37 =	vsub.f32 v44, v37  }
0x1fe: {  	v27 =	vsub.f32 v27, v2;
	v6 =	vsub.f32 v0, v58;
	v0 =	vld [tilespmem:$0x1FF00]  }
0x1ff: {  	v39 =	vld [tilespmem:s14+$0x8090];
	v32 =	vsub.f32 v46, v32;
	v20 =	vsub.f32 v41, v20  }
0x200: {  	v42 =	vld [tilespmem:s14+$0x14090];
	v13 =	vsub.f32 v48, v47;
	v21 =	vsub.f32 v61, v62  }
0x201: {  	v43 =	vld [tilespmem:s14+$0x140A0];
	v22 =	vsub.f32 v63, v55;
	v12 =	vsub.f32 v56, v54  }
0x202: {  	v23 =	vsub.f32 v52, v40;
	v11 =	vsub.f32 v57, v53;
	v40 =	vld [tilespmem:s14+$0x14080]  }
0x203: {  	s16 =	simm.s32 $0x200;
	v41 =	vld [tilespmem:s14+$0x80A0];
	v25 =	vsub.f32 v51, v50;
	v5 =	vsub.f32 v0, v60  }
.LBB2_6:
0x204: {  	p0 =	sne.s32 s16, $0x3E00;
	v0 =	vld [tilespmem:s14+$0x80B0];
	v1 =	vsub.f32 v28, v33;
	v2 =	vmul.f32 v15, v15;
	v28 =	vmul.f32 v16, v16  }
0x205: {  	v29 =	vsub.f32 v29, v34;
	v34 =	vmul.f32 v17, v17;
	v44 =	vmul.f32 v18, v18;
	s0 =	sadd.s32 $0x80, s0;
	v33 =	vld [tilespmem:s14+$0x140B0]  }
0x206: {  	s17 =	sand.u32 $0x3000, s16;
	v18 =	vsub.f32 v31, v35;
	v35 =	vmul.f32 v21, v21;
	v45 =	vmul.f32 v22, v22;
	s18 =	sand.u32 $0x380, s0;
	v31 =	vld [tilespmem:s14+$0x80F0]  }
0x207: {  	v21 =	vsub.f32 v38, v40;
	v38 =	vmul.f32 v23, v23;
	v25 =	vmul.f32 v25, v25;
	v22 =	vld [tilespmem:s14+$0x140F0];
	s14 =	sor.u32 s18, s17  }
0x208: {  	v30 =	vmul.f32 v30, v30;
	v32 =	vmul.f32 v32, v32;
	v23 =	vsub.f32 v39, v42;
	v15 =	vld [tilespmem:s14+$0x8CC0]  }
0x209: {  	v36 =	vmul.f32 v36, v36;
	v37 =	vmul.f32 v37, v37;
	v39 =	vsub.f32 v41, v43;
	v16 =	vld [tilespmem:s14+$0x14CC0]  }
0x20a: {  	v29 =	vmul.f32 v29, v29;
	v17 =	vld [tilespmem:s14+$0x8CD0];
	v0 =	vsub.f32 v0, v33;
	v33 =	vmul.f32 v18, v18  }
0x20b: {  	v24 =	vsub.f32 v24, v26;
	v40 =	vmul.f32 v21, v21;
	v23 =	vmul.f32 v23, v23;
	v18 =	vld [tilespmem:s14+$0x14CD0]  }
0x20c: {  	v26 =	vmul.f32 v39, v39;
	v21 =	vld [tilespmem:s14+$0x8CE0];
	v0 =	vmul.f32 v0, v0;
	v31 =	vsub.f32 v31, v22  }
0x20d: {  	v10 =	vadd.f32 v40, v10;
	v9 =	vadd.f32 v23, v9;
	v39 =	vmul.f32 v24, v24;
	v22 =	vld [tilespmem:s14+$0x14CE0]  }
0x20e: {  	v7 =	vadd.f32 v26, v7;
	v23 =	vld [tilespmem:s14+$0x8CF0];
	v0 =	vadd.f32 v0, v8;
	v8 =	vmul.f32 v31, v31  }
0x20f: {  	v10 =	vadd.f32 v29, v10;
	v9 =	vadd.f32 v33, v9;
	v26 =	vmul.f32 v27, v27;
	v24 =	vld [tilespmem:s14+$0x14CF0]  }
0x210: {  	v1 =	vmul.f32 v1, v1;
	v7 =	vadd.f32 v39, v7;
	v27 =	vld [tilespmem:s14+$0x8C80];
	v0 =	vadd.f32 v8, v0  }
0x211: {  	v9 =	vadd.f32 v37, v9;
	v8 =	vadd.f32 v36, v10;
	v10 =	vmul.f32 v20, v20;
	v39 =	vld [tilespmem:s14+$0x14C80]  }
0x212: {  	v7 =	vadd.f32 v26, v7;
	v20 =	vld [tilespmem:s14+$0x8C90];
	v0 =	vadd.f32 v1, v0;
	v1 =	vmul.f32 v19, v19  }
0x213: {  	v14 =	vmul.f32 v14, v14;
	v9 =	vadd.f32 v32, v9;
	v8 =	vadd.f32 v30, v8;
	v19 =	vld [tilespmem:s14+$0x14C90]  }
0x214: {  	v7 =	vadd.f32 v10, v7;
	v26 =	vld [tilespmem:s14+$0x8CA0];
	v0 =	vadd.f32 v1, v0;
	v1 =	vmul.f32 v13, v13  }
0x215: {  	v9 =	vadd.f32 v25, v9;
	v10 =	vmul.f32 v12, v12;
	v8 =	vadd.f32 v38, v8;
	v13 =	vld [tilespmem:s14+$0x14CA0]  }
0x216: {  	v7 =	vadd.f32 v14, v7;
	v12 =	vld [tilespmem:s14+$0x8CB0];
	v0 =	vadd.f32 v1, v0;
	v1 =	vmul.f32 v11, v11  }
0x217: {  	v6 =	vmul.f32 v6, v6;
	v9 =	vadd.f32 v45, v9;
	v8 =	vadd.f32 v35, v8;
	v11 =	vld [tilespmem:s14+$0x14CB0]  }
0x218: {  	v7 =	vadd.f32 v10, v7;
	v14 =	vld [tilespmem:s14+$0x88C0];
	v0 =	vadd.f32 v1, v0;
	v1 =	vmul.f32 v5, v5  }
0x219: {  	v4 =	vmul.f32 v4, v4;
	v9 =	vadd.f32 v44, v9;
	v8 =	vadd.f32 v34, v8;
	v5 =	vld [tilespmem:s14+$0x148C0]  }
0x21a: {  	v6 =	vadd.f32 v6, v7;
	v25 =	vld [tilespmem:s14+$0x88D0];
	v0 =	vadd.f32 v1, v0;
	v1 =	vmul.f32 v3, v3  }
0x21b: {  	v9 =	vadd.f32 v28, v9;
	v10 =	vadd.f32 v2, v8;
	v30 =	vld [tilespmem:s14+$0x148D0]  }
0x21c: {  	v7 =	vadd.f32 v4, v6;
	v2 =	vld [tilespmem:s14+$0x88E0];
	v8 =	vadd.f32 v1, v0  }
0x21d: {  	v0 =	vld [tilespmem:s14+$0x148E0]  }
0x21e: {  	v1 =	vld [tilespmem:s14+$0x88F0]  }
0x21f: {  	v32 =	vld [tilespmem:s14+$0x148F0]  }
0x220: {  	v36 =	vld [tilespmem:s14+$0x8880]  }
0x221: {  	v37 =	vld [tilespmem:s14+$0x14880]  }
0x222: {  	v41 =	vld [tilespmem:s14+$0x8890]  }
0x223: {  	v42 =	vld [tilespmem:s14+$0x14890]  }
0x224: {  	v43 =	vld [tilespmem:s14+$0x88A0]  }
0x225: {  	v44 =	vld [tilespmem:s14+$0x148A0]  }
0x226: {  	v45 =	vld [tilespmem:s14+$0x88B0]  }
0x227: {  	v46 =	vld [tilespmem:s14+$0x148B0]  }
0x228: {  	v47 =	vld [tilespmem:s14+$0x84C0]  }
0x229: {  	v48 =	vld [tilespmem:s14+$0x144C0]  }
0x22a: {  	v49 =	vld [tilespmem:s14+$0x84D0]  }
0x22b: {  	v50 =	vld [tilespmem:s14+$0x144D0]  }
0x22c: {  	v51 =	vld [tilespmem:s14+$0x84E0]  }
0x22d: {  	v52 =	vld [tilespmem:s14+$0x144E0]  }
0x22e: {  	v53 =	vld [tilespmem:s14+$0x84F0]  }
0x22f: {  	v54 =	vld [tilespmem:s14+$0x144F0]  }
0x230: {  	v55 =	vld [tilespmem:s14+$0x8480]  }
0x231: {  	v56 =	vld [tilespmem:s14+$0x14480]  }
0x232: {  	v57 =	vld [tilespmem:s14+$0x8490]  }
0x233: {  	v58 =	vld [tilespmem:s14+$0x14490]  }
0x234: {  	v59 =	vld [tilespmem:s14+$0x84A0]  }
0x235: {  	v60 =	vld [tilespmem:s14+$0x144A0]  }
0x236: {  	v28 =	vld [tilespmem:s14+$0x84B0]  }
0x237: {  	v33 =	vld [tilespmem:s14+$0x144B0]  }
0x238: {  	v15 =	vsub.f32 v15, v16;
	v29 =	vld [tilespmem:s14+$0x80C0]  }
0x239: {  	v16 =	vsub.f32 v17, v18;
	v4 =	vsub.f32 v21, v22;
	v34 =	vld [tilespmem:s14+$0x140C0]  }
0x23a: {  	v17 =	vsub.f32 v27, v39;
	v3 =	vsub.f32 v23, v24;
	v31 =	vld [tilespmem:s14+$0x80D0]  }
0x23b: {  	v18 =	vsub.f32 v20, v19;
	v6 =	vsub.f32 v26, v13;
	v35 =	vld [tilespmem:s14+$0x140D0]  }
0x23c: {  	v21 =	vsub.f32 v14, v5;
	v5 =	vsub.f32 v12, v11;
	v24 =	vld [tilespmem:s14+$0x80E0]  }
0x23d: {  	v22 =	vsub.f32 v25, v30;
	v12 =	vsub.f32 v2, v0;
	v26 =	vld [tilespmem:s14+$0x140E0]  }
0x23e: {  	v11 =	vsub.f32 v1, v32;
	v23 =	vsub.f32 v36, v37;
	v38 =	vld [tilespmem:s14+$0x8080]  }
.Ltmp2:
0x23f: {  	v25 =	vsub.f32 v41, v42;
	v14 =	vsub.f32 v43, v44;
	v40 =	vld [tilespmem:s14+$0x14080];
	(pc) =	sbr.rel @p0 .LBB2_6-.Ltmp2, $4  }
0x240: {  	v13 =	vsub.f32 v45, v46;
	v30 =	vsub.f32 v47, v48;
	v39 =	vld [tilespmem:s14+$0x8090]  }
0x241: {  	v32 =	vsub.f32 v49, v50;
	v20 =	vsub.f32 v51, v52;
	v42 =	vld [tilespmem:s14+$0x14090]  }
0x242: {  	v19 =	vsub.f32 v53, v54;
	v36 =	vsub.f32 v55, v56;
	v41 =	vld [tilespmem:s14+$0x80A0]  }
0x243: {  	s16 =	sadd.s32 $0x200, s16;
	v37 =	vsub.f32 v57, v58;
	v27 =	vsub.f32 v59, v60;
	v43 =	vld [tilespmem:s14+$0x140A0]  }
0x244: {  	v0 =	vld [tilespmem:s14+$0x80B0]  }
0x245: {  	v1 =	vld [tilespmem:s14+$0x140B0]  }
0x246: {  	v2 =	vld [tilespmem:s14+$0x80F0]  }
0x247: {  	v44 =	vld [tilespmem:s14+$0x140F0];
	_ =	swait.ge [sflag:s28], $0x4000  }
0x248: {  	[sflag:s28] =	ssyncset.done $0x0  }
0x249: {  	[sflag:s28] =	ssyncadd.s32 $0xFFFFC000  }
0x24a: {  	s0 =	simm.s32 $0x0;
	_ =	swait.ge [sflag:s29], $0x4000  }
0x24b: {  	s18 =	sand.u32 $0x3000, s0;
	s16 =	sand.u32 $0x380, s0;
	[sflag:s29] =	ssyncset.done $0x0  }
0x24c: {  	s14 =	sor.u32 s16, s18;
	[sflag:s29] =	ssyncadd.s32 $0xFFFFC000  }
0x24d: {  	v45 =	vld [tilespmem:s14+$0xCC0]  }
0x24e: {  	v52 =	vld [tilespmem:s14+$0xCCC0]  }
0x24f: {  	v53 =	vld [tilespmem:s14+$0xCD0]  }
0x250: {  	v54 =	vld [tilespmem:s14+$0xCCD0]  }
0x251: {  	v55 =	vld [tilespmem:s14+$0xCE0]  }
0x252: {  	v28 =	vsub.f32 v28, v33;
	v56 =	vld [tilespmem:s14+$0xCCE0]  }
0x253: {  	v29 =	vsub.f32 v29, v34;
	v46 =	vsub.f32 v39, v42;
	v57 =	vld [tilespmem:s14+$0xCF0]  }
0x254: {  	v31 =	vsub.f32 v31, v35;
	v47 =	vsub.f32 v41, v43;
	v58 =	vld [tilespmem:s14+$0xCCF0]  }
0x255: {  	v24 =	vsub.f32 v24, v26;
	v0 =	vsub.f32 v0, v1;
	v1 =	vmul.f32 v46, v46;
	v59 =	vld [tilespmem:s14+$0xC80]  }
0x256: {  	v2 =	vsub.f32 v2, v44;
	v60 =	vld [tilespmem:s14+$0xC90];
	v26 =	vmul.f32 v47, v47;
	[tilespmem:$0x1FD70] =	vst v45;
	v45 =	vsub.f32 v38, v40  }
0x257: {  	v61 =	vld [tilespmem:s14+$0xCC90];
	v0 =	vmul.f32 v0, v0;
	v1 =	vadd.f32 v1, v9;
	v9 =	vmul.f32 v31, v31  }
0x258: {  	v24 =	vmul.f32 v24, v24;
	v62 =	vld [tilespmem:s14+$0xCA0];
	v7 =	vadd.f32 v26, v7;
	v33 =	vmul.f32 v45, v45  }
0x259: {  	v63 =	vld [tilespmem:s14+$0xCB0];
	v2 =	vmul.f32 v2, v2;
	v0 =	vadd.f32 v0, v8;
	v1 =	vadd.f32 v9, v1  }
0x25a: {  	v29 =	vmul.f32 v29, v29;
	v51 =	vld [tilespmem:s14+$0x890];
	v7 =	vadd.f32 v24, v7;
	v10 =	vadd.f32 v33, v10  }
0x25b: {  	v50 =	vld [tilespmem:s14+$0xC890];
	v24 =	vmul.f32 v27, v27;
	v27 =	vmul.f32 v28, v28;
	v0 =	vadd.f32 v2, v0  }
0x25c: {  	v49 =	vld [tilespmem:s14+$0x8A0];
	v9 =	vmul.f32 v36, v36;
	v8 =	vadd.f32 v29, v10;
	v10 =	vmul.f32 v37, v37  }
0x25d: {  	v19 =	vmul.f32 v19, v19;
	v39 =	vld [tilespmem:s14+$0xC8A0];
	v26 =	vmul.f32 v30, v30;
	v0 =	vadd.f32 v27, v0  }
0x25e: {  	v48 =	vld [tilespmem:s14+$0x8B0];
	v8 =	vadd.f32 v9, v8;
	v1 =	vadd.f32 v10, v1;
	v9 =	vmul.f32 v32, v32  }
0x25f: {  	v47 =	vld [tilespmem:s14+$0xC8B0];
	v7 =	vadd.f32 v24, v7;
	v0 =	vadd.f32 v19, v0;
	v10 =	vmul.f32 v20, v20  }
0x260: {  	v23 =	vmul.f32 v23, v23;
	v42 =	vld [tilespmem:s14+$0x4C0];
	v8 =	vadd.f32 v26, v8;
	v1 =	vadd.f32 v9, v1  }
0x261: {  	v46 =	vld [tilespmem:s14+$0x4D0];
	v9 =	vmul.f32 v25, v25;
	v7 =	vadd.f32 v10, v7;
	v10 =	vmul.f32 v13, v13  }
0x262: {  	v11 =	vmul.f32 v11, v11;
	v41 =	vld [tilespmem:s14+$0x4E0];
	v8 =	vadd.f32 v23, v8  }
0x263: {  	v43 =	vld [tilespmem:s14+$0xC4F0];
	v1 =	vadd.f32 v9, v1;
	v9 =	vmul.f32 v21, v21;
	v0 =	vadd.f32 v10, v0  }
0x264: {  	v5 =	vmul.f32 v5, v5;
	v44 =	vld [tilespmem:s14+$0x490];
	v13 =	vmul.f32 v22, v22  }
0x265: {  	v34 =	vld [tilespmem:s14+$0xC0C0];
	v10 =	vmul.f32 v17, v17;
	v8 =	vadd.f32 v9, v8;
	v0 =	vadd.f32 v11, v0  }
0x266: {  	v3 =	vmul.f32 v3, v3;
	v35 =	vld [tilespmem:s14+$0xC0D0];
	v1 =	vadd.f32 v13, v1;
	v9 =	vmul.f32 v18, v18  }
0x267: {  	v31 =	vld [tilespmem:s14+$0xD0];
	v8 =	vadd.f32 v10, v8;
	v10 =	vmul.f32 v15, v15;
	v0 =	vadd.f32 v5, v0  }
0x268: {  	v30 =	vld [tilespmem:s14+$0xC4C0];
	v1 =	vadd.f32 v9, v1;
	v9 =	vmul.f32 v16, v16  }
0x269: {  	[tilespmem:$0x1FD80] =	vst v52;
	v10 =	vadd.f32 v10, v8;
	v8 =	vadd.f32 v3, v0;
	v0 =	vld [tilespmem:$0x1FD70]  }
0x26a: {  	v9 =	vadd.f32 v9, v1;
	v1 =	vld [tilespmem:$0x1FD80]  }
0x26b: {  	v36 =	vld [tilespmem:s14+$0x480]  }
0x26c: {  	v28 =	vld [tilespmem:s14+$0x4B0];
	[tilespmem:$0x1FD90] =	vst v53  }
0x26d: {  	[tilespmem:$0x1FDD0] =	vst v59;
	v59 =	vld [tilespmem:s14+$0xCC80]  }
0x26e: {  	[tilespmem:$0x1FDF0] =	vst v58;
	v58 =	vld [tilespmem:s14+$0xCCA0]  }
0x26f: {  	[tilespmem:$0x1FDA0] =	vst v54;
	v15 =	vsub.f32 v0, v1;
	v0 =	vld [tilespmem:$0x1FD90]  }
0x270: {  	[tilespmem:$0x1FDB0] =	vst v55;
	v1 =	vld [tilespmem:$0x1FDA0]  }
0x271: {  	[tilespmem:$0x1FE00] =	vst v60;
	v60 =	vld [tilespmem:s14+$0xCCB0]  }
0x272: {  	[tilespmem:$0x1FE10] =	vst v61;
	v61 =	vld [tilespmem:s14+$0x8C0]  }
0x273: {  	v14 =	vmul.f32 v14, v14;
	[tilespmem:$0x1FE20] =	vst v62;
	v62 =	vld [tilespmem:s14+$0xC8C0]  }
0x274: {  	[tilespmem:$0x1FE30] =	vst v63;
	v63 =	vld [tilespmem:s14+$0x8D0]  }
0x275: {  	v12 =	vmul.f32 v12, v12;
	[tilespmem:$0x1FDC0] =	vst v56;
	v7 =	vadd.f32 v14, v7;
	v16 =	vsub.f32 v0, v1;
	v0 =	vld [tilespmem:$0x1FDB0]  }
0x276: {  	v1 =	vld [tilespmem:$0x1FDC0]  }
0x277: {  	v6 =	vmul.f32 v6, v6;
	v55 =	vld [tilespmem:s14+$0xC8D0];
	v7 =	vadd.f32 v12, v7  }
0x278: {  	v56 =	vld [tilespmem:s14+$0x8E0]  }
0x279: {  	v4 =	vmul.f32 v4, v4;
	v54 =	vld [tilespmem:s14+$0xC8E0];
	v6 =	vadd.f32 v6, v7  }
0x27a: {  	[tilespmem:$0x1FDE0] =	vst v57;
	v57 =	vld [tilespmem:s14+$0x8F0]  }
0x27b: {  	v7 =	vadd.f32 v4, v6;
	v4 =	vsub.f32 v0, v1;
	v0 =	vld [tilespmem:$0x1FDD0]  }
0x27c: {  	v53 =	vld [tilespmem:s14+$0xC8F0]  }
0x27d: {  	v52 =	vld [tilespmem:s14+$0x880]  }
0x27e: {  	v40 =	vld [tilespmem:s14+$0xC880]  }
0x27f: {  	v1 =	vld [tilespmem:$0x1FDF0]  }
0x280: {  	v17 =	vsub.f32 v0, v59;
	v0 =	vld [tilespmem:$0x1FDE0]  }
0x281: {  	v2 =	vld [tilespmem:s14+$0xC4A0]  }
0x282: {  	v38 =	vld [tilespmem:s14+$0x80]  }
0x283: {  	v24 =	vld [tilespmem:s14+$0xE0]  }
0x284: {  	v45 =	vld [tilespmem:s14+$0x4F0]  }
0x285: {  	v3 =	vsub.f32 v0, v1;
	v0 =	vld [tilespmem:$0x1FE00]  }
0x286: {  	v1 =	vld [tilespmem:$0x1FE10]  }
0x287: {  	v27 =	vld [tilespmem:s14+$0x4A0]  }
0x288: {  	v30 =	vsub.f32 v42, v30;
	v42 =	vld [tilespmem:s14+$0xC090]  }
0x289: {  	v19 =	vld [tilespmem:s14+$0xC480]  }
0x28a: {  	v33 =	vld [tilespmem:s14+$0xC4B0]  }
0x28b: {  	v18 =	vsub.f32 v0, v1;
	v0 =	vld [tilespmem:$0x1FE20]  }
0x28c: {  	v37 =	vld [tilespmem:s14+$0xC490]  }
0x28d: {  	v32 =	vld [tilespmem:s14+$0xC4D0]  }
0x28e: {  	v27 =	vsub.f32 v27, v2;
	v20 =	vld [tilespmem:s14+$0xC4E0];
	v36 =	vsub.f32 v36, v19  }
0x28f: {  	v29 =	vld [tilespmem:s14+$0xC0];
	v19 =	vsub.f32 v45, v43;
	v22 =	vsub.f32 v63, v55  }
0x290: {  	v25 =	vsub.f32 v51, v50;
	v6 =	vsub.f32 v0, v58;
	v0 =	vld [tilespmem:$0x1FE30]  }
0x291: {  	v43 =	vld [tilespmem:s14+$0xC0A0];
	v37 =	vsub.f32 v44, v37;
	v21 =	vsub.f32 v61, v62  }
0x292: {  	v26 =	vld [tilespmem:s14+$0xC0E0];
	v23 =	vsub.f32 v52, v40;
	v14 =	vsub.f32 v49, v39  }
0x293: {  	v40 =	vld [tilespmem:s14+$0xC080];
	v32 =	vsub.f32 v46, v32;
	v20 =	vsub.f32 v41, v20  }
0x294: {  	v39 =	vld [tilespmem:s14+$0x90];
	v12 =	vsub.f32 v56, v54;
	v11 =	vsub.f32 v57, v53  }
0x295: {  	s16 =	simm.s32 $0x200;
	v41 =	vld [tilespmem:s14+$0xA0];
	v13 =	vsub.f32 v48, v47;
	v5 =	vsub.f32 v0, v60  }
.LBB2_8:
0x296: {  	p0 =	sne.s32 s16, $0x3E00;
	v0 =	vld [tilespmem:s14+$0xB0];
	v1 =	vsub.f32 v28, v33;
	v2 =	vmul.f32 v15, v15;
	v28 =	vmul.f32 v16, v16  }
0x297: {  	v29 =	vsub.f32 v29, v34;
	v34 =	vmul.f32 v17, v17;
	v44 =	vmul.f32 v18, v18;
	s0 =	sadd.s32 $0x80, s0;
	v33 =	vld [tilespmem:s14+$0xC0B0]  }
0x298: {  	s17 =	sand.u32 $0x3000, s16;
	v18 =	vsub.f32 v31, v35;
	v35 =	vmul.f32 v21, v21;
	v45 =	vmul.f32 v22, v22;
	s18 =	sand.u32 $0x380, s0;
	v31 =	vld [tilespmem:s14+$0xF0]  }
0x299: {  	v21 =	vsub.f32 v38, v40;
	v38 =	vmul.f32 v23, v23;
	v25 =	vmul.f32 v25, v25;
	v22 =	vld [tilespmem:s14+$0xC0F0];
	s14 =	sor.u32 s18, s17  }
0x29a: {  	v30 =	vmul.f32 v30, v30;
	v32 =	vmul.f32 v32, v32;
	v23 =	vsub.f32 v39, v42;
	v15 =	vld [tilespmem:s14+$0xCC0]  }
0x29b: {  	v36 =	vmul.f32 v36, v36;
	v37 =	vmul.f32 v37, v37;
	v39 =	vsub.f32 v41, v43;
	v16 =	vld [tilespmem:s14+$0xCCC0]  }
0x29c: {  	v29 =	vmul.f32 v29, v29;
	v17 =	vld [tilespmem:s14+$0xCD0];
	v0 =	vsub.f32 v0, v33;
	v33 =	vmul.f32 v18, v18  }
0x29d: {  	v24 =	vsub.f32 v24, v26;
	v40 =	vmul.f32 v21, v21;
	v23 =	vmul.f32 v23, v23;
	v18 =	vld [tilespmem:s14+$0xCCD0]  }
0x29e: {  	v26 =	vmul.f32 v39, v39;
	v21 =	vld [tilespmem:s14+$0xCE0];
	v0 =	vmul.f32 v0, v0;
	v31 =	vsub.f32 v31, v22  }
0x29f: {  	v10 =	vadd.f32 v40, v10;
	v9 =	vadd.f32 v23, v9;
	v39 =	vmul.f32 v24, v24;
	v22 =	vld [tilespmem:s14+$0xCCE0]  }
0x2a0: {  	v7 =	vadd.f32 v26, v7;
	v23 =	vld [tilespmem:s14+$0xCF0];
	v0 =	vadd.f32 v0, v8;
	v8 =	vmul.f32 v31, v31  }
0x2a1: {  	v10 =	vadd.f32 v29, v10;
	v9 =	vadd.f32 v33, v9;
	v26 =	vmul.f32 v27, v27;
	v24 =	vld [tilespmem:s14+$0xCCF0]  }
0x2a2: {  	v1 =	vmul.f32 v1, v1;
	v7 =	vadd.f32 v39, v7;
	v27 =	vld [tilespmem:s14+$0xC80];
	v0 =	vadd.f32 v8, v0  }
0x2a3: {  	v9 =	vadd.f32 v37, v9;
	v8 =	vadd.f32 v36, v10;
	v10 =	vmul.f32 v20, v20;
	v39 =	vld [tilespmem:s14+$0xCC80]  }
0x2a4: {  	v7 =	vadd.f32 v26, v7;
	v20 =	vld [tilespmem:s14+$0xC90];
	v0 =	vadd.f32 v1, v0;
	v1 =	vmul.f32 v19, v19  }
0x2a5: {  	v14 =	vmul.f32 v14, v14;
	v9 =	vadd.f32 v32, v9;
	v8 =	vadd.f32 v30, v8;
	v19 =	vld [tilespmem:s14+$0xCC90]  }
0x2a6: {  	v7 =	vadd.f32 v10, v7;
	v26 =	vld [tilespmem:s14+$0xCA0];
	v0 =	vadd.f32 v1, v0;
	v1 =	vmul.f32 v13, v13  }
0x2a7: {  	v9 =	vadd.f32 v25, v9;
	v10 =	vmul.f32 v12, v12;
	v8 =	vadd.f32 v38, v8;
	v13 =	vld [tilespmem:s14+$0xCCA0]  }
0x2a8: {  	v7 =	vadd.f32 v14, v7;
	v12 =	vld [tilespmem:s14+$0xCB0];
	v0 =	vadd.f32 v1, v0;
	v1 =	vmul.f32 v11, v11  }
0x2a9: {  	v6 =	vmul.f32 v6, v6;
	v9 =	vadd.f32 v45, v9;
	v8 =	vadd.f32 v35, v8;
	v11 =	vld [tilespmem:s14+$0xCCB0]  }
0x2aa: {  	v7 =	vadd.f32 v10, v7;
	v14 =	vld [tilespmem:s14+$0x8C0];
	v0 =	vadd.f32 v1, v0;
	v1 =	vmul.f32 v5, v5  }
0x2ab: {  	v4 =	vmul.f32 v4, v4;
	v9 =	vadd.f32 v44, v9;
	v8 =	vadd.f32 v34, v8;
	v5 =	vld [tilespmem:s14+$0xC8C0]  }
0x2ac: {  	v6 =	vadd.f32 v6, v7;
	v25 =	vld [tilespmem:s14+$0x8D0];
	v0 =	vadd.f32 v1, v0;
	v1 =	vmul.f32 v3, v3  }
0x2ad: {  	v9 =	vadd.f32 v28, v9;
	v10 =	vadd.f32 v2, v8;
	v30 =	vld [tilespmem:s14+$0xC8D0]  }
0x2ae: {  	v7 =	vadd.f32 v4, v6;
	v2 =	vld [tilespmem:s14+$0x8E0];
	v8 =	vadd.f32 v1, v0  }
0x2af: {  	v0 =	vld [tilespmem:s14+$0xC8E0]  }
0x2b0: {  	v1 =	vld [tilespmem:s14+$0x8F0]  }
0x2b1: {  	v32 =	vld [tilespmem:s14+$0xC8F0]  }
0x2b2: {  	v36 =	vld [tilespmem:s14+$0x880]  }
0x2b3: {  	v37 =	vld [tilespmem:s14+$0xC880]  }
0x2b4: {  	v41 =	vld [tilespmem:s14+$0x890]  }
0x2b5: {  	v42 =	vld [tilespmem:s14+$0xC890]  }
0x2b6: {  	v43 =	vld [tilespmem:s14+$0x8A0]  }
0x2b7: {  	v44 =	vld [tilespmem:s14+$0xC8A0]  }
0x2b8: {  	v45 =	vld [tilespmem:s14+$0x8B0]  }
0x2b9: {  	v46 =	vld [tilespmem:s14+$0xC8B0]  }
0x2ba: {  	v47 =	vld [tilespmem:s14+$0x4C0]  }
0x2bb: {  	v48 =	vld [tilespmem:s14+$0xC4C0]  }
0x2bc: {  	v49 =	vld [tilespmem:s14+$0x4D0]  }
0x2bd: {  	v50 =	vld [tilespmem:s14+$0xC4D0]  }
0x2be: {  	v51 =	vld [tilespmem:s14+$0x4E0]  }
0x2bf: {  	v52 =	vld [tilespmem:s14+$0xC4E0]  }
0x2c0: {  	v53 =	vld [tilespmem:s14+$0x4F0]  }
0x2c1: {  	v54 =	vld [tilespmem:s14+$0xC4F0]  }
0x2c2: {  	v55 =	vld [tilespmem:s14+$0x480]  }
0x2c3: {  	v56 =	vld [tilespmem:s14+$0xC480]  }
0x2c4: {  	v57 =	vld [tilespmem:s14+$0x490]  }
0x2c5: {  	v58 =	vld [tilespmem:s14+$0xC490]  }
0x2c6: {  	v59 =	vld [tilespmem:s14+$0x4A0]  }
0x2c7: {  	v60 =	vld [tilespmem:s14+$0xC4A0]  }
0x2c8: {  	v28 =	vld [tilespmem:s14+$0x4B0]  }
0x2c9: {  	v33 =	vld [tilespmem:s14+$0xC4B0]  }
0x2ca: {  	v15 =	vsub.f32 v15, v16;
	v29 =	vld [tilespmem:s14+$0xC0]  }
0x2cb: {  	v16 =	vsub.f32 v17, v18;
	v4 =	vsub.f32 v21, v22;
	v34 =	vld [tilespmem:s14+$0xC0C0]  }
0x2cc: {  	v17 =	vsub.f32 v27, v39;
	v3 =	vsub.f32 v23, v24;
	v31 =	vld [tilespmem:s14+$0xD0]  }
0x2cd: {  	v18 =	vsub.f32 v20, v19;
	v6 =	vsub.f32 v26, v13;
	v35 =	vld [tilespmem:s14+$0xC0D0]  }
0x2ce: {  	v21 =	vsub.f32 v14, v5;
	v5 =	vsub.f32 v12, v11;
	v24 =	vld [tilespmem:s14+$0xE0]  }
0x2cf: {  	v22 =	vsub.f32 v25, v30;
	v12 =	vsub.f32 v2, v0;
	v26 =	vld [tilespmem:s14+$0xC0E0]  }
0x2d0: {  	v11 =	vsub.f32 v1, v32;
	v23 =	vsub.f32 v36, v37;
	v38 =	vld [tilespmem:s14+$0x80]  }
.Ltmp3:
0x2d1: {  	v25 =	vsub.f32 v41, v42;
	v14 =	vsub.f32 v43, v44;
	v40 =	vld [tilespmem:s14+$0xC080];
	(pc) =	sbr.rel @p0 .LBB2_8-.Ltmp3, $4  }
0x2d2: {  	v13 =	vsub.f32 v45, v46;
	v30 =	vsub.f32 v47, v48;
	v39 =	vld [tilespmem:s14+$0x90]  }
0x2d3: {  	v32 =	vsub.f32 v49, v50;
	v20 =	vsub.f32 v51, v52;
	v42 =	vld [tilespmem:s14+$0xC090]  }
0x2d4: {  	v19 =	vsub.f32 v53, v54;
	v36 =	vsub.f32 v55, v56;
	v41 =	vld [tilespmem:s14+$0xA0]  }
0x2d5: {  	s16 =	sadd.s32 $0x200, s16;
	v37 =	vsub.f32 v57, v58;
	v27 =	vsub.f32 v59, v60;
	v43 =	vld [tilespmem:s14+$0xC0A0]  }
0x2d6: {  	v0 =	vld [tilespmem:s14+$0xB0]  }
0x2d7: {  	v1 =	vld [tilespmem:s14+$0xC0B0]  }
0x2d8: {  	v2 =	vld [tilespmem:s14+$0xF0]  }
0x2d9: {  	v44 =	vld [tilespmem:s14+$0xC0F0];
	_ =	swait.ge [sflag:s20], $0x4000  }
0x2da: {  	[sflag:s20] =	ssyncset.done $0x0  }
0x2db: {  	[sflag:s20] =	ssyncadd.s32 $0xFFFFC000  }
0x2dc: {  	s14 =	simm.s32 $0x0;
	_ =	swait.ge [sflag:s26], $0x4000  }
0x2dd: {  	s0 =	sand.u32 $0x3000, s14;
	s16 =	sand.u32 $0x380, s14;
	[sflag:s26] =	ssyncset.done $0x0  }
0x2de: {  	s0 =	sor.u32 s16, s0;
	[sflag:s26] =	ssyncadd.s32 $0xFFFFC000  }
0x2df: {  	v45 =	vld [tilespmem:s0+$0x4CC0]  }
0x2e0: {  	v50 =	vld [tilespmem:s0+$0x10CC0]  }
0x2e1: {  	v51 =	vld [tilespmem:s0+$0x4CD0]  }
0x2e2: {  	v52 =	vld [tilespmem:s0+$0x10CD0]  }
0x2e3: {  	v53 =	vld [tilespmem:s0+$0x4CE0]  }
0x2e4: {  	v54 =	vld [tilespmem:s0+$0x10CE0]  }
0x2e5: {  	v28 =	vsub.f32 v28, v33;
	v55 =	vld [tilespmem:s0+$0x4CF0]  }
0x2e6: {  	v29 =	vsub.f32 v29, v34;
	v31 =	vsub.f32 v31, v35;
	v23 =	vmul.f32 v23, v23;
	v56 =	vld [tilespmem:s0+$0x10CF0]  }
0x2e7: {  	v24 =	vsub.f32 v24, v26;
	v19 =	vmul.f32 v19, v19;
	v14 =	vmul.f32 v14, v14;
	v57 =	vld [tilespmem:s0+$0x4C80]  }
0x2e8: {  	v12 =	vmul.f32 v12, v12;
	v11 =	vmul.f32 v11, v11;
	v46 =	vsub.f32 v39, v42;
	v59 =	vld [tilespmem:s0+$0x10C80]  }
0x2e9: {  	v6 =	vmul.f32 v6, v6;
	v47 =	vsub.f32 v41, v43;
	v0 =	vsub.f32 v0, v1;
	v58 =	vld [tilespmem:s0+$0x4C90]  }
0x2ea: {  	v29 =	vmul.f32 v29, v29;
	v1 =	vmul.f32 v46, v46;
	v60 =	vld [tilespmem:s0+$0x10C90];
	[tilespmem:$0x1FC90] =	vst v45;
	v45 =	vsub.f32 v38, v40  }
0x2eb: {  	v2 =	vsub.f32 v2, v44;
	v61 =	vld [tilespmem:s0+$0x4CA0];
	v26 =	vmul.f32 v47, v47;
	v0 =	vmul.f32 v0, v0  }
0x2ec: {  	v62 =	vld [tilespmem:s0+$0x4CB0];
	v1 =	vadd.f32 v1, v9;
	v9 =	vmul.f32 v31, v31;
	v33 =	vmul.f32 v45, v45  }
0x2ed: {  	v24 =	vmul.f32 v24, v24;
	v63 =	vld [tilespmem:s0+$0x10CB0];
	v7 =	vadd.f32 v26, v7;
	v0 =	vadd.f32 v0, v8  }
0x2ee: {  	v34 =	vld [tilespmem:s0+$0x10890];
	v2 =	vmul.f32 v2, v2;
	v1 =	vadd.f32 v9, v1;
	v10 =	vadd.f32 v33, v10  }
0x2ef: {  	v35 =	vld [tilespmem:s0+$0x108A0];
	v7 =	vadd.f32 v24, v7;
	v24 =	vmul.f32 v27, v27;
	v27 =	vmul.f32 v28, v28  }
0x2f0: {  	v49 =	vld [tilespmem:s0+$0x48B0];
	v0 =	vadd.f32 v2, v0;
	v8 =	vadd.f32 v29, v10;
	v10 =	vmul.f32 v37, v37  }
0x2f1: {  	v5 =	vmul.f32 v5, v5;
	v48 =	vld [tilespmem:s0+$0x108B0];
	v9 =	vmul.f32 v36, v36;
	v7 =	vadd.f32 v24, v7  }
0x2f2: {  	v41 =	vld [tilespmem:s0+$0x44C0];
	v0 =	vadd.f32 v27, v0;
	v1 =	vadd.f32 v10, v1;
	v10 =	vmul.f32 v20, v20  }
0x2f3: {  	v47 =	vld [tilespmem:s0+$0x44D0];
	v26 =	vmul.f32 v30, v30;
	v8 =	vadd.f32 v9, v8;
	v9 =	vmul.f32 v32, v32  }
0x2f4: {  	v46 =	vld [tilespmem:s0+$0x44E0];
	v0 =	vadd.f32 v19, v0;
	v7 =	vadd.f32 v10, v7;
	v10 =	vmul.f32 v13, v13  }
0x2f5: {  	v39 =	vld [tilespmem:s0+$0x104E0];
	v8 =	vadd.f32 v26, v8;
	v1 =	vadd.f32 v9, v1;
	v9 =	vmul.f32 v25, v25  }
0x2f6: {  	v43 =	vld [tilespmem:s0+$0x104F0];
	v13 =	vmul.f32 v22, v22;
	v7 =	vadd.f32 v14, v7;
	v0 =	vadd.f32 v10, v0  }
0x2f7: {  	v44 =	vld [tilespmem:s0+$0x4490];
	v8 =	vadd.f32 v23, v8;
	v1 =	vadd.f32 v9, v1;
	v9 =	vmul.f32 v21, v21  }
0x2f8: {  	v4 =	vmul.f32 v4, v4;
	v42 =	vld [tilespmem:s0+$0x10490];
	v7 =	vadd.f32 v12, v7;
	v0 =	vadd.f32 v11, v0  }
0x2f9: {  	v36 =	vld [tilespmem:s0+$0x104C0];
	v8 =	vadd.f32 v9, v8;
	v1 =	vadd.f32 v13, v1;
	v9 =	vmul.f32 v18, v18  }
0x2fa: {  	v3 =	vmul.f32 v3, v3;
	v28 =	vld [tilespmem:s0+$0x104B0];
	v7 =	vadd.f32 v6, v7;
	v0 =	vadd.f32 v5, v0  }
0x2fb: {  	[tilespmem:$0x1FD20] =	vst v58;
	v58 =	vld [tilespmem:s0+$0x10CA0];
	v1 =	vadd.f32 v9, v1;
	v9 =	vmul.f32 v16, v16  }
0x2fc: {  	[tilespmem:$0x1FCA0] =	vst v50;
	v5 =	vadd.f32 v4, v7;
	v7 =	vadd.f32 v3, v0;
	v0 =	vld [tilespmem:$0x1FC90]  }
0x2fd: {  	[tilespmem:$0x1FCB0] =	vst v51;
	v9 =	vadd.f32 v9, v1;
	v1 =	vld [tilespmem:$0x1FCA0]  }
0x2fe: {  	[tilespmem:$0x1FD40] =	vst v61;
	v61 =	vld [tilespmem:s0+$0x48C0]  }
0x2ff: {  	[tilespmem:$0x1FD50] =	vst v62;
	v62 =	vld [tilespmem:s0+$0x108C0]  }
0x300: {  	[tilespmem:$0x1FD60] =	vst v63;
	v63 =	vld [tilespmem:s0+$0x48D0]  }
0x301: {  	[tilespmem:$0x1FCF0] =	vst v57;
	v57 =	vld [tilespmem:s0+$0x108D0]  }
0x302: {  	[tilespmem:$0x1FCC0] =	vst v52;
	v30 =	vsub.f32 v0, v1;
	v0 =	vld [tilespmem:$0x1FCB0]  }
0x303: {  	[tilespmem:$0x1FCD0] =	vst v53;
	v1 =	vld [tilespmem:$0x1FCC0]  }
0x304: {  	[tilespmem:$0x1FD10] =	vst v56;
	v56 =	vld [tilespmem:s0+$0x48E0]  }
0x305: {  	[tilespmem:$0x1FD00] =	vst v55;
	v55 =	vld [tilespmem:s0+$0x108E0]  }
0x306: {  	[tilespmem:$0x1FD30] =	vst v60;
	v60 =	vld [tilespmem:s0+$0x48F0];
	v10 =	vmul.f32 v17, v17  }
0x307: {  	[tilespmem:$0x1FCE0] =	vst v54;
	v54 =	vld [tilespmem:s0+$0x108F0]  }
0x308: {  	v8 =	vadd.f32 v10, v8;
	v10 =	vmul.f32 v15, v15;
	v15 =	vsub.f32 v0, v1;
	v0 =	vld [tilespmem:$0x1FCD0]  }
0x309: {  	v1 =	vld [tilespmem:$0x1FCE0]  }
0x30a: {  	v53 =	vld [tilespmem:s0+$0x4880]  }
0x30b: {  	v52 =	vld [tilespmem:s0+$0x10880]  }
0x30c: {  	v51 =	vld [tilespmem:s0+$0x4890]  }
0x30d: {  	v50 =	vld [tilespmem:s0+$0x48A0]  }
0x30e: {  	v4 =	vsub.f32 v0, v1;
	v0 =	vld [tilespmem:$0x1FCF0]  }
0x30f: {  	v38 =	vld [tilespmem:s0+$0x104D0]  }
0x310: {  	v40 =	vld [tilespmem:s0+$0x4480]  }
0x311: {  	v2 =	vld [tilespmem:s0+$0x104A0]  }
0x312: {  	v1 =	vld [tilespmem:$0x1FD10]  }
0x313: {  	v31 =	vsub.f32 v0, v59;
	v0 =	vld [tilespmem:$0x1FD00]  }
0x314: {  	v45 =	vld [tilespmem:s0+$0x44F0]  }
0x315: {  	v27 =	vld [tilespmem:s0+$0x40C0]  }
0x316: {  	v36 =	vsub.f32 v41, v36;
	v41 =	vld [tilespmem:s0+$0x10090]  }
0x317: {  	v19 =	vld [tilespmem:s0+$0x40E0]  }
0x318: {  	v3 =	vsub.f32 v0, v1;
	v0 =	vld [tilespmem:$0x1FD20]  }
0x319: {  	v1 =	vld [tilespmem:$0x1FD30]  }
0x31a: {  	v33 =	vld [tilespmem:s0+$0x4080]  }
0x31b: {  	v29 =	vld [tilespmem:s0+$0x100C0]  }
0x31c: {  	v37 =	vld [tilespmem:s0+$0x10080]  }
0x31d: {  	v20 =	vld [tilespmem:s0+$0x10480]  }
0x31e: {  	v16 =	vsub.f32 v0, v1;
	v0 =	vld [tilespmem:$0x1FD40]  }
0x31f: {  	v25 =	vld [tilespmem:s0+$0x44A0]  }
0x320: {  	v42 =	vsub.f32 v44, v42;
	v26 =	vld [tilespmem:s0+$0x44B0]  }
0x321: {  	v24 =	vsub.f32 v61, v62;
	v34 =	vsub.f32 v51, v34;
	v22 =	vld [tilespmem:s0+$0x100E0]  }
0x322: {  	v38 =	vsub.f32 v47, v38;
	v32 =	vsub.f32 v53, v52;
	v1 =	vld [tilespmem:$0x1FD60]  }
0x323: {  	v6 =	vadd.f32 v10, v8;
	v10 =	vsub.f32 v0, v58;
	v0 =	vld [tilespmem:$0x1FD50]  }
0x324: {  	v23 =	vld [tilespmem:s0+$0x100D0];
	v17 =	vsub.f32 v63, v57;
	v14 =	vsub.f32 v50, v35  }
0x325: {  	v35 =	vld [tilespmem:s0+$0x4090];
	v21 =	vsub.f32 v46, v39;
	v40 =	vsub.f32 v40, v20  }
0x326: {  	v20 =	vsub.f32 v45, v43;
	v18 =	vld [tilespmem:s0+$0x40D0];
	v12 =	vsub.f32 v56, v55  }
0x327: {  	v39 =	vld [tilespmem:s0+$0x40A0];
	v11 =	vsub.f32 v60, v54;
	v13 =	vsub.f32 v49, v48  }
0x328: {  	s16 =	simm.s32 $0x200;
	v43 =	vld [tilespmem:s0+$0x100A0];
	v25 =	vsub.f32 v25, v2;
	v8 =	vsub.f32 v0, v1  }
.LBB2_10:
0x329: {  	p0 =	sne.s32 s16, $0x3E00;
	v0 =	vld [tilespmem:s0+$0x40B0];
	v1 =	vsub.f32 v26, v28;
	v2 =	vmul.f32 v30, v30;
	v26 =	vmul.f32 v15, v15  }
0x32a: {  	v27 =	vsub.f32 v27, v29;
	v29 =	vmul.f32 v31, v31;
	v30 =	vmul.f32 v16, v16;
	s14 =	sadd.s32 $0x80, s14;
	v28 =	vld [tilespmem:s0+$0x100B0]  }
0x32b: {  	s17 =	sand.u32 $0x3000, s16;
	v18 =	vsub.f32 v18, v23;
	v31 =	vmul.f32 v24, v24;
	v44 =	vmul.f32 v17, v17;
	s18 =	sand.u32 $0x380, s14;
	v23 =	vld [tilespmem:s0+$0x40F0]  }
0x32c: {  	v24 =	vsub.f32 v33, v37;
	v32 =	vmul.f32 v32, v32;
	v34 =	vmul.f32 v34, v34;
	v33 =	vld [tilespmem:s0+$0x100F0];
	s0 =	sor.u32 s18, s17  }
0x32d: {  	v36 =	vmul.f32 v36, v36;
	v37 =	vmul.f32 v38, v38;
	v35 =	vsub.f32 v35, v41;
	v15 =	vld [tilespmem:s0+$0x4CC0]  }
0x32e: {  	v38 =	vsub.f32 v39, v43;
	v39 =	vmul.f32 v40, v40;
	v40 =	vmul.f32 v42, v42;
	v16 =	vld [tilespmem:s0+$0x10CC0]  }
0x32f: {  	v27 =	vmul.f32 v27, v27;
	v17 =	vld [tilespmem:s0+$0x4CD0];
	v0 =	vsub.f32 v0, v28;
	v28 =	vmul.f32 v18, v18  }
0x330: {  	v24 =	vmul.f32 v24, v24;
	v41 =	vsub.f32 v19, v22;
	v35 =	vmul.f32 v35, v35;
	v18 =	vld [tilespmem:s0+$0x10CD0]  }
0x331: {  	v38 =	vmul.f32 v38, v38;
	v19 =	vld [tilespmem:s0+$0x4CE0];
	v0 =	vmul.f32 v0, v0;
	v33 =	vsub.f32 v23, v33  }
0x332: {  	v6 =	vadd.f32 v24, v6;
	v9 =	vadd.f32 v35, v9;
	v35 =	vmul.f32 v41, v41;
	v22 =	vld [tilespmem:s0+$0x10CE0]  }
0x333: {  	v5 =	vadd.f32 v38, v5;
	v23 =	vld [tilespmem:s0+$0x4CF0];
	v0 =	vadd.f32 v0, v7;
	v7 =	vmul.f32 v33, v33  }
0x334: {  	v25 =	vmul.f32 v25, v25;
	v6 =	vadd.f32 v27, v6;
	v9 =	vadd.f32 v28, v9;
	v24 =	vld [tilespmem:s0+$0x10CF0]  }
0x335: {  	v1 =	vmul.f32 v1, v1;
	v5 =	vadd.f32 v35, v5;
	v33 =	vld [tilespmem:s0+$0x4C80];
	v0 =	vadd.f32 v7, v0  }
0x336: {  	v6 =	vadd.f32 v39, v6;
	v7 =	vadd.f32 v40, v9;
	v9 =	vmul.f32 v21, v21;
	v35 =	vld [tilespmem:s0+$0x10C80]  }
0x337: {  	v5 =	vadd.f32 v25, v5;
	v21 =	vld [tilespmem:s0+$0x4C90];
	v0 =	vadd.f32 v1, v0;
	v1 =	vmul.f32 v20, v20  }
0x338: {  	v14 =	vmul.f32 v14, v14;
	v6 =	vadd.f32 v36, v6;
	v7 =	vadd.f32 v37, v7;
	v20 =	vld [tilespmem:s0+$0x10C90]  }
0x339: {  	v5 =	vadd.f32 v9, v5;
	v25 =	vld [tilespmem:s0+$0x4CA0];
	v0 =	vadd.f32 v1, v0;
	v1 =	vmul.f32 v13, v13  }
0x33a: {  	v6 =	vadd.f32 v32, v6;
	v9 =	vmul.f32 v12, v12;
	v7 =	vadd.f32 v34, v7;
	v13 =	vld [tilespmem:s0+$0x10CA0]  }
0x33b: {  	v5 =	vadd.f32 v14, v5;
	v12 =	vld [tilespmem:s0+$0x4CB0];
	v0 =	vadd.f32 v1, v0;
	v1 =	vmul.f32 v11, v11  }
0x33c: {  	v10 =	vmul.f32 v10, v10;
	v6 =	vadd.f32 v31, v6;
	v7 =	vadd.f32 v44, v7;
	v11 =	vld [tilespmem:s0+$0x10CB0]  }
0x33d: {  	v5 =	vadd.f32 v9, v5;
	v14 =	vld [tilespmem:s0+$0x48C0];
	v0 =	vadd.f32 v1, v0;
	v1 =	vmul.f32 v8, v8  }
0x33e: {  	v4 =	vmul.f32 v4, v4;
	v6 =	vadd.f32 v29, v6;
	v7 =	vadd.f32 v30, v7;
	v8 =	vld [tilespmem:s0+$0x108C0]  }
0x33f: {  	v5 =	vadd.f32 v10, v5;
	v32 =	vld [tilespmem:s0+$0x48D0];
	v0 =	vadd.f32 v1, v0;
	v1 =	vmul.f32 v3, v3  }
0x340: {  	v6 =	vadd.f32 v2, v6;
	v9 =	vadd.f32 v26, v7;
	v34 =	vld [tilespmem:s0+$0x108D0]  }
0x341: {  	v5 =	vadd.f32 v4, v5;
	v2 =	vld [tilespmem:s0+$0x48E0];
	v7 =	vadd.f32 v1, v0  }
0x342: {  	v0 =	vld [tilespmem:s0+$0x108E0]  }
0x343: {  	v1 =	vld [tilespmem:s0+$0x48F0]  }
0x344: {  	v36 =	vld [tilespmem:s0+$0x108F0]  }
0x345: {  	v37 =	vld [tilespmem:s0+$0x4880]  }
0x346: {  	v38 =	vld [tilespmem:s0+$0x10880]  }
0x347: {  	v39 =	vld [tilespmem:s0+$0x4890]  }
0x348: {  	v40 =	vld [tilespmem:s0+$0x10890]  }
0x349: {  	v41 =	vld [tilespmem:s0+$0x48A0]  }
0x34a: {  	v42 =	vld [tilespmem:s0+$0x108A0]  }
0x34b: {  	v43 =	vld [tilespmem:s0+$0x48B0]  }
0x34c: {  	v44 =	vld [tilespmem:s0+$0x108B0]  }
0x34d: {  	v45 =	vld [tilespmem:s0+$0x44C0]  }
0x34e: {  	v46 =	vld [tilespmem:s0+$0x104C0]  }
0x34f: {  	v47 =	vld [tilespmem:s0+$0x44D0]  }
0x350: {  	v48 =	vld [tilespmem:s0+$0x104D0]  }
0x351: {  	v49 =	vld [tilespmem:s0+$0x44E0]  }
0x352: {  	v50 =	vld [tilespmem:s0+$0x104E0]  }
0x353: {  	v51 =	vld [tilespmem:s0+$0x44F0]  }
0x354: {  	v52 =	vld [tilespmem:s0+$0x104F0]  }
0x355: {  	v53 =	vld [tilespmem:s0+$0x4480]  }
0x356: {  	v54 =	vld [tilespmem:s0+$0x10480]  }
0x357: {  	v55 =	vld [tilespmem:s0+$0x4490]  }
0x358: {  	v56 =	vld [tilespmem:s0+$0x10490]  }
0x359: {  	v57 =	vld [tilespmem:s0+$0x44A0]  }
0x35a: {  	v58 =	vld [tilespmem:s0+$0x104A0]  }
0x35b: {  	v26 =	vld [tilespmem:s0+$0x44B0]  }
0x35c: {  	v28 =	vld [tilespmem:s0+$0x104B0]  }
0x35d: {  	v30 =	vsub.f32 v15, v16;
	v27 =	vld [tilespmem:s0+$0x40C0]  }
0x35e: {  	v15 =	vsub.f32 v17, v18;
	v4 =	vsub.f32 v19, v22;
	v29 =	vld [tilespmem:s0+$0x100C0]  }
0x35f: {  	v31 =	vsub.f32 v33, v35;
	v3 =	vsub.f32 v23, v24;
	v18 =	vld [tilespmem:s0+$0x40D0]  }
0x360: {  	v16 =	vsub.f32 v21, v20;
	v10 =	vsub.f32 v25, v13;
	v23 =	vld [tilespmem:s0+$0x100D0]  }
0x361: {  	v24 =	vsub.f32 v14, v8;
	v8 =	vsub.f32 v12, v11;
	v19 =	vld [tilespmem:s0+$0x40E0]  }
0x362: {  	v17 =	vsub.f32 v32, v34;
	v12 =	vsub.f32 v2, v0;
	v22 =	vld [tilespmem:s0+$0x100E0]  }
0x363: {  	v11 =	vsub.f32 v1, v36;
	v32 =	vsub.f32 v37, v38;
	v33 =	vld [tilespmem:s0+$0x4080]  }
.Ltmp4:
0x364: {  	v34 =	vsub.f32 v39, v40;
	v14 =	vsub.f32 v41, v42;
	v37 =	vld [tilespmem:s0+$0x10080];
	(pc) =	sbr.rel @p0 .LBB2_10-.Ltmp4, $4  }
0x365: {  	v13 =	vsub.f32 v43, v44;
	v36 =	vsub.f32 v45, v46;
	v35 =	vld [tilespmem:s0+$0x4090]  }
0x366: {  	v38 =	vsub.f32 v47, v48;
	v21 =	vsub.f32 v49, v50;
	v41 =	vld [tilespmem:s0+$0x10090]  }
0x367: {  	v20 =	vsub.f32 v51, v52;
	v40 =	vsub.f32 v53, v54;
	v39 =	vld [tilespmem:s0+$0x40A0]  }
0x368: {  	s16 =	sadd.s32 $0x200, s16;
	v42 =	vsub.f32 v55, v56;
	v25 =	vsub.f32 v57, v58;
	v43 =	vld [tilespmem:s0+$0x100A0]  }
0x369: {  	v1 =	vsub.f32 v26, v28;
	v2 =	vmul.f32 v30, v30;
	v28 =	vmul.f32 v31, v31  }
0x36a: {  	v0 =	vld [tilespmem:s0+$0x40B0];
	v27 =	vsub.f32 v27, v29;
	v24 =	vmul.f32 v24, v24;
	v62 =	vmul.f32 v32, v32  }
0x36b: {  	v58 =	vld [tilespmem:s0+$0x100B0];
	v18 =	vsub.f32 v18, v23;
	v63 =	vmul.f32 v34, v34;
	v44 =	vmul.f32 v36, v36  }
0x36c: {  	v59 =	vld [tilespmem:s0+$0x40F0];
	v60 =	vsub.f32 v33, v37;
	v45 =	vmul.f32 v38, v38;
	v47 =	vmul.f32 v40, v40  }
0x36d: {  	v61 =	vld [tilespmem:s0+$0x100F0];
	v56 =	vmul.f32 v21, v21;
	v57 =	vmul.f32 v20, v20;
	v41 =	vsub.f32 v35, v41  }
0x36e: {  	v19 =	vsub.f32 v19, v22;
	v14 =	vmul.f32 v14, v14;
	v50 =	vmul.f32 v60, v60  }
0x36f: {  	v48 =	vmul.f32 v42, v42;
	v46 =	vsub.f32 v39, v43;
	v51 =	vmul.f32 v41, v41  }
0x370: {  	v49 =	vmul.f32 v27, v27;
	v6 =	vadd.f32 v50, v6;
	v0 =	vsub.f32 v0, v58  }
0x371: {  	v18 =	vmul.f32 v18, v18;
	v52 =	vmul.f32 v46, v46;
	v9 =	vadd.f32 v51, v9  }
0x372: {  	v23 =	vsub.f32 v59, v61;
	v6 =	vadd.f32 v49, v6;
	v0 =	vmul.f32 v0, v0  }
0x373: {  	v19 =	vmul.f32 v19, v19;
	v5 =	vadd.f32 v52, v5;
	v9 =	vadd.f32 v18, v9  }
0x374: {  	v53 =	vmul.f32 v23, v23;
	v6 =	vadd.f32 v47, v6;
	v0 =	vadd.f32 v0, v7  }
0x375: {  	v54 =	vmul.f32 v25, v25;
	v5 =	vadd.f32 v19, v5;
	v55 =	vadd.f32 v48, v9  }
0x376: {  	v1 =	vmul.f32 v1, v1;
	v6 =	vadd.f32 v44, v6;
	v0 =	vadd.f32 v53, v0  }
0x377: {  	v12 =	vmul.f32 v12, v12;
	v5 =	vadd.f32 v54, v5;
	v7 =	vadd.f32 v45, v55  }
0x378: {  	v10 =	vmul.f32 v10, v10;
	v6 =	vadd.f32 v62, v6;
	v0 =	vadd.f32 v1, v0  }
0x379: {  	v59 =	vmul.f32 v17, v17;
	v5 =	vadd.f32 v56, v5;
	v7 =	vadd.f32 v63, v7  }
0x37a: {  	v58 =	vmul.f32 v13, v13;
	v6 =	vadd.f32 v24, v6;
	v0 =	vadd.f32 v57, v0  }
0x37b: {  	v60 =	vmul.f32 v16, v16;
	v5 =	vadd.f32 v14, v5;
	v7 =	vadd.f32 v59, v7  }
0x37c: {  	v61 =	vmul.f32 v11, v11;
	v6 =	vadd.f32 v28, v6;
	v0 =	vadd.f32 v58, v0  }
0x37d: {  	v62 =	vmul.f32 v15, v15;
	v5 =	vadd.f32 v12, v5;
	v1 =	vadd.f32 v60, v7  }
0x37e: {  	v63 =	vmul.f32 v8, v8;
	v2 =	vadd.f32 v2, v6;
	v0 =	vadd.f32 v61, v0  }
0x37f: {  	v4 =	vmul.f32 v4, v4;
	v5 =	vadd.f32 v10, v5;
	v1 =	vadd.f32 v62, v1  }
0x380: {  	v0 =	vadd.f32 v63, v0  }
0x381: {  	v3 =	vmul.f32 v3, v3;
	v4 =	vadd.f32 v4, v5;
	v1 =	vadd.f32 v1, v2;
	_ =	sdelay $0x1  }
0x382: {  	v0 =	vadd.f32 v3, v0;
	v1 =	vadd.f32 v4, v1;
	_ =	sdelay $0x1  }
0x383: {  	s2 =	sadd.s32 $0x1, s2;
	v0 =	vadd.f32 v0, v1  }
0x384: {  	p0 =	sne.s32 s2, s13  }
.Ltmp5:
0x385: {  	s18 =	simm.s32 $0x18080;
	[tilespmem:$0x18080] =	vst v0;
	(pc) =	sbr.rel @p0 .LBB2_1-.Ltmp5, $4  }
0x386: {  	[hbm4b:s12+s3] =	stream.linear.scatter [tilespmem:s18], [sflag:$0x7], $0x80, $0x38;
	[tilespmem:$0x18100] =	vst v63  }
0x387: {  	_ =	swait.ge [sflag:s15], $0x80  }
0x388: {  	[sflag:s15] =	ssyncset.done $0x0  }
0x389: {  	[sflag:s15] =	ssyncadd.s32 $0xFFFFFF80  }
0x38a: {  	_ =	sfence.sel $0x180000  }
0x38b: {  	[bflag:$0x0] =	sbarrier.arrive $0xFFFF  }
0x38c: {  	_ =	strace $0x90000047  }
0x38d: {  	s0 =	stileid.u32;
	[bflag:$0x2] =	sbarrier.arrive $0xFFFF  }
0x38e: {  	p0 =	sne.s32 s0, $0x0;
	s0 =	rddreg [dreg:$0x4]  }
0x38f: {  	s0 =	sadd.s32 @!p0 $0x100000, s0  }
0x390: {  	[sflag:s0] =	ssyncadd.tile.s32 @!p0 $0x1;
	_ =	shalt  }
.Lfunc_end2:
_tile_overlayer_lowered:
.L_overlay_start_2:
0x391: {  	(tag) =	ssettag $0x2  }
0x392: {  	s0 =	rddreg [dreg:$0x0];
	s2 =	stileid.u32  }
0x393: {  	s1 =	rddreg [dreg:$0x1];
	p0 =	sne.s32 s2, $0x0  }
0x394: {  	s3 =	rddreg [dreg:$0x2];
	[bflag:$0x3] =	sbarrier.arrive $0xFFFF;
	s2 =	simm.s32 @!p0 $0x1C07  }
0x395: {  	[timem:s3], [sflag:s2] =	dma.local @!p0 [hbm:s0], s1  }
0x396: {  	s0 =	simm.s32 @!p0 $0x7  }
0x397: {  	_ =	swait.ge @!p0 [sflag:s0], s1  }
0x398: {  	s1 =	ssub.s32 @!p0 $0x0, s1;
	[sflag:s0] =	ssyncset.done @!p0 $0x0  }
0x399: {  	[sflag:s0] =	ssyncadd.s32 @!p0 s1  }
0x39a: {  	[bflag:$0x3] =	sbarrier.arrive $0xFFFF  }
0x39b: {  	_ =	shalt  }

</sc_bundles>
